<compile_context>
chip_gen: v7x
topology: tpu7x:2x2x1
jax: 0.10.2.dev20260603
libtpu: 0.0.44.dev20260713+nightly
codegen_flags: <defaults>
</compile_context>

<pallas_src>
import functools

import jax
import jax.numpy as jnp
from jax import lax
from jax.experimental import pallas as pl
from jax.experimental.pallas import tpu as pltpu
from jax.experimental.pallas import tpu_sc as plsc

N_NODES = 10000
D = 128
DH = D // 2
N_EDGES = 320000

NC = 2
NS = 16

NP = 10240
RPS = N_NODES // NS
CH = 128
NCH = 160
E_PAD = NS * NCH * CH
PAD_DST = N_NODES
NBUF = 4

BLK = 1000

_SC_PARAMS = pltpu.CompilerParams(use_tc_tiling_on_sc=False)
_mesh = plsc.VectorSubcoreMesh(core_axis_name="c", subcore_axis_name="s")


@functools.partial(
    pl.kernel,
    out_type=jax.ShapeDtypeStruct((N_NODES, 16), jnp.float32),
    mesh=_mesh,
    compiler_params=_SC_PARAMS,
    scratch_types=[
        pltpu.VMEM((NCH, CH), jnp.int32),
        pltpu.VMEM((CH, 16), jnp.float32),
        pltpu.VMEM_SHARED((NP, 16), jnp.float32),
        pltpu.SemaphoreType.DMA,
    ],
)
def _deg_sc(dst_hbm, z16_hbm, ones_hbm, out_hbm, didx, ones_v, acc_sh, sem):
    c = lax.axis_index("c")
    s = lax.axis_index("s")
    pltpu.sync_copy(dst_hbm.at[s], didx)
    pltpu.sync_copy(ones_hbm, ones_v)
    pltpu.sync_copy(z16_hbm.at[pl.ds(s * RPS, RPS)],
                    acc_sh.at[pl.ds(s * RPS, RPS)])
    plsc.subcore_barrier()

    @pl.loop(0, NCH, step=8)
    def _(j):
        for b in range(8):
            pltpu.async_copy(ones_v, acc_sh.at[didx.at[j + b]], sem, add=True)
        for b in range(8):
            pltpu.make_async_copy(ones_v, acc_sh.at[didx.at[j + b]], sem).wait()

    plsc.subcore_barrier()

    @pl.when(c == 0)
    def _():
        pltpu.sync_copy(acc_sh.at[pl.ds(s * RPS, RPS)],
                        out_hbm.at[pl.ds(s * RPS, RPS)])


@functools.partial(
    pl.kernel,
    out_type=jax.ShapeDtypeStruct((N_NODES, D), jnp.bfloat16),
    mesh=_mesh,
    compiler_params=_SC_PARAMS,
    scratch_types=[
        pltpu.VMEM((NCH, CH), jnp.int32),
        pltpu.VMEM((NCH, CH), jnp.int32),
        [pltpu.VMEM((CH, DH), jnp.bfloat16)] * NBUF,
        pltpu.VMEM_SHARED((N_NODES, DH), jnp.bfloat16),
        pltpu.VMEM_SHARED((NP, DH), jnp.bfloat16),
        [pltpu.SemaphoreType.DMA] * NBUF,
        [pltpu.SemaphoreType.DMA] * NBUF,
    ],
)
def _prop_sc(h_hbm, src_hbm, dst_hbm, out_hbm,
             sidx, didx, rows, h_sh, acc_sh, gsem, ssem):
    c = lax.axis_index("c")
    s = lax.axis_index("s")
    r0 = s * RPS
    cols = pl.ds(c * DH, DH)

    pltpu.async_copy(src_hbm.at[s], sidx, gsem[0])
    pltpu.async_copy(dst_hbm.at[s], didx, gsem[1])
    pltpu.async_copy(h_hbm.at[pl.ds(r0, RPS), cols],
                     h_sh.at[pl.ds(r0, RPS)], gsem[2])
    pltpu.async_copy(h_hbm.at[pl.ds(r0, RPS), cols],
                     acc_sh.at[pl.ds(r0, RPS)], gsem[3])
    pltpu.make_async_copy(src_hbm.at[s], sidx, gsem[0]).wait()
    pltpu.make_async_copy(dst_hbm.at[s], didx, gsem[1]).wait()
    pltpu.make_async_copy(h_hbm.at[pl.ds(r0, RPS), cols],
                          h_sh.at[pl.ds(r0, RPS)], gsem[2]).wait()
    pltpu.make_async_copy(h_hbm.at[pl.ds(r0, RPS), cols],
                          acc_sh.at[pl.ds(r0, RPS)], gsem[3]).wait()
    plsc.subcore_barrier()

    def g_start(chunk, b):
        pltpu.async_copy(h_sh.at[sidx.at[chunk]], rows[b], gsem[b])

    def g_wait(chunk, b):
        pltpu.make_async_copy(h_sh.at[sidx.at[chunk]], rows[b], gsem[b]).wait()

    def s_start(chunk, b):
        pltpu.async_copy(rows[b], acc_sh.at[didx.at[chunk]], ssem[b], add=True)

    def s_wait(chunk, b):
        pltpu.make_async_copy(rows[b], acc_sh.at[didx.at[chunk]],
                              ssem[b]).wait()

    g_start(0, 0)
    g_start(1, 1)

    @pl.loop(0, NCH, step=NBUF)
    def _(j):
        for b in range(NBUF):
            ch = j + b

            @pl.when(ch >= 2)
            def _():
                s_wait(ch - 2, (b + 2) % NBUF)

            @pl.when(ch + 2 < NCH)
            def _():
                g_start(ch + 2, (b + 2) % NBUF)

            g_wait(ch, b)
            s_start(ch, b)

    s_wait(NCH - 2, (NCH - 2) % NBUF)
    s_wait(NCH - 1, (NCH - 1) % NBUF)

    plsc.subcore_barrier()
    for k in range(5):
        n = min(CH, RPS - k * CH)
        pltpu.sync_copy(acc_sh.at[pl.ds(r0 + k * CH, n)],
                        rows[k % 2].at[pl.ds(0, n)])
        pltpu.sync_copy(rows[k % 2].at[pl.ds(0, n)],
                        out_hbm.at[pl.ds(r0 + k * CH, n), cols])


def _dinv_of(dg_ref):
    deg = dg_ref[:, 0:1] + 1.0
    return lax.rsqrt(deg)


def _mm1_body(x_ref, w_ref, dg_ref, o_ref):
    h = jnp.dot(x_ref[...], w_ref[...],
                preferred_element_type=jnp.float32) * _dinv_of(dg_ref)
    o_ref[...] = h.astype(jnp.bfloat16)


def _fuse2_body(a_ref, dg_ref, b_ref, w_ref, o_ref):
    dinv = _dinv_of(dg_ref)
    a = a_ref[...].astype(jnp.float32)
    z = jnp.maximum(dinv * a + b_ref[...], 0.0)
    h = jnp.dot(z, w_ref[...], preferred_element_type=jnp.float32) * dinv
    o_ref[...] = h.astype(jnp.bfloat16)


def _out_body(a_ref, dg_ref, b_ref, o_ref):
    a = a_ref[...].astype(jnp.float32)
    o_ref[...] = _dinv_of(dg_ref) * a + b_ref[...]


def _row_spec(width):
    return pl.BlockSpec((BLK, width), lambda i: (i, 0))


def _const_spec(shape):
    return pl.BlockSpec(shape, lambda i: (0, 0))


_FULL32 = jax.ShapeDtypeStruct((N_NODES, D), jnp.float32)
_FULL16 = jax.ShapeDtypeStruct((N_NODES, D), jnp.bfloat16)
_GRID = (N_NODES // BLK,)

_mm1_tc = pl.pallas_call(
    _mm1_body,
    grid=_GRID,
    in_specs=[_row_spec(D), _const_spec((D, D)), _row_spec(16)],
    out_specs=_row_spec(D),
    out_shape=_FULL16,
)

_fuse2_tc = pl.pallas_call(
    _fuse2_body,
    grid=_GRID,
    in_specs=[_row_spec(D), _row_spec(16), _const_spec((1, D)),
              _const_spec((D, D))],
    out_specs=_row_spec(D),
    out_shape=_FULL16,
)

_out_tc = pl.pallas_call(
    _out_body,
    grid=_GRID,
    in_specs=[_row_spec(D), _row_spec(16), _const_spec((1, D))],
    out_specs=_row_spec(D),
    out_shape=_FULL32,
)


def kernel(x, edge_index, W1, b1, W2, b2):
    ei = edge_index.astype(jnp.int32)
    pad = E_PAD - N_EDGES
    src = jnp.concatenate([ei[0], jnp.zeros((pad,), jnp.int32)])
    dst = jnp.concatenate([ei[1], jnp.full((pad,), PAD_DST, jnp.int32)])
    src_r = src.reshape(NS, NCH, CH)
    dst_r = dst.reshape(NS, NCH, CH)

    z16 = jnp.zeros((N_NODES, 16), jnp.float32)
    ones16 = jnp.ones((CH, 16), jnp.float32)
    b1r = b1.reshape(1, D)
    b2r = b2.reshape(1, D)

    dg = _deg_sc(dst_r, z16, ones16)

    h1p = _mm1_tc(x, W1, dg)
    acc1 = _prop_sc(h1p, src_r, dst_r)
    h2p = _fuse2_tc(acc1, dg, b1r, W2)
    acc2 = _prop_sc(h2p, src_r, dst_r)
    return _out_tc(acc2, dg, b2r)

# --- scband reference (transcript-rebuilt; emitter-appended) ---
"""Pipeline reference for scband-link-prediction-model-730144441187 (READ-ONLY COPY).

The authoritative reference and input builder live on the scoring server;
editing this copy changes nothing except your own understanding.
"""

import jax, jax.numpy as jnp
import numpy as np

N_NODES = 10000
D_IN = 128
D_HID = 128
N_EDGES = 320000


def gcn_conv(x, edge_index, W, b, num_nodes):
    # Faithful GCNConv: x' = D^{-1/2} (A + I) D^{-1/2} (X W) + b
    src = edge_index[0]
    dst = edge_index[1]
    loop = jnp.arange(num_nodes, dtype=edge_index.dtype)
    src = jnp.concatenate([src, loop])
    dst = jnp.concatenate([dst, loop])
    h = x @ W
    deg = jnp.zeros((num_nodes,), dtype=h.dtype).at[dst].add(1.0)
    dinv = jnp.where(deg > 0, 1.0 / jnp.sqrt(deg), 0.0)
    norm = dinv[src] * dinv[dst]
    msg = h[src] * norm[:, None]
    out = jnp.zeros((num_nodes, h.shape[1]), dtype=h.dtype).at[dst].add(msg)
    return out + b


def setup_inputs(seed: int = 0) -> dict:
    key = jax.random.key(seed)
    k1, k2, k3, k4, k5, k6 = jax.random.split(key, 6)
    x = jax.random.normal(k1, (N_NODES, D_IN), dtype=jnp.float32)
    edge_index = jax.random.randint(k2, (2, N_EDGES), 0, N_NODES, dtype=jnp.int64)
    s1 = 1.0 / np.sqrt(D_IN)
    s2 = 1.0 / np.sqrt(D_HID)
    W1 = jax.random.uniform(k3, (D_IN, D_HID), dtype=jnp.float32, minval=-s1, maxval=s1)
    b1 = jax.random.uniform(k4, (D_HID,), dtype=jnp.float32, minval=-s1, maxval=s1)
    W2 = jax.random.uniform(k5, (D_HID, D_HID), dtype=jnp.float32, minval=-s2, maxval=s2)
    b2 = jax.random.uniform(k6, (D_HID,), dtype=jnp.float32, minval=-s2, maxval=s2)
    return {"x": x, "edge_index": edge_index, "W1": W1, "b1": b1, "W2": W2, "b2": b2}


def reference(x, edge_index, W1, b1, W2, b2):
    h = gcn_conv(x, edge_index, W1, b1, N_NODES)
    h = jax.nn.relu(h)
    # F.dropout(training=self.training) is identity in eval mode
    out = gcn_conv(h, edge_index, W2, b2, N_NODES)
    return out

if __name__ == "__main__":
    import jax
    _d = setup_inputs()
    print(jax.jit(kernel)(*tuple(_d.values())))

</pallas_src>

<mosaic_0001>
#map = affine_map<(d0, d1) -> (0, 0)>
#map1 = affine_map<(d0, d1) -> (0, 0, 0)>
module attributes {stable_mosaic.version = 14 : i64} {
  func.func @_prop_sc(%arg0: i32, %arg1: i32, %arg2: memref<10000x128xbf16, #tpu.memory_space<hbm>>, %arg3: memref<16x160x128xi32, #tpu.memory_space<hbm>>, %arg4: memref<16x160x128xi32, #tpu.memory_space<hbm>>, %arg5: memref<10000x128xbf16, #tpu.memory_space<hbm>>, %arg6: memref<160x128xi32, #tpu.memory_space<vmem>>, %arg7: memref<160x128xi32, #tpu.memory_space<vmem>>, %arg8: memref<128x64xbf16, #tpu.memory_space<vmem>>, %arg9: memref<128x64xbf16, #tpu.memory_space<vmem>>, %arg10: memref<128x64xbf16, #tpu.memory_space<vmem>>, %arg11: memref<128x64xbf16, #tpu.memory_space<vmem>>, %arg12: memref<10000x64xbf16, #tpu.memory_space<vmem_shared>>, %arg13: memref<10240x64xbf16, #tpu.memory_space<vmem_shared>>, %arg14: memref<!tpu.dma_semaphore, #tpu.memory_space<semaphore_mem>>, %arg15: memref<!tpu.dma_semaphore, #tpu.memory_space<semaphore_mem>>, %arg16: memref<!tpu.dma_semaphore, #tpu.memory_space<semaphore_mem>>, %arg17: memref<!tpu.dma_semaphore, #tpu.memory_space<semaphore_mem>>, %arg18: memref<!tpu.dma_semaphore, #tpu.memory_space<semaphore_mem>>, %arg19: memref<!tpu.dma_semaphore, #tpu.memory_space<semaphore_mem>>, %arg20: memref<!tpu.dma_semaphore, #tpu.memory_space<semaphore_mem>>, %arg21: memref<!tpu.dma_semaphore, #tpu.memory_space<semaphore_mem>>) attributes {dimension_semantics = [#tpu.dimension_semantics<core_parallel>, #tpu.dimension_semantics<subcore_parallel>], iteration_bounds = array<i64: 2, 16>, scalar_prefetch = 0 : i64, scratch_operands = 16 : i64, tpu.core_type = #tpu.core_type<sc_vector_subcore>, window_params = [{transform_indices = #map}, {transform_indices = #map1}, {transform_indices = #map1}, {transform_indices = #map}]} {
    %mul3A = arith.constant 625 : i32
    %mul3A_0 = arith.muli %arg1, %mul3A : i32
    %mul3A_1 = arith.constant 64 : i32
    %mul3A_2 = arith.muli %arg0, %mul3A_1 : i32
    %dma_start3A = arith.constant 0 : i32
    %dma_start3A_3 = arith.constant 0 : i32
    %dma_start3A_4 = tpu.memref_slice %arg3[%arg1, %dma_start3A, %dma_start3A_3] : memref<16x160x128xi32, #tpu.memory_space<hbm>> -> memref<1x160x128xi32, #tpu.memory_space<hbm>>
    %dma_start3A_5 = tpu.memref_squeeze %dma_start3A_4 : memref<1x160x128xi32, #tpu.memory_space<hbm>> -> memref<160x128xi32, #tpu.memory_space<hbm>>
    %dma_start3A_6 = arith.constant 0 : i32
    %dma_start3A_7 = arith.constant 0 : i32
    %dma_start3A_8 = tpu.memref_slice %arg3[%arg1, %dma_start3A_6, %dma_start3A_7] : memref<16x160x128xi32, #tpu.memory_space<hbm>> -> memref<1x160x128xi32, #tpu.memory_space<hbm>>
    %dma_start3A_9 = tpu.memref_squeeze %dma_start3A_8 : memref<1x160x128xi32, #tpu.memory_space<hbm>> -> memref<160x128xi32, #tpu.memory_space<hbm>>
    tpu.enqueue_dma source(%dma_start3A_9 : memref<160x128xi32, #tpu.memory_space<hbm>>) target(%arg6 : memref<160x128xi32, #tpu.memory_space<vmem>>) target_semaphore(%arg14 : memref<!tpu.dma_semaphore, #tpu.memory_space<semaphore_mem>>)
    %dma_start3A_10 = arith.constant 0 : i32
    %dma_start3A_11 = arith.constant 0 : i32
    %dma_start3A_12 = tpu.memref_slice %arg4[%arg1, %dma_start3A_10, %dma_start3A_11] : memref<16x160x128xi32, #tpu.memory_space<hbm>> -> memref<1x160x128xi32, #tpu.memory_space<hbm>>
    %dma_start3A_13 = tpu.memref_squeeze %dma_start3A_12 : memref<1x160x128xi32, #tpu.memory_space<hbm>> -> memref<160x128xi32, #tpu.memory_space<hbm>>
    %dma_start3A_14 = arith.constant 0 : i32
    %dma_start3A_15 = arith.constant 0 : i32
    %dma_start3A_16 = tpu.memref_slice %arg4[%arg1, %dma_start3A_14, %dma_start3A_15] : memref<16x160x128xi32, #tpu.memory_space<hbm>> -> memref<1x160x128xi32, #tpu.memory_space<hbm>>
    %dma_start3A_17 = tpu.memref_squeeze %dma_start3A_16 : memref<1x160x128xi32, #tpu.memory_space<hbm>> -> memref<160x128xi32, #tpu.memory_space<hbm>>
    tpu.enqueue_dma source(%dma_start3A_17 : memref<160x128xi32, #tpu.memory_space<hbm>>) target(%arg7 : memref<160x128xi32, #tpu.memory_space<vmem>>) target_semaphore(%arg15 : memref<!tpu.dma_semaphore, #tpu.memory_space<semaphore_mem>>)
    %dma_start3A_18 = arith.constant 0 : i32
    %dma_start3A_19 = tpu.memref_slice %arg12[%mul3A_0, %dma_start3A_18] : memref<10000x64xbf16, #tpu.memory_space<vmem_shared>> -> memref<625x64xbf16, #tpu.memory_space<vmem_shared>>
    %dma_start3A_20 = tpu.memref_slice %arg2[%mul3A_0, %mul3A_2] : memref<10000x128xbf16, #tpu.memory_space<hbm>> -> memref<625x64xbf16, #tpu.memory_space<hbm>>
    tpu.enqueue_dma source(%dma_start3A_20 : memref<625x64xbf16, #tpu.memory_space<hbm>>) target(%dma_start3A_19 : memref<625x64xbf16, #tpu.memory_space<vmem_shared>>) target_semaphore(%arg16 : memref<!tpu.dma_semaphore, #tpu.memory_space<semaphore_mem>>)
    %dma_start3A_21 = arith.constant 0 : i32
    %dma_start3A_22 = tpu.memref_slice %arg13[%mul3A_0, %dma_start3A_21] : memref<10240x64xbf16, #tpu.memory_space<vmem_shared>> -> memref<625x64xbf16, #tpu.memory_space<vmem_shared>>
    %dma_start3A_23 = tpu.memref_slice %arg2[%mul3A_0, %mul3A_2] : memref<10000x128xbf16, #tpu.memory_space<hbm>> -> memref<625x64xbf16, #tpu.memory_space<hbm>>
    tpu.enqueue_dma source(%dma_start3A_23 : memref<625x64xbf16, #tpu.memory_space<hbm>>) target(%dma_start3A_22 : memref<625x64xbf16, #tpu.memory_space<vmem_shared>>) target_semaphore(%arg17 : memref<!tpu.dma_semaphore, #tpu.memory_space<semaphore_mem>>)
    %dma_wait3A = arith.constant 0 : i32
    %dma_wait3A_24 = arith.constant 0 : i32
    %dma_wait3A_25 = tpu.memref_slice %arg3[%arg1, %dma_wait3A, %dma_wait3A_24] : memref<16x160x128xi32, #tpu.memory_space<hbm>> -> memref<1x160x128xi32, #tpu.memory_space<hbm>>
    %dma_wait3A_26 = tpu.memref_squeeze %dma_wait3A_25 : memref<1x160x128xi32, #tpu.memory_space<hbm>> -> memref<160x128xi32, #tpu.memory_space<hbm>>
    %dma_wait3A_27 = arith.constant 0 : i32
    %dma_wait3A_28 = arith.constant 0 : i32
    %dma_wait3A_29 = tpu.memref_slice %arg3[%arg1, %dma_wait3A_27, %dma_wait3A_28] : memref<16x160x128xi32, #tpu.memory_space<hbm>> -> memref<1x160x128xi32, #tpu.memory_space<hbm>>
    %dma_wait3A_30 = tpu.memref_squeeze %dma_wait3A_29 : memref<1x160x128xi32, #tpu.memory_space<hbm>> -> memref<160x128xi32, #tpu.memory_space<hbm>>
    tpu.wait_dma2 semaphore(%arg14 : memref<!tpu.dma_semaphore, #tpu.memory_space<semaphore_mem>>) src(%dma_wait3A_30 : memref<160x128xi32, #tpu.memory_space<hbm>>) dst(%arg6 : memref<160x128xi32, #tpu.memory_space<vmem>>)
    %dma_wait3A_31 = arith.constant 0 : i32
    %dma_wait3A_32 = arith.constant 0 : i32
    %dma_wait3A_33 = tpu.memref_slice %arg4[%arg1, %dma_wait3A_31, %dma_wait3A_32] : memref<16x160x128xi32, #tpu.memory_space<hbm>> -> memref<1x160x128xi32, #tpu.memory_space<hbm>>
    %dma_wait3A_34 = tpu.memref_squeeze %dma_wait3A_33 : memref<1x160x128xi32, #tpu.memory_space<hbm>> -> memref<160x128xi32, #tpu.memory_space<hbm>>
    %dma_wait3A_35 = arith.constant 0 : i32
    %dma_wait3A_36 = arith.constant 0 : i32
    %dma_wait3A_37 = tpu.memref_slice %arg4[%arg1, %dma_wait3A_35, %dma_wait3A_36] : memref<16x160x128xi32, #tpu.memory_space<hbm>> -> memref<1x160x128xi32, #tpu.memory_space<hbm>>
    %dma_wait3A_38 = tpu.memref_squeeze %dma_wait3A_37 : memref<1x160x128xi32, #tpu.memory_space<hbm>> -> memref<160x128xi32, #tpu.memory_space<hbm>>
    tpu.wait_dma2 semaphore(%arg15 : memref<!tpu.dma_semaphore, #tpu.memory_space<semaphore_mem>>) src(%dma_wait3A_38 : memref<160x128xi32, #tpu.memory_space<hbm>>) dst(%arg7 : memref<160x128xi32, #tpu.memory_space<vmem>>)
    %dma_wait3A_39 = arith.constant 0 : i32
    %dma_wait3A_40 = tpu.memref_slice %arg12[%mul3A_0, %dma_wait3A_39] : memref<10000x64xbf16, #tpu.memory_space<vmem_shared>> -> memref<625x64xbf16, #tpu.memory_space<vmem_shared>>
    %dma_wait3A_41 = tpu.memref_slice %arg2[%mul3A_0, %mul3A_2] : memref<10000x128xbf16, #tpu.memory_space<hbm>> -> memref<625x64xbf16, #tpu.memory_space<hbm>>
    tpu.wait_dma2 semaphore(%arg16 : memref<!tpu.dma_semaphore, #tpu.memory_space<semaphore_mem>>) src(%dma_wait3A_41 : memref<625x64xbf16, #tpu.memory_space<hbm>>) dst(%dma_wait3A_40 : memref<625x64xbf16, #tpu.memory_space<vmem_shared>>)
    %dma_wait3A_42 = arith.constant 0 : i32
    %dma_wait3A_43 = tpu.memref_slice %arg13[%mul3A_0, %dma_wait3A_42] : memref<10240x64xbf16, #tpu.memory_space<vmem_shared>> -> memref<625x64xbf16, #tpu.memory_space<vmem_shared>>
    %dma_wait3A_44 = tpu.memref_slice %arg2[%mul3A_0, %mul3A_2] : memref<10000x128xbf16, #tpu.memory_space<hbm>> -> memref<625x64xbf16, #tpu.memory_space<hbm>>
    tpu.wait_dma2 semaphore(%arg17 : memref<!tpu.dma_semaphore, #tpu.memory_space<semaphore_mem>>) src(%dma_wait3A_44 : memref<625x64xbf16, #tpu.memory_space<hbm>>) dst(%dma_wait3A_43 : memref<625x64xbf16, #tpu.memory_space<vmem_shared>>)
    %barrier3A = arith.constant 0 : index
    tpu.barrier barrier_id(%barrier3A)
    %dma_start3A_45 = arith.constant 0 : i32
    %dma_start3A_46 = arith.constant 0 : i32
    %dma_start3A_47 = tpu.memref_slice %arg6[%dma_start3A_45, %dma_start3A_46] : memref<160x128xi32, #tpu.memory_space<vmem>> -> memref<1x128xi32, #tpu.memory_space<vmem>>
    %dma_start3A_48 = tpu.memref_squeeze %dma_start3A_47 : memref<1x128xi32, #tpu.memory_space<vmem>> -> memref<128xi32, #tpu.memory_space<vmem>>
    %dma_start3A_49 = arith.constant 0 : i32
    %dma_start3A_50 = arith.constant 0 : i32
    %dma_start3A_51 = tpu.memref_slice %arg12[%dma_start3A_49, %dma_start3A_50] : memref<10000x64xbf16, #tpu.memory_space<vmem_shared>> -> memref<10000x64xbf16, #tpu.memory_space<vmem_shared>>
    tpu.enqueue_indirect_dma source(%dma_start3A_51 : memref<10000x64xbf16, #tpu.memory_space<vmem_shared>>) target(%arg8 : memref<128x64xbf16, #tpu.memory_space<vmem>>) offsets(%dma_start3A_48 : memref<128xi32, #tpu.memory_space<vmem>>) semaphore(%arg14 : memref<!tpu.dma_semaphore, #tpu.memory_space<semaphore_mem>>)
    %dma_start3A_52 = arith.constant 1 : i32
    %dma_start3A_53 = arith.constant 0 : i32
    %dma_start3A_54 = tpu.memref_slice %arg6[%dma_start3A_52, %dma_start3A_53] : memref<160x128xi32, #tpu.memory_space<vmem>> -> memref<1x128xi32, #tpu.memory_space<vmem>>
    %dma_start3A_55 = tpu.memref_squeeze %dma_start3A_54 : memref<1x128xi32, #tpu.memory_space<vmem>> -> memref<128xi32, #tpu.memory_space<vmem>>
    %dma_start3A_56 = arith.constant 0 : i32
    %dma_start3A_57 = arith.constant 0 : i32
    %dma_start3A_58 = tpu.memref_slice %arg12[%dma_start3A_56, %dma_start3A_57] : memref<10000x64xbf16, #tpu.memory_space<vmem_shared>> -> memref<10000x64xbf16, #tpu.memory_space<vmem_shared>>
    tpu.enqueue_indirect_dma source(%dma_start3A_58 : memref<10000x64xbf16, #tpu.memory_space<vmem_shared>>) target(%arg9 : memref<128x64xbf16, #tpu.memory_space<vmem>>) offsets(%dma_start3A_55 : memref<128xi32, #tpu.memory_space<vmem>>) semaphore(%arg15 : memref<!tpu.dma_semaphore, #tpu.memory_space<semaphore_mem>>)
    %scan3A = arith.constant 0 : i32
    %scan3A_59 = arith.constant 40 : i32
    %scan3A_60 = arith.addi %scan3A, %scan3A_59 : i32
    %scan3A_61 = arith.constant 1 : i32
    scf.for %scan3A_97 = %scan3A to %scan3A_60 step %scan3A_61  : i32 {
      %mul3A_98 = arith.constant 4 : i32
      %mul3A_99 = arith.muli %scan3A_97, %mul3A_98 : i32
      %add3A_100 = arith.constant 0 : i32
      %add3A_101 = arith.addi %add3A_100, %mul3A_99 : i32
      %add3A_102 = arith.constant 0 : i32
      %add3A_103 = arith.addi %add3A_101, %add3A_102 : i32
      %ge3A = arith.constant 2 : i32
      %ge3A_104 = arith.cmpi sge, %add3A_103, %ge3A : i32
      %convert_element_type3A = arith.extui %ge3A_104 : i1 to i32
      %cond3A = arith.constant 0 : i32
      %cond3A_105 = arith.cmpi ne, %convert_element_type3A, %cond3A : i32
      scf.if %cond3A_105 {
        %sub3A = arith.constant 2 : i32
        %sub3A_202 = arith.subi %add3A_103, %sub3A : i32
        %dma_wait3A_203 = arith.constant 0 : i32
        %dma_wait3A_204 = tpu.memref_slice %arg7[%sub3A_202, %dma_wait3A_203] : memref<160x128xi32, #tpu.memory_space<vmem>> -> memref<1x128xi32, #tpu.memory_space<vmem>>
        %dma_wait3A_205 = tpu.memref_squeeze %dma_wait3A_204 : memref<1x128xi32, #tpu.memory_space<vmem>> -> memref<128xi32, #tpu.memory_space<vmem>>
        %dma_wait3A_206 = arith.constant 0 : i32
        %dma_wait3A_207 = arith.constant 0 : i32
        %dma_wait3A_208 = tpu.memref_slice %arg13[%dma_wait3A_206, %dma_wait3A_207] : memref<10240x64xbf16, #tpu.memory_space<vmem_shared>> -> memref<10240x64xbf16, #tpu.memory_space<vmem_shared>>
        tpu.wait_indirect_dma semaphore(%arg20 : memref<!tpu.dma_semaphore, #tpu.memory_space<semaphore_mem>>) src(%arg10 : memref<128x64xbf16, #tpu.memory_space<vmem>>) dst(%dma_wait3A_208 : memref<10240x64xbf16, #tpu.memory_space<vmem_shared>>)
      } else {
      }
      %add3A_106 = arith.constant 2 : i32
      %add3A_107 = arith.addi %add3A_103, %add3A_106 : i32
      %lt3A = arith.constant 160 : i32
      %lt3A_108 = arith.cmpi slt, %add3A_107, %lt3A : i32
      %convert_element_type3A_109 = arith.extui %lt3A_108 : i1 to i32
      %cond3A_110 = arith.constant 0 : i32
      %cond3A_111 = arith.cmpi ne, %convert_element_type3A_109, %cond3A_110 : i32
      scf.if %cond3A_111 {
        %add3A_202 = arith.constant 2 : i32
        %add3A_203 = arith.addi %add3A_103, %add3A_202 : i32
        %dma_start3A_204 = arith.constant 0 : i32
        %dma_start3A_205 = tpu.memref_slice %arg6[%add3A_203, %dma_start3A_204] : memref<160x128xi32, #tpu.memory_space<vmem>> -> memref<1x128xi32, #tpu.memory_space<vmem>>
        %dma_start3A_206 = tpu.memref_squeeze %dma_start3A_205 : memref<1x128xi32, #tpu.memory_space<vmem>> -> memref<128xi32, #tpu.memory_space<vmem>>
        %dma_start3A_207 = arith.constant 0 : i32
        %dma_start3A_208 = arith.constant 0 : i32
        %dma_start3A_209 = tpu.memref_slice %arg12[%dma_start3A_207, %dma_start3A_208] : memref<10000x64xbf16, #tpu.memory_space<vmem_shared>> -> memref<10000x64xbf16, #tpu.memory_space<vmem_shared>>
        tpu.enqueue_indirect_dma source(%dma_start3A_209 : memref<10000x64xbf16, #tpu.memory_space<vmem_shared>>) target(%arg10 : memref<128x64xbf16, #tpu.memory_space<vmem>>) offsets(%dma_start3A_206 : memref<128xi32, #tpu.memory_space<vmem>>) semaphore(%arg16 : memref<!tpu.dma_semaphore, #tpu.memory_space<semaphore_mem>>)
      } else {
      }
      %dma_wait3A_112 = arith.constant 0 : i32
      %dma_wait3A_113 = tpu.memref_slice %arg6[%add3A_103, %dma_wait3A_112] : memref<160x128xi32, #tpu.memory_space<vmem>> -> memref<1x128xi32, #tpu.memory_space<vmem>>
      %dma_wait3A_114 = tpu.memref_squeeze %dma_wait3A_113 : memref<1x128xi32, #tpu.memory_space<vmem>> -> memref<128xi32, #tpu.memory_space<vmem>>
      %dma_wait3A_115 = arith.constant 0 : i32
      %dma_wait3A_116 = arith.constant 0 : i32
      %dma_wait3A_117 = tpu.memref_slice %arg12[%dma_wait3A_115, %dma_wait3A_116] : memref<10000x64xbf16, #tpu.memory_space<vmem_shared>> -> memref<10000x64xbf16, #tpu.memory_space<vmem_shared>>
      tpu.wait_indirect_dma semaphore(%arg14 : memref<!tpu.dma_semaphore, #tpu.memory_space<semaphore_mem>>) src(%dma_wait3A_117 : memref<10000x64xbf16, #tpu.memory_space<vmem_shared>>) dst(%arg8 : memref<128x64xbf16, #tpu.memory_space<vmem>>)
      %dma_start3A_118 = arith.constant 0 : i32
      %dma_start3A_119 = tpu.memref_slice %arg7[%add3A_103, %dma_start3A_118] : memref<160x128xi32, #tpu.memory_space<vmem>> -> memref<1x128xi32, #tpu.memory_space<vmem>>
      %dma_start3A_120 = tpu.memref_squeeze %dma_start3A_119 : memref<1x128xi32, #tpu.memory_space<vmem>> -> memref<128xi32, #tpu.memory_space<vmem>>
      %dma_start3A_121 = arith.constant 0 : i32
      %dma_start3A_122 = arith.constant 0 : i32
      %dma_start3A_123 = tpu.memref_slice %arg13[%dma_start3A_121, %dma_start3A_122] : memref<10240x64xbf16, #tpu.memory_space<vmem_shared>> -> memref<10240x64xbf16, #tpu.memory_space<vmem_shared>>
      tpu.enqueue_indirect_dma source(%arg8 : memref<128x64xbf16, #tpu.memory_space<vmem>>) target(%dma_start3A_123 : memref<10240x64xbf16, #tpu.memory_space<vmem_shared>>) offsets(%dma_start3A_120 : memref<128xi32, #tpu.memory_space<vmem>>) semaphore(%arg18 : memref<!tpu.dma_semaphore, #tpu.memory_space<semaphore_mem>>) {add = true}
      %add3A_124 = arith.constant 1 : i32
      %add3A_125 = arith.addi %add3A_101, %add3A_124 : i32
      %ge3A_126 = arith.constant 2 : i32
      %ge3A_127 = arith.cmpi sge, %add3A_125, %ge3A_126 : i32
      %convert_element_type3A_128 = arith.extui %ge3A_127 : i1 to i32
      %cond3A_129 = arith.constant 0 : i32
      %cond3A_130 = arith.cmpi ne, %convert_element_type3A_128, %cond3A_129 : i32
      scf.if %cond3A_130 {
        %sub3A = arith.constant 2 : i32
        %sub3A_202 = arith.subi %add3A_125, %sub3A : i32
        %dma_wait3A_203 = arith.constant 0 : i32
        %dma_wait3A_204 = tpu.memref_slice %arg7[%sub3A_202, %dma_wait3A_203] : memref<160x128xi32, #tpu.memory_space<vmem>> -> memref<1x128xi32, #tpu.memory_space<vmem>>
        %dma_wait3A_205 = tpu.memref_squeeze %dma_wait3A_204 : memref<1x128xi32, #tpu.memory_space<vmem>> -> memref<128xi32, #tpu.memory_space<vmem>>
        %dma_wait3A_206 = arith.constant 0 : i32
        %dma_wait3A_207 = arith.constant 0 : i32
        %dma_wait3A_208 = tpu.memref_slice %arg13[%dma_wait3A_206, %dma_wait3A_207] : memref<10240x64xbf16, #tpu.memory_space<vmem_shared>> -> memref<10240x64xbf16, #tpu.memory_space<vmem_shared>>
        tpu.wait_indirect_dma semaphore(%arg21 : memref<!tpu.dma_semaphore, #tpu.memory_space<semaphore_mem>>) src(%arg11 : memref<128x64xbf16, #tpu.memory_space<vmem>>) dst(%dma_wait3A_208 : memref<10240x64xbf16, #tpu.memory_space<vmem_shared>>)
      } else {
      }
      %add3A_131 = arith.constant 2 : i32
      %add3A_132 = arith.addi %add3A_125, %add3A_131 : i32
      %lt3A_133 = arith.constant 160 : i32
      %lt3A_134 = arith.cmpi slt, %add3A_132, %lt3A_133 : i32
      %convert_element_type3A_135 = arith.extui %lt3A_134 : i1 to i32
      %cond3A_136 = arith.constant 0 : i32
      %cond3A_137 = arith.cmpi ne, %convert_element_type3A_135, %cond3A_136 : i32
      scf.if %cond3A_137 {
        %add3A_202 = arith.constant 2 : i32
        %add3A_203 = arith.addi %add3A_125, %add3A_202 : i32
        %dma_start3A_204 = arith.constant 0 : i32
        %dma_start3A_205 = tpu.memref_slice %arg6[%add3A_203, %dma_start3A_204] : memref<160x128xi32, #tpu.memory_space<vmem>> -> memref<1x128xi32, #tpu.memory_space<vmem>>
        %dma_start3A_206 = tpu.memref_squeeze %dma_start3A_205 : memref<1x128xi32, #tpu.memory_space<vmem>> -> memref<128xi32, #tpu.memory_space<vmem>>
        %dma_start3A_207 = arith.constant 0 : i32
        %dma_start3A_208 = arith.constant 0 : i32
        %dma_start3A_209 = tpu.memref_slice %arg12[%dma_start3A_207, %dma_start3A_208] : memref<10000x64xbf16, #tpu.memory_space<vmem_shared>> -> memref<10000x64xbf16, #tpu.memory_space<vmem_shared>>
        tpu.enqueue_indirect_dma source(%dma_start3A_209 : memref<10000x64xbf16, #tpu.memory_space<vmem_shared>>) target(%arg11 : memref<128x64xbf16, #tpu.memory_space<vmem>>) offsets(%dma_start3A_206 : memref<128xi32, #tpu.memory_space<vmem>>) semaphore(%arg17 : memref<!tpu.dma_semaphore, #tpu.memory_space<semaphore_mem>>)
      } else {
      }
      %dma_wait3A_138 = arith.constant 0 : i32
      %dma_wait3A_139 = tpu.memref_slice %arg6[%add3A_125, %dma_wait3A_138] : memref<160x128xi32, #tpu.memory_space<vmem>> -> memref<1x128xi32, #tpu.memory_space<vmem>>
      %dma_wait3A_140 = tpu.memref_squeeze %dma_wait3A_139 : memref<1x128xi32, #tpu.memory_space<vmem>> -> memref<128xi32, #tpu.memory_space<vmem>>
      %dma_wait3A_141 = arith.constant 0 : i32
      %dma_wait3A_142 = arith.constant 0 : i32
      %dma_wait3A_143 = tpu.memref_slice %arg12[%dma_wait3A_141, %dma_wait3A_142] : memref<10000x64xbf16, #tpu.memory_space<vmem_shared>> -> memref<10000x64xbf16, #tpu.memory_space<vmem_shared>>
      tpu.wait_indirect_dma semaphore(%arg15 : memref<!tpu.dma_semaphore, #tpu.memory_space<semaphore_mem>>) src(%dma_wait3A_143 : memref<10000x64xbf16, #tpu.memory_space<vmem_shared>>) dst(%arg9 : memref<128x64xbf16, #tpu.memory_space<vmem>>)
      %dma_start3A_144 = arith.constant 0 : i32
      %dma_start3A_145 = tpu.memref_slice %arg7[%add3A_125, %dma_start3A_144] : memref<160x128xi32, #tpu.memory_space<vmem>> -> memref<1x128xi32, #tpu.memory_space<vmem>>
      %dma_start3A_146 = tpu.memref_squeeze %dma_start3A_145 : memref<1x128xi32, #tpu.memory_space<vmem>> -> memref<128xi32, #tpu.memory_space<vmem>>
      %dma_start3A_147 = arith.constant 0 : i32
      %dma_start3A_148 = arith.constant 0 : i32
      %dma_start3A_149 = tpu.memref_slice %arg13[%dma_start3A_147, %dma_start3A_148] : memref<10240x64xbf16, #tpu.memory_space<vmem_shared>> -> memref<10240x64xbf16, #tpu.memory_space<vmem_shared>>
      tpu.enqueue_indirect_dma source(%arg9 : memref<128x64xbf16, #tpu.memory_space<vmem>>) target(%dma_start3A_149 : memref<10240x64xbf16, #tpu.memory_space<vmem_shared>>) offsets(%dma_start3A_146 : memref<128xi32, #tpu.memory_space<vmem>>) semaphore(%arg19 : memref<!tpu.dma_semaphore, #tpu.memory_space<semaphore_mem>>) {add = true}
      %add3A_150 = arith.constant 2 : i32
      %add3A_151 = arith.addi %add3A_101, %add3A_150 : i32
      %ge3A_152 = arith.constant 2 : i32
      %ge3A_153 = arith.cmpi sge, %add3A_151, %ge3A_152 : i32
      %convert_element_type3A_154 = arith.extui %ge3A_153 : i1 to i32
      %cond3A_155 = arith.constant 0 : i32
      %cond3A_156 = arith.cmpi ne, %convert_element_type3A_154, %cond3A_155 : i32
      scf.if %cond3A_156 {
        %sub3A = arith.constant 2 : i32
        %sub3A_202 = arith.subi %add3A_151, %sub3A : i32
        %dma_wait3A_203 = arith.constant 0 : i32
        %dma_wait3A_204 = tpu.memref_slice %arg7[%sub3A_202, %dma_wait3A_203] : memref<160x128xi32, #tpu.memory_space<vmem>> -> memref<1x128xi32, #tpu.memory_space<vmem>>
        %dma_wait3A_205 = tpu.memref_squeeze %dma_wait3A_204 : memref<1x128xi32, #tpu.memory_space<vmem>> -> memref<128xi32, #tpu.memory_space<vmem>>
        %dma_wait3A_206 = arith.constant 0 : i32
        %dma_wait3A_207 = arith.constant 0 : i32
        %dma_wait3A_208 = tpu.memref_slice %arg13[%dma_wait3A_206, %dma_wait3A_207] : memref<10240x64xbf16, #tpu.memory_space<vmem_shared>> -> memref<10240x64xbf16, #tpu.memory_space<vmem_shared>>
        tpu.wait_indirect_dma semaphore(%arg18 : memref<!tpu.dma_semaphore, #tpu.memory_space<semaphore_mem>>) src(%arg8 : memref<128x64xbf16, #tpu.memory_space<vmem>>) dst(%dma_wait3A_208 : memref<10240x64xbf16, #tpu.memory_space<vmem_shared>>)
      } else {
      }
      %add3A_157 = arith.constant 2 : i32
      %add3A_158 = arith.addi %add3A_151, %add3A_157 : i32
      %lt3A_159 = arith.constant 160 : i32
      %lt3A_160 = arith.cmpi slt, %add3A_158, %lt3A_159 : i32
      %convert_element_type3A_161 = arith.extui %lt3A_160 : i1 to i32
      %cond3A_162 = arith.constant 0 : i32
      %cond3A_163 = arith.cmpi ne, %convert_element_type3A_161, %cond3A_162 : i32
      scf.if %cond3A_163 {
        %add3A_202 = arith.constant 2 : i32
        %add3A_203 = arith.addi %add3A_151, %add3A_202 : i32
        %dma_start3A_204 = arith.constant 0 : i32
        %dma_start3A_205 = tpu.memref_slice %arg6[%add3A_203, %dma_start3A_204] : memref<160x128xi32, #tpu.memory_space<vmem>> -> memref<1x128xi32, #tpu.memory_space<vmem>>
        %dma_start3A_206 = tpu.memref_squeeze %dma_start3A_205 : memref<1x128xi32, #tpu.memory_space<vmem>> -> memref<128xi32, #tpu.memory_space<vmem>>
        %dma_start3A_207 = arith.constant 0 : i32
        %dma_start3A_208 = arith.constant 0 : i32
        %dma_start3A_209 = tpu.memref_slice %arg12[%dma_start3A_207, %dma_start3A_208] : memref<10000x64xbf16, #tpu.memory_space<vmem_shared>> -> memref<10000x64xbf16, #tpu.memory_space<vmem_shared>>
        tpu.enqueue_indirect_dma source(%dma_start3A_209 : memref<10000x64xbf16, #tpu.memory_space<vmem_shared>>) target(%arg8 : memref<128x64xbf16, #tpu.memory_space<vmem>>) offsets(%dma_start3A_206 : memref<128xi32, #tpu.memory_space<vmem>>) semaphore(%arg14 : memref<!tpu.dma_semaphore, #tpu.memory_space<semaphore_mem>>)
      } else {
      }
      %dma_wait3A_164 = arith.constant 0 : i32
      %dma_wait3A_165 = tpu.memref_slice %arg6[%add3A_151, %dma_wait3A_164] : memref<160x128xi32, #tpu.memory_space<vmem>> -> memref<1x128xi32, #tpu.memory_space<vmem>>
      %dma_wait3A_166 = tpu.memref_squeeze %dma_wait3A_165 : memref<1x128xi32, #tpu.memory_space<vmem>> -> memref<128xi32, #tpu.memory_space<vmem>>
      %dma_wait3A_167 = arith.constant 0 : i32
      %dma_wait3A_168 = arith.constant 0 : i32
      %dma_wait3A_169 = tpu.memref_slice %arg12[%dma_wait3A_167, %dma_wait3A_168] : memref<10000x64xbf16, #tpu.memory_space<vmem_shared>> -> memref<10000x64xbf16, #tpu.memory_space<vmem_shared>>
      tpu.wait_indirect_dma semaphore(%arg16 : memref<!tpu.dma_semaphore, #tpu.memory_space<semaphore_mem>>) src(%dma_wait3A_169 : memref<10000x64xbf16, #tpu.memory_space<vmem_shared>>) dst(%arg10 : memref<128x64xbf16, #tpu.memory_space<vmem>>)
      %dma_start3A_170 = arith.constant 0 : i32
      %dma_start3A_171 = tpu.memref_slice %arg7[%add3A_151, %dma_start3A_170] : memref<160x128xi32, #tpu.memory_space<vmem>> -> memref<1x128xi32, #tpu.memory_space<vmem>>
      %dma_start3A_172 = tpu.memref_squeeze %dma_start3A_171 : memref<1x128xi32, #tpu.memory_space<vmem>> -> memref<128xi32, #tpu.memory_space<vmem>>
      %dma_start3A_173 = arith.constant 0 : i32
      %dma_start3A_174 = arith.constant 0 : i32
      %dma_start3A_175 = tpu.memref_slice %arg13[%dma_start3A_173, %dma_start3A_174] : memref<10240x64xbf16, #tpu.memory_space<vmem_shared>> -> memref<10240x64xbf16, #tpu.memory_space<vmem_shared>>
      tpu.enqueue_indirect_dma source(%arg10 : memref<128x64xbf16, #tpu.memory_space<vmem>>) target(%dma_start3A_175 : memref<10240x64xbf16, #tpu.memory_space<vmem_shared>>) offsets(%dma_start3A_172 : memref<128xi32, #tpu.memory_space<vmem>>) semaphore(%arg20 : memref<!tpu.dma_semaphore, #tpu.memory_space<semaphore_mem>>) {add = true}
      %add3A_176 = arith.constant 3 : i32
      %add3A_177 = arith.addi %add3A_101, %add3A_176 : i32
      %ge3A_178 = arith.constant 2 : i32
      %ge3A_179 = arith.cmpi sge, %add3A_177, %ge3A_178 : i32
      %convert_element_type3A_180 = arith.extui %ge3A_179 : i1 to i32
      %cond3A_181 = arith.constant 0 : i32
      %cond3A_182 = arith.cmpi ne, %convert_element_type3A_180, %cond3A_181 : i32
      scf.if %cond3A_182 {
        %sub3A = arith.constant 2 : i32
        %sub3A_202 = arith.subi %add3A_177, %sub3A : i32
        %dma_wait3A_203 = arith.constant 0 : i32
        %dma_wait3A_204 = tpu.memref_slice %arg7[%sub3A_202, %dma_wait3A_203] : memref<160x128xi32, #tpu.memory_space<vmem>> -> memref<1x128xi32, #tpu.memory_space<vmem>>
        %dma_wait3A_205 = tpu.memref_squeeze %dma_wait3A_204 : memref<1x128xi32, #tpu.memory_space<vmem>> -> memref<128xi32, #tpu.memory_space<vmem>>
        %dma_wait3A_206 = arith.constant 0 : i32
        %dma_wait3A_207 = arith.constant 0 : i32
        %dma_wait3A_208 = tpu.memref_slice %arg13[%dma_wait3A_206, %dma_wait3A_207] : memref<10240x64xbf16, #tpu.memory_space<vmem_shared>> -> memref<10240x64xbf16, #tpu.memory_space<vmem_shared>>
        tpu.wait_indirect_dma semaphore(%arg19 : memref<!tpu.dma_semaphore, #tpu.memory_space<semaphore_mem>>) src(%arg9 : memref<128x64xbf16, #tpu.memory_space<vmem>>) dst(%dma_wait3A_208 : memref<10240x64xbf16, #tpu.memory_space<vmem_shared>>)
      } else {
      }
      %add3A_183 = arith.constant 2 : i32
      %add3A_184 = arith.addi %add3A_177, %add3A_183 : i32
      %lt3A_185 = arith.constant 160 : i32
      %lt3A_186 = arith.cmpi slt, %add3A_184, %lt3A_185 : i32
      %convert_element_type3A_187 = arith.extui %lt3A_186 : i1 to i32
      %cond3A_188 = arith.constant 0 : i32
      %cond3A_189 = arith.cmpi ne, %convert_element_type3A_187, %cond3A_188 : i32
      scf.if %cond3A_189 {
        %add3A_202 = arith.constant 2 : i32
        %add3A_203 = arith.addi %add3A_177, %add3A_202 : i32
        %dma_start3A_204 = arith.constant 0 : i32
        %dma_start3A_205 = tpu.memref_slice %arg6[%add3A_203, %dma_start3A_204] : memref<160x128xi32, #tpu.memory_space<vmem>> -> memref<1x128xi32, #tpu.memory_space<vmem>>
        %dma_start3A_206 = tpu.memref_squeeze %dma_start3A_205 : memref<1x128xi32, #tpu.memory_space<vmem>> -> memref<128xi32, #tpu.memory_space<vmem>>
        %dma_start3A_207 = arith.constant 0 : i32
        %dma_start3A_208 = arith.constant 0 : i32
        %dma_start3A_209 = tpu.memref_slice %arg12[%dma_start3A_207, %dma_start3A_208] : memref<10000x64xbf16, #tpu.memory_space<vmem_shared>> -> memref<10000x64xbf16, #tpu.memory_space<vmem_shared>>
        tpu.enqueue_indirect_dma source(%dma_start3A_209 : memref<10000x64xbf16, #tpu.memory_space<vmem_shared>>) target(%arg9 : memref<128x64xbf16, #tpu.memory_space<vmem>>) offsets(%dma_start3A_206 : memref<128xi32, #tpu.memory_space<vmem>>) semaphore(%arg15 : memref<!tpu.dma_semaphore, #tpu.memory_space<semaphore_mem>>)
      } else {
      }
      %dma_wait3A_190 = arith.constant 0 : i32
      %dma_wait3A_191 = tpu.memref_slice %arg6[%add3A_177, %dma_wait3A_190] : memref<160x128xi32, #tpu.memory_space<vmem>> -> memref<1x128xi32, #tpu.memory_space<vmem>>
      %dma_wait3A_192 = tpu.memref_squeeze %dma_wait3A_191 : memref<1x128xi32, #tpu.memory_space<vmem>> -> memref<128xi32, #tpu.memory_space<vmem>>
      %dma_wait3A_193 = arith.constant 0 : i32
      %dma_wait3A_194 = arith.constant 0 : i32
      %dma_wait3A_195 = tpu.memref_slice %arg12[%dma_wait3A_193, %dma_wait3A_194] : memref<10000x64xbf16, #tpu.memory_space<vmem_shared>> -> memref<10000x64xbf16, #tpu.memory_space<vmem_shared>>
      tpu.wait_indirect_dma semaphore(%arg17 : memref<!tpu.dma_semaphore, #tpu.memory_space<semaphore_mem>>) src(%dma_wait3A_195 : memref<10000x64xbf16, #tpu.memory_space<vmem_shared>>) dst(%arg11 : memref<128x64xbf16, #tpu.memory_space<vmem>>)
      %dma_start3A_196 = arith.constant 0 : i32
      %dma_start3A_197 = tpu.memref_slice %arg7[%add3A_177, %dma_start3A_196] : memref<160x128xi32, #tpu.memory_space<vmem>> -> memref<1x128xi32, #tpu.memory_space<vmem>>
      %dma_start3A_198 = tpu.memref_squeeze %dma_start3A_197 : memref<1x128xi32, #tpu.memory_space<vmem>> -> memref<128xi32, #tpu.memory_space<vmem>>
      %dma_start3A_199 = arith.constant 0 : i32
      %dma_start3A_200 = arith.constant 0 : i32
      %dma_start3A_201 = tpu.memref_slice %arg13[%dma_start3A_199, %dma_start3A_200] : memref<10240x64xbf16, #tpu.memory_space<vmem_shared>> -> memref<10240x64xbf16, #tpu.memory_space<vmem_shared>>
      tpu.enqueue_indirect_dma source(%arg11 : memref<128x64xbf16, #tpu.memory_space<vmem>>) target(%dma_start3A_201 : memref<10240x64xbf16, #tpu.memory_space<vmem_shared>>) offsets(%dma_start3A_198 : memref<128xi32, #tpu.memory_space<vmem>>) semaphore(%arg21 : memref<!tpu.dma_semaphore, #tpu.memory_space<semaphore_mem>>) {add = true}
    }
    %scan3A_62 = arith.constant 40 : i32
    %dma_wait3A_63 = arith.constant 158 : i32
    %dma_wait3A_64 = arith.constant 0 : i32
    %dma_wait3A_65 = tpu.memref_slice %arg7[%dma_wait3A_63, %dma_wait3A_64] : memref<160x128xi32, #tpu.memory_space<vmem>> -> memref<1x128xi32, #tpu.memory_space<vmem>>
    %dma_wait3A_66 = tpu.memref_squeeze %dma_wait3A_65 : memref<1x128xi32, #tpu.memory_space<vmem>> -> memref<128xi32, #tpu.memory_space<vmem>>
    %dma_wait3A_67 = arith.constant 0 : i32
    %dma_wait3A_68 = arith.constant 0 : i32
    %dma_wait3A_69 = tpu.memref_slice %arg13[%dma_wait3A_67, %dma_wait3A_68] : memref<10240x64xbf16, #tpu.memory_space<vmem_shared>> -> memref<10240x64xbf16, #tpu.memory_space<vmem_shared>>
    tpu.wait_indirect_dma semaphore(%arg20 : memref<!tpu.dma_semaphore, #tpu.memory_space<semaphore_mem>>) src(%arg10 : memref<128x64xbf16, #tpu.memory_space<vmem>>) dst(%dma_wait3A_69 : memref<10240x64xbf16, #tpu.memory_space<vmem_shared>>)
    %dma_wait3A_70 = arith.constant 159 : i32
    %dma_wait3A_71 = arith.constant 0 : i32
    %dma_wait3A_72 = tpu.memref_slice %arg7[%dma_wait3A_70, %dma_wait3A_71] : memref<160x128xi32, #tpu.memory_space<vmem>> -> memref<1x128xi32, #tpu.memory_space<vmem>>
    %dma_wait3A_73 = tpu.memref_squeeze %dma_wait3A_72 : memref<1x128xi32, #tpu.memory_space<vmem>> -> memref<128xi32, #tpu.memory_space<vmem>>
    %dma_wait3A_74 = arith.constant 0 : i32
    %dma_wait3A_75 = arith.constant 0 : i32
    %dma_wait3A_76 = tpu.memref_slice %arg13[%dma_wait3A_74, %dma_wait3A_75] : memref<10240x64xbf16, #tpu.memory_space<vmem_shared>> -> memref<10240x64xbf16, #tpu.memory_space<vmem_shared>>
    tpu.wait_indirect_dma semaphore(%arg21 : memref<!tpu.dma_semaphore, #tpu.memory_space<semaphore_mem>>) src(%arg11 : memref<128x64xbf16, #tpu.memory_space<vmem>>) dst(%dma_wait3A_76 : memref<10240x64xbf16, #tpu.memory_space<vmem_shared>>)
    %barrier3A_77 = arith.constant 0 : index
    tpu.barrier barrier_id(%barrier3A_77)
    %add3A = arith.constant 0 : i32
    %add3A_78 = arith.addi %mul3A_0, %add3A : i32
    "tpu.region"() ({
      %run_scoped3A = tpu.sem_alloc : memref<!tpu.dma_semaphore, #tpu.memory_space<semaphore_mem>>
      %dma_start3A_97 = arith.constant 0 : i32
      %dma_start3A_98 = arith.constant 0 : i32
      %dma_start3A_99 = tpu.memref_slice %arg8[%dma_start3A_97, %dma_start3A_98] : memref<128x64xbf16, #tpu.memory_space<vmem>> -> memref<128x64xbf16, #tpu.memory_space<vmem>>
      %dma_start3A_100 = arith.constant 0 : i32
      %dma_start3A_101 = tpu.memref_slice %arg13[%add3A_78, %dma_start3A_100] : memref<10240x64xbf16, #tpu.memory_space<vmem_shared>> -> memref<128x64xbf16, #tpu.memory_space<vmem_shared>>
      %dma_start3A_102 = arith.constant 0 : i32
      %dma_start3A_103 = arith.constant 0 : i32
      %dma_start3A_104 = tpu.memref_slice %arg8[%dma_start3A_102, %dma_start3A_103] : memref<128x64xbf16, #tpu.memory_space<vmem>> -> memref<128x64xbf16, #tpu.memory_space<vmem>>
      %dma_start3A_105 = arith.constant 0 : i32
      %dma_start3A_106 = tpu.memref_slice %arg13[%add3A_78, %dma_start3A_105] : memref<10240x64xbf16, #tpu.memory_space<vmem_shared>> -> memref<128x64xbf16, #tpu.memory_space<vmem_shared>>
      tpu.enqueue_dma source(%dma_start3A_106 : memref<128x64xbf16, #tpu.memory_space<vmem_shared>>) target(%dma_start3A_104 : memref<128x64xbf16, #tpu.memory_space<vmem>>) target_semaphore(%run_scoped3A : memref<!tpu.dma_semaphore, #tpu.memory_space<semaphore_mem>>)
      %dma_wait3A_107 = arith.constant 0 : i32
      %dma_wait3A_108 = arith.constant 0 : i32
      %dma_wait3A_109 = tpu.memref_slice %arg8[%dma_wait3A_107, %dma_wait3A_108] : memref<128x64xbf16, #tpu.memory_space<vmem>> -> memref<128x64xbf16, #tpu.memory_space<vmem>>
      %dma_wait3A_110 = arith.constant 0 : i32
      %dma_wait3A_111 = tpu.memref_slice %arg13[%add3A_78, %dma_wait3A_110] : memref<10240x64xbf16, #tpu.memory_space<vmem_shared>> -> memref<128x64xbf16, #tpu.memory_space<vmem_shared>>
      %dma_wait3A_112 = arith.constant 0 : i32
      %dma_wait3A_113 = arith.constant 0 : i32
      %dma_wait3A_114 = tpu.memref_slice %arg8[%dma_wait3A_112, %dma_wait3A_113] : memref<128x64xbf16, #tpu.memory_space<vmem>> -> memref<128x64xbf16, #tpu.memory_space<vmem>>
      %dma_wait3A_115 = arith.constant 0 : i32
      %dma_wait3A_116 = tpu.memref_slice %arg13[%add3A_78, %dma_wait3A_115] : memref<10240x64xbf16, #tpu.memory_space<vmem_shared>> -> memref<128x64xbf16, #tpu.memory_space<vmem_shared>>
      tpu.wait_dma2 semaphore(%run_scoped3A : memref<!tpu.dma_semaphore, #tpu.memory_space<semaphore_mem>>) src(%dma_wait3A_116 : memref<128x64xbf16, #tpu.memory_space<vmem_shared>>) dst(%dma_wait3A_114 : memref<128x64xbf16, #tpu.memory_space<vmem>>)
      tpu.yield
    }) : () -> ()
    %add3A_79 = arith.constant 0 : i32
    %add3A_80 = arith.addi %mul3A_0, %add3A_79 : i32
    "tpu.region"() ({
      %run_scoped3A = tpu.sem_alloc : memref<!tpu.dma_semaphore, #tpu.memory_space<semaphore_mem>>
      %dma_start3A_97 = arith.constant 0 : i32
      %dma_start3A_98 = arith.constant 0 : i32
      %dma_start3A_99 = tpu.memref_slice %arg8[%dma_start3A_97, %dma_start3A_98] : memref<128x64xbf16, #tpu.memory_space<vmem>> -> memref<128x64xbf16, #tpu.memory_space<vmem>>
      %dma_start3A_100 = tpu.memref_slice %arg5[%add3A_80, %mul3A_2] : memref<10000x128xbf16, #tpu.memory_space<hbm>> -> memref<128x64xbf16, #tpu.memory_space<hbm>>
      %dma_start3A_101 = tpu.memref_slice %arg5[%add3A_80, %mul3A_2] : memref<10000x128xbf16, #tpu.memory_space<hbm>> -> memref<128x64xbf16, #tpu.memory_space<hbm>>
      %dma_start3A_102 = arith.constant 0 : i32
      %dma_start3A_103 = arith.constant 0 : i32
      %dma_start3A_104 = tpu.memref_slice %arg8[%dma_start3A_102, %dma_start3A_103] : memref<128x64xbf16, #tpu.memory_space<vmem>> -> memref<128x64xbf16, #tpu.memory_space<vmem>>
      tpu.enqueue_dma source(%dma_start3A_104 : memref<128x64xbf16, #tpu.memory_space<vmem>>) target(%dma_start3A_101 : memref<128x64xbf16, #tpu.memory_space<hbm>>) target_semaphore(%run_scoped3A : memref<!tpu.dma_semaphore, #tpu.memory_space<semaphore_mem>>)
      %dma_wait3A_105 = arith.constant 0 : i32
      %dma_wait3A_106 = arith.constant 0 : i32
      %dma_wait3A_107 = tpu.memref_slice %arg8[%dma_wait3A_105, %dma_wait3A_106] : memref<128x64xbf16, #tpu.memory_space<vmem>> -> memref<128x64xbf16, #tpu.memory_space<vmem>>
      %dma_wait3A_108 = tpu.memref_slice %arg5[%add3A_80, %mul3A_2] : memref<10000x128xbf16, #tpu.memory_space<hbm>> -> memref<128x64xbf16, #tpu.memory_space<hbm>>
      %dma_wait3A_109 = tpu.memref_slice %arg5[%add3A_80, %mul3A_2] : memref<10000x128xbf16, #tpu.memory_space<hbm>> -> memref<128x64xbf16, #tpu.memory_space<hbm>>
      %dma_wait3A_110 = arith.constant 0 : i32
      %dma_wait3A_111 = arith.constant 0 : i32
      %dma_wait3A_112 = tpu.memref_slice %arg8[%dma_wait3A_110, %dma_wait3A_111] : memref<128x64xbf16, #tpu.memory_space<vmem>> -> memref<128x64xbf16, #tpu.memory_space<vmem>>
      tpu.wait_dma2 semaphore(%run_scoped3A : memref<!tpu.dma_semaphore, #tpu.memory_space<semaphore_mem>>) src(%dma_wait3A_112 : memref<128x64xbf16, #tpu.memory_space<vmem>>) dst(%dma_wait3A_109 : memref<128x64xbf16, #tpu.memory_space<hbm>>)
      tpu.yield
    }) : () -> ()
    %add3A_81 = arith.constant 128 : i32
    %add3A_82 = arith.addi %mul3A_0, %add3A_81 : i32
    "tpu.region"() ({
      %run_scoped3A = tpu.sem_alloc : memref<!tpu.dma_semaphore, #tpu.memory_space<semaphore_mem>>
      %dma_start3A_97 = arith.constant 0 : i32
      %dma_start3A_98 = arith.constant 0 : i32
      %dma_start3A_99 = tpu.memref_slice %arg9[%dma_start3A_97, %dma_start3A_98] : memref<128x64xbf16, #tpu.memory_space<vmem>> -> memref<128x64xbf16, #tpu.memory_space<vmem>>
      %dma_start3A_100 = arith.constant 0 : i32
      %dma_start3A_101 = tpu.memref_slice %arg13[%add3A_82, %dma_start3A_100] : memref<10240x64xbf16, #tpu.memory_space<vmem_shared>> -> memref<128x64xbf16, #tpu.memory_space<vmem_shared>>
      %dma_start3A_102 = arith.constant 0 : i32
      %dma_start3A_103 = arith.constant 0 : i32
      %dma_start3A_104 = tpu.memref_slice %arg9[%dma_start3A_102, %dma_start3A_103] : memref<128x64xbf16, #tpu.memory_space<vmem>> -> memref<128x64xbf16, #tpu.memory_space<vmem>>
      %dma_start3A_105 = arith.constant 0 : i32
      %dma_start3A_106 = tpu.memref_slice %arg13[%add3A_82, %dma_start3A_105] : memref<10240x64xbf16, #tpu.memory_space<vmem_shared>> -> memref<128x64xbf16, #tpu.memory_space<vmem_shared>>
      tpu.enqueue_dma source(%dma_start3A_106 : memref<128x64xbf16, #tpu.memory_space<vmem_shared>>) target(%dma_start3A_104 : memref<128x64xbf16, #tpu.memory_space<vmem>>) target_semaphore(%run_scoped3A : memref<!tpu.dma_semaphore, #tpu.memory_space<semaphore_mem>>)
      %dma_wait3A_107 = arith.constant 0 : i32
      %dma_wait3A_108 = arith.constant 0 : i32
      %dma_wait3A_109 = tpu.memref_slice %arg9[%dma_wait3A_107, %dma_wait3A_108] : memref<128x64xbf16, #tpu.memory_space<vmem>> -> memref<128x64xbf16, #tpu.memory_space<vmem>>
      %dma_wait3A_110 = arith.constant 0 : i32
      %dma_wait3A_111 = tpu.memref_slice %arg13[%add3A_82, %dma_wait3A_110] : memref<10240x64xbf16, #tpu.memory_space<vmem_shared>> -> memref<128x64xbf16, #tpu.memory_space<vmem_shared>>
      %dma_wait3A_112 = arith.constant 0 : i32
      %dma_wait3A_113 = arith.constant 0 : i32
      %dma_wait3A_114 = tpu.memref_slice %arg9[%dma_wait3A_112, %dma_wait3A_113] : memref<128x64xbf16, #tpu.memory_space<vmem>> -> memref<128x64xbf16, #tpu.memory_space<vmem>>
      %dma_wait3A_115 = arith.constant 0 : i32
      %dma_wait3A_116 = tpu.memref_slice %arg13[%add3A_82, %dma_wait3A_115] : memref<10240x64xbf16, #tpu.memory_space<vmem_shared>> -> memref<128x64xbf16, #tpu.memory_space<vmem_shared>>
      tpu.wait_dma2 semaphore(%run_scoped3A : memref<!tpu.dma_semaphore, #tpu.memory_space<semaphore_mem>>) src(%dma_wait3A_116 : memref<128x64xbf16, #tpu.memory_space<vmem_shared>>) dst(%dma_wait3A_114 : memref<128x64xbf16, #tpu.memory_space<vmem>>)
      tpu.yield
    }) : () -> ()
    %add3A_83 = arith.constant 128 : i32
    %add3A_84 = arith.addi %mul3A_0, %add3A_83 : i32
    "tpu.region"() ({
      %run_scoped3A = tpu.sem_alloc : memref<!tpu.dma_semaphore, #tpu.memory_space<semaphore_mem>>
      %dma_start3A_97 = arith.constant 0 : i32
      %dma_start3A_98 = arith.constant 0 : i32
      %dma_start3A_99 = tpu.memref_slice %arg9[%dma_start3A_97, %dma_start3A_98] : memref<128x64xbf16, #tpu.memory_space<vmem>> -> memref<128x64xbf16, #tpu.memory_space<vmem>>
      %dma_start3A_100 = tpu.memref_slice %arg5[%add3A_84, %mul3A_2] : memref<10000x128xbf16, #tpu.memory_space<hbm>> -> memref<128x64xbf16, #tpu.memory_space<hbm>>
      %dma_start3A_101 = tpu.memref_slice %arg5[%add3A_84, %mul3A_2] : memref<10000x128xbf16, #tpu.memory_space<hbm>> -> memref<128x64xbf16, #tpu.memory_space<hbm>>
      %dma_start3A_102 = arith.constant 0 : i32
      %dma_start3A_103 = arith.constant 0 : i32
      %dma_start3A_104 = tpu.memref_slice %arg9[%dma_start3A_102, %dma_start3A_103] : memref<128x64xbf16, #tpu.memory_space<vmem>> -> memref<128x64xbf16, #tpu.memory_space<vmem>>
      tpu.enqueue_dma source(%dma_start3A_104 : memref<128x64xbf16, #tpu.memory_space<vmem>>) target(%dma_start3A_101 : memref<128x64xbf16, #tpu.memory_space<hbm>>) target_semaphore(%run_scoped3A : memref<!tpu.dma_semaphore, #tpu.memory_space<semaphore_mem>>)
      %dma_wait3A_105 = arith.constant 0 : i32
      %dma_wait3A_106 = arith.constant 0 : i32
      %dma_wait3A_107 = tpu.memref_slice %arg9[%dma_wait3A_105, %dma_wait3A_106] : memref<128x64xbf16, #tpu.memory_space<vmem>> -> memref<128x64xbf16, #tpu.memory_space<vmem>>
      %dma_wait3A_108 = tpu.memref_slice %arg5[%add3A_84, %mul3A_2] : memref<10000x128xbf16, #tpu.memory_space<hbm>> -> memref<128x64xbf16, #tpu.memory_space<hbm>>
      %dma_wait3A_109 = tpu.memref_slice %arg5[%add3A_84, %mul3A_2] : memref<10000x128xbf16, #tpu.memory_space<hbm>> -> memref<128x64xbf16, #tpu.memory_space<hbm>>
      %dma_wait3A_110 = arith.constant 0 : i32
      %dma_wait3A_111 = arith.constant 0 : i32
      %dma_wait3A_112 = tpu.memref_slice %arg9[%dma_wait3A_110, %dma_wait3A_111] : memref<128x64xbf16, #tpu.memory_space<vmem>> -> memref<128x64xbf16, #tpu.memory_space<vmem>>
      tpu.wait_dma2 semaphore(%run_scoped3A : memref<!tpu.dma_semaphore, #tpu.memory_space<semaphore_mem>>) src(%dma_wait3A_112 : memref<128x64xbf16, #tpu.memory_space<vmem>>) dst(%dma_wait3A_109 : memref<128x64xbf16, #tpu.memory_space<hbm>>)
      tpu.yield
    }) : () -> ()
    %add3A_85 = arith.constant 256 : i32
    %add3A_86 = arith.addi %mul3A_0, %add3A_85 : i32
    "tpu.region"() ({
      %run_scoped3A = tpu.sem_alloc : memref<!tpu.dma_semaphore, #tpu.memory_space<semaphore_mem>>
      %dma_start3A_97 = arith.constant 0 : i32
      %dma_start3A_98 = arith.constant 0 : i32
      %dma_start3A_99 = tpu.memref_slice %arg8[%dma_start3A_97, %dma_start3A_98] : memref<128x64xbf16, #tpu.memory_space<vmem>> -> memref<128x64xbf16, #tpu.memory_space<vmem>>
      %dma_start3A_100 = arith.constant 0 : i32
      %dma_start3A_101 = tpu.memref_slice %arg13[%add3A_86, %dma_start3A_100] : memref<10240x64xbf16, #tpu.memory_space<vmem_shared>> -> memref<128x64xbf16, #tpu.memory_space<vmem_shared>>
      %dma_start3A_102 = arith.constant 0 : i32
      %dma_start3A_103 = arith.constant 0 : i32
      %dma_start3A_104 = tpu.memref_slice %arg8[%dma_start3A_102, %dma_start3A_103] : memref<128x64xbf16, #tpu.memory_space<vmem>> -> memref<128x64xbf16, #tpu.memory_space<vmem>>
      %dma_start3A_105 = arith.constant 0 : i32
      %dma_start3A_106 = tpu.memref_slice %arg13[%add3A_86, %dma_start3A_105] : memref<10240x64xbf16, #tpu.memory_space<vmem_shared>> -> memref<128x64xbf16, #tpu.memory_space<vmem_shared>>
      tpu.enqueue_dma source(%dma_start3A_106 : memref<128x64xbf16, #tpu.memory_space<vmem_shared>>) target(%dma_start3A_104 : memref<128x64xbf16, #tpu.memory_space<vmem>>) target_semaphore(%run_scoped3A : memref<!tpu.dma_semaphore, #tpu.memory_space<semaphore_mem>>)
      %dma_wait3A_107 = arith.constant 0 : i32
      %dma_wait3A_108 = arith.constant 0 : i32
      %dma_wait3A_109 = tpu.memref_slice %arg8[%dma_wait3A_107, %dma_wait3A_108] : memref<128x64xbf16, #tpu.memory_space<vmem>> -> memref<128x64xbf16, #tpu.memory_space<vmem>>
      %dma_wait3A_110 = arith.constant 0 : i32
      %dma_wait3A_111 = tpu.memref_slice %arg13[%add3A_86, %dma_wait3A_110] : memref<10240x64xbf16, #tpu.memory_space<vmem_shared>> -> memref<128x64xbf16, #tpu.memory_space<vmem_shared>>
      %dma_wait3A_112 = arith.constant 0 : i32
      %dma_wait3A_113 = arith.constant 0 : i32
      %dma_wait3A_114 = tpu.memref_slice %arg8[%dma_wait3A_112, %dma_wait3A_113] : memref<128x64xbf16, #tpu.memory_space<vmem>> -> memref<128x64xbf16, #tpu.memory_space<vmem>>
      %dma_wait3A_115 = arith.constant 0 : i32
      %dma_wait3A_116 = tpu.memref_slice %arg13[%add3A_86, %dma_wait3A_115] : memref<10240x64xbf16, #tpu.memory_space<vmem_shared>> -> memref<128x64xbf16, #tpu.memory_space<vmem_shared>>
      tpu.wait_dma2 semaphore(%run_scoped3A : memref<!tpu.dma_semaphore, #tpu.memory_space<semaphore_mem>>) src(%dma_wait3A_116 : memref<128x64xbf16, #tpu.memory_space<vmem_shared>>) dst(%dma_wait3A_114 : memref<128x64xbf16, #tpu.memory_space<vmem>>)
      tpu.yield
    }) : () -> ()
    %add3A_87 = arith.constant 256 : i32
    %add3A_88 = arith.addi %mul3A_0, %add3A_87 : i32
    "tpu.region"() ({
      %run_scoped3A = tpu.sem_alloc : memref<!tpu.dma_semaphore, #tpu.memory_space<semaphore_mem>>
      %dma_start3A_97 = arith.constant 0 : i32
      %dma_start3A_98 = arith.constant 0 : i32
      %dma_start3A_99 = tpu.memref_slice %arg8[%dma_start3A_97, %dma_start3A_98] : memref<128x64xbf16, #tpu.memory_space<vmem>> -> memref<128x64xbf16, #tpu.memory_space<vmem>>
      %dma_start3A_100 = tpu.memref_slice %arg5[%add3A_88, %mul3A_2] : memref<10000x128xbf16, #tpu.memory_space<hbm>> -> memref<128x64xbf16, #tpu.memory_space<hbm>>
      %dma_start3A_101 = tpu.memref_slice %arg5[%add3A_88, %mul3A_2] : memref<10000x128xbf16, #tpu.memory_space<hbm>> -> memref<128x64xbf16, #tpu.memory_space<hbm>>
      %dma_start3A_102 = arith.constant 0 : i32
      %dma_start3A_103 = arith.constant 0 : i32
      %dma_start3A_104 = tpu.memref_slice %arg8[%dma_start3A_102, %dma_start3A_103] : memref<128x64xbf16, #tpu.memory_space<vmem>> -> memref<128x64xbf16, #tpu.memory_space<vmem>>
      tpu.enqueue_dma source(%dma_start3A_104 : memref<128x64xbf16, #tpu.memory_space<vmem>>) target(%dma_start3A_101 : memref<128x64xbf16, #tpu.memory_space<hbm>>) target_semaphore(%run_scoped3A : memref<!tpu.dma_semaphore, #tpu.memory_space<semaphore_mem>>)
      %dma_wait3A_105 = arith.constant 0 : i32
      %dma_wait3A_106 = arith.constant 0 : i32
      %dma_wait3A_107 = tpu.memref_slice %arg8[%dma_wait3A_105, %dma_wait3A_106] : memref<128x64xbf16, #tpu.memory_space<vmem>> -> memref<128x64xbf16, #tpu.memory_space<vmem>>
      %dma_wait3A_108 = tpu.memref_slice %arg5[%add3A_88, %mul3A_2] : memref<10000x128xbf16, #tpu.memory_space<hbm>> -> memref<128x64xbf16, #tpu.memory_space<hbm>>
      %dma_wait3A_109 = tpu.memref_slice %arg5[%add3A_88, %mul3A_2] : memref<10000x128xbf16, #tpu.memory_space<hbm>> -> memref<128x64xbf16, #tpu.memory_space<hbm>>
      %dma_wait3A_110 = arith.constant 0 : i32
      %dma_wait3A_111 = arith.constant 0 : i32
      %dma_wait3A_112 = tpu.memref_slice %arg8[%dma_wait3A_110, %dma_wait3A_111] : memref<128x64xbf16, #tpu.memory_space<vmem>> -> memref<128x64xbf16, #tpu.memory_space<vmem>>
      tpu.wait_dma2 semaphore(%run_scoped3A : memref<!tpu.dma_semaphore, #tpu.memory_space<semaphore_mem>>) src(%dma_wait3A_112 : memref<128x64xbf16, #tpu.memory_space<vmem>>) dst(%dma_wait3A_109 : memref<128x64xbf16, #tpu.memory_space<hbm>>)
      tpu.yield
    }) : () -> ()
    %add3A_89 = arith.constant 384 : i32
    %add3A_90 = arith.addi %mul3A_0, %add3A_89 : i32
    "tpu.region"() ({
      %run_scoped3A = tpu.sem_alloc : memref<!tpu.dma_semaphore, #tpu.memory_space<semaphore_mem>>
      %dma_start3A_97 = arith.constant 0 : i32
      %dma_start3A_98 = arith.constant 0 : i32
      %dma_start3A_99 = tpu.memref_slice %arg9[%dma_start3A_97, %dma_start3A_98] : memref<128x64xbf16, #tpu.memory_space<vmem>> -> memref<128x64xbf16, #tpu.memory_space<vmem>>
      %dma_start3A_100 = arith.constant 0 : i32
      %dma_start3A_101 = tpu.memref_slice %arg13[%add3A_90, %dma_start3A_100] : memref<10240x64xbf16, #tpu.memory_space<vmem_shared>> -> memref<128x64xbf16, #tpu.memory_space<vmem_shared>>
      %dma_start3A_102 = arith.constant 0 : i32
      %dma_start3A_103 = arith.constant 0 : i32
      %dma_start3A_104 = tpu.memref_slice %arg9[%dma_start3A_102, %dma_start3A_103] : memref<128x64xbf16, #tpu.memory_space<vmem>> -> memref<128x64xbf16, #tpu.memory_space<vmem>>
      %dma_start3A_105 = arith.constant 0 : i32
      %dma_start3A_106 = tpu.memref_slice %arg13[%add3A_90, %dma_start3A_105] : memref<10240x64xbf16, #tpu.memory_space<vmem_shared>> -> memref<128x64xbf16, #tpu.memory_space<vmem_shared>>
      tpu.enqueue_dma source(%dma_start3A_106 : memref<128x64xbf16, #tpu.memory_space<vmem_shared>>) target(%dma_start3A_104 : memref<128x64xbf16, #tpu.memory_space<vmem>>) target_semaphore(%run_scoped3A : memref<!tpu.dma_semaphore, #tpu.memory_space<semaphore_mem>>)
      %dma_wait3A_107 = arith.constant 0 : i32
      %dma_wait3A_108 = arith.constant 0 : i32
      %dma_wait3A_109 = tpu.memref_slice %arg9[%dma_wait3A_107, %dma_wait3A_108] : memref<128x64xbf16, #tpu.memory_space<vmem>> -> memref<128x64xbf16, #tpu.memory_space<vmem>>
      %dma_wait3A_110 = arith.constant 0 : i32
      %dma_wait3A_111 = tpu.memref_slice %arg13[%add3A_90, %dma_wait3A_110] : memref<10240x64xbf16, #tpu.memory_space<vmem_shared>> -> memref<128x64xbf16, #tpu.memory_space<vmem_shared>>
      %dma_wait3A_112 = arith.constant 0 : i32
      %dma_wait3A_113 = arith.constant 0 : i32
      %dma_wait3A_114 = tpu.memref_slice %arg9[%dma_wait3A_112, %dma_wait3A_113] : memref<128x64xbf16, #tpu.memory_space<vmem>> -> memref<128x64xbf16, #tpu.memory_space<vmem>>
      %dma_wait3A_115 = arith.constant 0 : i32
      %dma_wait3A_116 = tpu.memref_slice %arg13[%add3A_90, %dma_wait3A_115] : memref<10240x64xbf16, #tpu.memory_space<vmem_shared>> -> memref<128x64xbf16, #tpu.memory_space<vmem_shared>>
      tpu.wait_dma2 semaphore(%run_scoped3A : memref<!tpu.dma_semaphore, #tpu.memory_space<semaphore_mem>>) src(%dma_wait3A_116 : memref<128x64xbf16, #tpu.memory_space<vmem_shared>>) dst(%dma_wait3A_114 : memref<128x64xbf16, #tpu.memory_space<vmem>>)
      tpu.yield
    }) : () -> ()
    %add3A_91 = arith.constant 384 : i32
    %add3A_92 = arith.addi %mul3A_0, %add3A_91 : i32
    "tpu.region"() ({
      %run_scoped3A = tpu.sem_alloc : memref<!tpu.dma_semaphore, #tpu.memory_space<semaphore_mem>>
      %dma_start3A_97 = arith.constant 0 : i32
      %dma_start3A_98 = arith.constant 0 : i32
      %dma_start3A_99 = tpu.memref_slice %arg9[%dma_start3A_97, %dma_start3A_98] : memref<128x64xbf16, #tpu.memory_space<vmem>> -> memref<128x64xbf16, #tpu.memory_space<vmem>>
      %dma_start3A_100 = tpu.memref_slice %arg5[%add3A_92, %mul3A_2] : memref<10000x128xbf16, #tpu.memory_space<hbm>> -> memref<128x64xbf16, #tpu.memory_space<hbm>>
      %dma_start3A_101 = tpu.memref_slice %arg5[%add3A_92, %mul3A_2] : memref<10000x128xbf16, #tpu.memory_space<hbm>> -> memref<128x64xbf16, #tpu.memory_space<hbm>>
      %dma_start3A_102 = arith.constant 0 : i32
      %dma_start3A_103 = arith.constant 0 : i32
      %dma_start3A_104 = tpu.memref_slice %arg9[%dma_start3A_102, %dma_start3A_103] : memref<128x64xbf16, #tpu.memory_space<vmem>> -> memref<128x64xbf16, #tpu.memory_space<vmem>>
      tpu.enqueue_dma source(%dma_start3A_104 : memref<128x64xbf16, #tpu.memory_space<vmem>>) target(%dma_start3A_101 : memref<128x64xbf16, #tpu.memory_space<hbm>>) target_semaphore(%run_scoped3A : memref<!tpu.dma_semaphore, #tpu.memory_space<semaphore_mem>>)
      %dma_wait3A_105 = arith.constant 0 : i32
      %dma_wait3A_106 = arith.constant 0 : i32
      %dma_wait3A_107 = tpu.memref_slice %arg9[%dma_wait3A_105, %dma_wait3A_106] : memref<128x64xbf16, #tpu.memory_space<vmem>> -> memref<128x64xbf16, #tpu.memory_space<vmem>>
      %dma_wait3A_108 = tpu.memref_slice %arg5[%add3A_92, %mul3A_2] : memref<10000x128xbf16, #tpu.memory_space<hbm>> -> memref<128x64xbf16, #tpu.memory_space<hbm>>
      %dma_wait3A_109 = tpu.memref_slice %arg5[%add3A_92, %mul3A_2] : memref<10000x128xbf16, #tpu.memory_space<hbm>> -> memref<128x64xbf16, #tpu.memory_space<hbm>>
      %dma_wait3A_110 = arith.constant 0 : i32
      %dma_wait3A_111 = arith.constant 0 : i32
      %dma_wait3A_112 = tpu.memref_slice %arg9[%dma_wait3A_110, %dma_wait3A_111] : memref<128x64xbf16, #tpu.memory_space<vmem>> -> memref<128x64xbf16, #tpu.memory_space<vmem>>
      tpu.wait_dma2 semaphore(%run_scoped3A : memref<!tpu.dma_semaphore, #tpu.memory_space<semaphore_mem>>) src(%dma_wait3A_112 : memref<128x64xbf16, #tpu.memory_space<vmem>>) dst(%dma_wait3A_109 : memref<128x64xbf16, #tpu.memory_space<hbm>>)
      tpu.yield
    }) : () -> ()
    %add3A_93 = arith.constant 512 : i32
    %add3A_94 = arith.addi %mul3A_0, %add3A_93 : i32
    "tpu.region"() ({
      %run_scoped3A = tpu.sem_alloc : memref<!tpu.dma_semaphore, #tpu.memory_space<semaphore_mem>>
      %dma_start3A_97 = arith.constant 0 : i32
      %dma_start3A_98 = arith.constant 0 : i32
      %dma_start3A_99 = tpu.memref_slice %arg8[%dma_start3A_97, %dma_start3A_98] : memref<128x64xbf16, #tpu.memory_space<vmem>> -> memref<113x64xbf16, #tpu.memory_space<vmem>>
      %dma_start3A_100 = arith.constant 0 : i32
      %dma_start3A_101 = tpu.memref_slice %arg13[%add3A_94, %dma_start3A_100] : memref<10240x64xbf16, #tpu.memory_space<vmem_shared>> -> memref<113x64xbf16, #tpu.memory_space<vmem_shared>>
      %dma_start3A_102 = arith.constant 0 : i32
      %dma_start3A_103 = arith.constant 0 : i32
      %dma_start3A_104 = tpu.memref_slice %arg8[%dma_start3A_102, %dma_start3A_103] : memref<128x64xbf16, #tpu.memory_space<vmem>> -> memref<113x64xbf16, #tpu.memory_space<vmem>>
      %dma_start3A_105 = arith.constant 0 : i32
      %dma_start3A_106 = tpu.memref_slice %arg13[%add3A_94, %dma_start3A_105] : memref<10240x64xbf16, #tpu.memory_space<vmem_shared>> -> memref<113x64xbf16, #tpu.memory_space<vmem_shared>>
      tpu.enqueue_dma source(%dma_start3A_106 : memref<113x64xbf16, #tpu.memory_space<vmem_shared>>) target(%dma_start3A_104 : memref<113x64xbf16, #tpu.memory_space<vmem>>) target_semaphore(%run_scoped3A : memref<!tpu.dma_semaphore, #tpu.memory_space<semaphore_mem>>)
      %dma_wait3A_107 = arith.constant 0 : i32
      %dma_wait3A_108 = arith.constant 0 : i32
      %dma_wait3A_109 = tpu.memref_slice %arg8[%dma_wait3A_107, %dma_wait3A_108] : memref<128x64xbf16, #tpu.memory_space<vmem>> -> memref<113x64xbf16, #tpu.memory_space<vmem>>
      %dma_wait3A_110 = arith.constant 0 : i32
      %dma_wait3A_111 = tpu.memref_slice %arg13[%add3A_94, %dma_wait3A_110] : memref<10240x64xbf16, #tpu.memory_space<vmem_shared>> -> memref<113x64xbf16, #tpu.memory_space<vmem_shared>>
      %dma_wait3A_112 = arith.constant 0 : i32
      %dma_wait3A_113 = arith.constant 0 : i32
      %dma_wait3A_114 = tpu.memref_slice %arg8[%dma_wait3A_112, %dma_wait3A_113] : memref<128x64xbf16, #tpu.memory_space<vmem>> -> memref<113x64xbf16, #tpu.memory_space<vmem>>
      %dma_wait3A_115 = arith.constant 0 : i32
      %dma_wait3A_116 = tpu.memref_slice %arg13[%add3A_94, %dma_wait3A_115] : memref<10240x64xbf16, #tpu.memory_space<vmem_shared>> -> memref<113x64xbf16, #tpu.memory_space<vmem_shared>>
      tpu.wait_dma2 semaphore(%run_scoped3A : memref<!tpu.dma_semaphore, #tpu.memory_space<semaphore_mem>>) src(%dma_wait3A_116 : memref<113x64xbf16, #tpu.memory_space<vmem_shared>>) dst(%dma_wait3A_114 : memref<113x64xbf16, #tpu.memory_space<vmem>>)
      tpu.yield
    }) : () -> ()
    %add3A_95 = arith.constant 512 : i32
    %add3A_96 = arith.addi %mul3A_0, %add3A_95 : i32
    "tpu.region"() ({
      %run_scoped3A = tpu.sem_alloc : memref<!tpu.dma_semaphore, #tpu.memory_space<semaphore_mem>>
      %dma_start3A_97 = arith.constant 0 : i32
      %dma_start3A_98 = arith.constant 0 : i32
      %dma_start3A_99 = tpu.memref_slice %arg8[%dma_start3A_97, %dma_start3A_98] : memref<128x64xbf16, #tpu.memory_space<vmem>> -> memref<113x64xbf16, #tpu.memory_space<vmem>>
      %dma_start3A_100 = tpu.memref_slice %arg5[%add3A_96, %mul3A_2] : memref<10000x128xbf16, #tpu.memory_space<hbm>> -> memref<113x64xbf16, #tpu.memory_space<hbm>>
      %dma_start3A_101 = tpu.memref_slice %arg5[%add3A_96, %mul3A_2] : memref<10000x128xbf16, #tpu.memory_space<hbm>> -> memref<113x64xbf16, #tpu.memory_space<hbm>>
      %dma_start3A_102 = arith.constant 0 : i32
      %dma_start3A_103 = arith.constant 0 : i32
      %dma_start3A_104 = tpu.memref_slice %arg8[%dma_start3A_102, %dma_start3A_103] : memref<128x64xbf16, #tpu.memory_space<vmem>> -> memref<113x64xbf16, #tpu.memory_space<vmem>>
      tpu.enqueue_dma source(%dma_start3A_104 : memref<113x64xbf16, #tpu.memory_space<vmem>>) target(%dma_start3A_101 : memref<113x64xbf16, #tpu.memory_space<hbm>>) target_semaphore(%run_scoped3A : memref<!tpu.dma_semaphore, #tpu.memory_space<semaphore_mem>>)
      %dma_wait3A_105 = arith.constant 0 : i32
      %dma_wait3A_106 = arith.constant 0 : i32
      %dma_wait3A_107 = tpu.memref_slice %arg8[%dma_wait3A_105, %dma_wait3A_106] : memref<128x64xbf16, #tpu.memory_space<vmem>> -> memref<113x64xbf16, #tpu.memory_space<vmem>>
      %dma_wait3A_108 = tpu.memref_slice %arg5[%add3A_96, %mul3A_2] : memref<10000x128xbf16, #tpu.memory_space<hbm>> -> memref<113x64xbf16, #tpu.memory_space<hbm>>
      %dma_wait3A_109 = tpu.memref_slice %arg5[%add3A_96, %mul3A_2] : memref<10000x128xbf16, #tpu.memory_space<hbm>> -> memref<113x64xbf16, #tpu.memory_space<hbm>>
      %dma_wait3A_110 = arith.constant 0 : i32
      %dma_wait3A_111 = arith.constant 0 : i32
      %dma_wait3A_112 = tpu.memref_slice %arg8[%dma_wait3A_110, %dma_wait3A_111] : memref<128x64xbf16, #tpu.memory_space<vmem>> -> memref<113x64xbf16, #tpu.memory_space<vmem>>
      tpu.wait_dma2 semaphore(%run_scoped3A : memref<!tpu.dma_semaphore, #tpu.memory_space<semaphore_mem>>) src(%dma_wait3A_112 : memref<113x64xbf16, #tpu.memory_space<vmem>>) dst(%dma_wait3A_109 : memref<113x64xbf16, #tpu.memory_space<hbm>>)
      tpu.yield
    }) : () -> ()
    return
  }
}

#map = affine_map<(d0, d1) -> (0, 0, 0)>
#map1 = affine_map<(d0, d1) -> (0, 0)>
module attributes {stable_mosaic.version = 14 : i64} {
  func.func @_deg_sc(%arg0: i32, %arg1: i32, %arg2: memref<16x160x128xi32, #tpu.memory_space<hbm>>, %arg3: memref<10000x16xf32, #tpu.memory_space<hbm>>, %arg4: memref<128x16xf32, #tpu.memory_space<hbm>>, %arg5: memref<10000x16xf32, #tpu.memory_space<hbm>>, %arg6: memref<160x128xi32, #tpu.memory_space<vmem>>, %arg7: memref<128x16xf32, #tpu.memory_space<vmem>>, %arg8: memref<10240x16xf32, #tpu.memory_space<vmem_shared>>, %arg9: memref<!tpu.dma_semaphore, #tpu.memory_space<semaphore_mem>>) attributes {dimension_semantics = [#tpu.dimension_semantics<core_parallel>, #tpu.dimension_semantics<subcore_parallel>], iteration_bounds = array<i64: 2, 16>, scalar_prefetch = 0 : i64, scratch_operands = 4 : i64, tpu.core_type = #tpu.core_type<sc_vector_subcore>, window_params = [{transform_indices = #map}, {transform_indices = #map1}, {transform_indices = #map1}, {transform_indices = #map1}]} {
    "tpu.region"() ({
      %run_scoped3A = tpu.sem_alloc : memref<!tpu.dma_semaphore, #tpu.memory_space<semaphore_mem>>
      %dma_start3A = arith.constant 0 : i32
      %dma_start3A_10 = arith.constant 0 : i32
      %dma_start3A_11 = tpu.memref_slice %arg2[%arg1, %dma_start3A, %dma_start3A_10] : memref<16x160x128xi32, #tpu.memory_space<hbm>> -> memref<1x160x128xi32, #tpu.memory_space<hbm>>
      %dma_start3A_12 = tpu.memref_squeeze %dma_start3A_11 : memref<1x160x128xi32, #tpu.memory_space<hbm>> -> memref<160x128xi32, #tpu.memory_space<hbm>>
      %dma_start3A_13 = arith.constant 0 : i32
      %dma_start3A_14 = arith.constant 0 : i32
      %dma_start3A_15 = tpu.memref_slice %arg2[%arg1, %dma_start3A_13, %dma_start3A_14] : memref<16x160x128xi32, #tpu.memory_space<hbm>> -> memref<1x160x128xi32, #tpu.memory_space<hbm>>
      %dma_start3A_16 = tpu.memref_squeeze %dma_start3A_15 : memref<1x160x128xi32, #tpu.memory_space<hbm>> -> memref<160x128xi32, #tpu.memory_space<hbm>>
      tpu.enqueue_dma source(%dma_start3A_16 : memref<160x128xi32, #tpu.memory_space<hbm>>) target(%arg6 : memref<160x128xi32, #tpu.memory_space<vmem>>) target_semaphore(%run_scoped3A : memref<!tpu.dma_semaphore, #tpu.memory_space<semaphore_mem>>)
      %dma_wait3A = arith.constant 0 : i32
      %dma_wait3A_17 = arith.constant 0 : i32
      %dma_wait3A_18 = tpu.memref_slice %arg2[%arg1, %dma_wait3A, %dma_wait3A_17] : memref<16x160x128xi32, #tpu.memory_space<hbm>> -> memref<1x160x128xi32, #tpu.memory_space<hbm>>
      %dma_wait3A_19 = tpu.memref_squeeze %dma_wait3A_18 : memref<1x160x128xi32, #tpu.memory_space<hbm>> -> memref<160x128xi32, #tpu.memory_space<hbm>>
      %dma_wait3A_20 = arith.constant 0 : i32
      %dma_wait3A_21 = arith.constant 0 : i32
      %dma_wait3A_22 = tpu.memref_slice %arg2[%arg1, %dma_wait3A_20, %dma_wait3A_21] : memref<16x160x128xi32, #tpu.memory_space<hbm>> -> memref<1x160x128xi32, #tpu.memory_space<hbm>>
      %dma_wait3A_23 = tpu.memref_squeeze %dma_wait3A_22 : memref<1x160x128xi32, #tpu.memory_space<hbm>> -> memref<160x128xi32, #tpu.memory_space<hbm>>
      tpu.wait_dma2 semaphore(%run_scoped3A : memref<!tpu.dma_semaphore, #tpu.memory_space<semaphore_mem>>) src(%dma_wait3A_23 : memref<160x128xi32, #tpu.memory_space<hbm>>) dst(%arg6 : memref<160x128xi32, #tpu.memory_space<vmem>>)
      tpu.yield
    }) : () -> ()
    "tpu.region"() ({
      %run_scoped3A = tpu.sem_alloc : memref<!tpu.dma_semaphore, #tpu.memory_space<semaphore_mem>>
      tpu.enqueue_dma source(%arg4 : memref<128x16xf32, #tpu.memory_space<hbm>>) target(%arg7 : memref<128x16xf32, #tpu.memory_space<vmem>>) target_semaphore(%run_scoped3A : memref<!tpu.dma_semaphore, #tpu.memory_space<semaphore_mem>>)
      tpu.wait_dma2 semaphore(%run_scoped3A : memref<!tpu.dma_semaphore, #tpu.memory_space<semaphore_mem>>) src(%arg4 : memref<128x16xf32, #tpu.memory_space<hbm>>) dst(%arg7 : memref<128x16xf32, #tpu.memory_space<vmem>>)
      tpu.yield
    }) : () -> ()
    %mul3A = arith.constant 625 : i32
    %mul3A_0 = arith.muli %arg1, %mul3A : i32
    %mul3A_1 = arith.constant 625 : i32
    %mul3A_2 = arith.muli %arg1, %mul3A_1 : i32
    "tpu.region"() ({
      %run_scoped3A = tpu.sem_alloc : memref<!tpu.dma_semaphore, #tpu.memory_space<semaphore_mem>>
      %dma_start3A = arith.constant 0 : i32
      %dma_start3A_10 = tpu.memref_slice %arg8[%mul3A_2, %dma_start3A] : memref<10240x16xf32, #tpu.memory_space<vmem_shared>> -> memref<625x16xf32, #tpu.memory_space<vmem_shared>>
      %dma_start3A_11 = arith.constant 0 : i32
      %dma_start3A_12 = tpu.memref_slice %arg3[%mul3A_0, %dma_start3A_11] : memref<10000x16xf32, #tpu.memory_space<hbm>> -> memref<625x16xf32, #tpu.memory_space<hbm>>
      tpu.enqueue_dma source(%dma_start3A_12 : memref<625x16xf32, #tpu.memory_space<hbm>>) target(%dma_start3A_10 : memref<625x16xf32, #tpu.memory_space<vmem_shared>>) target_semaphore(%run_scoped3A : memref<!tpu.dma_semaphore, #tpu.memory_space<semaphore_mem>>)
      %dma_wait3A = arith.constant 0 : i32
      %dma_wait3A_13 = tpu.memref_slice %arg8[%mul3A_2, %dma_wait3A] : memref<10240x16xf32, #tpu.memory_space<vmem_shared>> -> memref<625x16xf32, #tpu.memory_space<vmem_shared>>
      %dma_wait3A_14 = arith.constant 0 : i32
      %dma_wait3A_15 = tpu.memref_slice %arg3[%mul3A_0, %dma_wait3A_14] : memref<10000x16xf32, #tpu.memory_space<hbm>> -> memref<625x16xf32, #tpu.memory_space<hbm>>
      tpu.wait_dma2 semaphore(%run_scoped3A : memref<!tpu.dma_semaphore, #tpu.memory_space<semaphore_mem>>) src(%dma_wait3A_15 : memref<625x16xf32, #tpu.memory_space<hbm>>) dst(%dma_wait3A_13 : memref<625x16xf32, #tpu.memory_space<vmem_shared>>)
      tpu.yield
    }) : () -> ()
    %barrier3A = arith.constant 0 : index
    tpu.barrier barrier_id(%barrier3A)
    %scan3A = arith.constant 0 : i32
    %scan3A_3 = arith.constant 20 : i32
    %scan3A_4 = arith.addi %scan3A, %scan3A_3 : i32
    %scan3A_5 = arith.constant 1 : i32
    scf.for %scan3A_10 = %scan3A to %scan3A_4 step %scan3A_5  : i32 {
      %mul3A_11 = arith.constant 8 : i32
      %mul3A_12 = arith.muli %scan3A_10, %mul3A_11 : i32
      %add3A = arith.constant 0 : i32
      %add3A_13 = arith.addi %add3A, %mul3A_12 : i32
      %add3A_14 = arith.constant 0 : i32
      %add3A_15 = arith.addi %add3A_13, %add3A_14 : i32
      %dma_start3A = arith.constant 0 : i32
      %dma_start3A_16 = tpu.memref_slice %arg6[%add3A_15, %dma_start3A] : memref<160x128xi32, #tpu.memory_space<vmem>> -> memref<1x128xi32, #tpu.memory_space<vmem>>
      %dma_start3A_17 = tpu.memref_squeeze %dma_start3A_16 : memref<1x128xi32, #tpu.memory_space<vmem>> -> memref<128xi32, #tpu.memory_space<vmem>>
      %dma_start3A_18 = arith.constant 0 : i32
      %dma_start3A_19 = arith.constant 0 : i32
      %dma_start3A_20 = tpu.memref_slice %arg8[%dma_start3A_18, %dma_start3A_19] : memref<10240x16xf32, #tpu.memory_space<vmem_shared>> -> memref<10240x16xf32, #tpu.memory_space<vmem_shared>>
      tpu.enqueue_indirect_dma source(%arg7 : memref<128x16xf32, #tpu.memory_space<vmem>>) target(%dma_start3A_20 : memref<10240x16xf32, #tpu.memory_space<vmem_shared>>) offsets(%dma_start3A_17 : memref<128xi32, #tpu.memory_space<vmem>>) semaphore(%arg9 : memref<!tpu.dma_semaphore, #tpu.memory_space<semaphore_mem>>) {add = true}
      %add3A_21 = arith.constant 1 : i32
      %add3A_22 = arith.addi %add3A_13, %add3A_21 : i32
      %dma_start3A_23 = arith.constant 0 : i32
      %dma_start3A_24 = tpu.memref_slice %arg6[%add3A_22, %dma_start3A_23] : memref<160x128xi32, #tpu.memory_space<vmem>> -> memref<1x128xi32, #tpu.memory_space<vmem>>
      %dma_start3A_25 = tpu.memref_squeeze %dma_start3A_24 : memref<1x128xi32, #tpu.memory_space<vmem>> -> memref<128xi32, #tpu.memory_space<vmem>>
      %dma_start3A_26 = arith.constant 0 : i32
      %dma_start3A_27 = arith.constant 0 : i32
      %dma_start3A_28 = tpu.memref_slice %arg8[%dma_start3A_26, %dma_start3A_27] : memref<10240x16xf32, #tpu.memory_space<vmem_shared>> -> memref<10240x16xf32, #tpu.memory_space<vmem_shared>>
      tpu.enqueue_indirect_dma source(%arg7 : memref<128x16xf32, #tpu.memory_space<vmem>>) target(%dma_start3A_28 : memref<10240x16xf32, #tpu.memory_space<vmem_shared>>) offsets(%dma_start3A_25 : memref<128xi32, #tpu.memory_space<vmem>>) semaphore(%arg9 : memref<!tpu.dma_semaphore, #tpu.memory_space<semaphore_mem>>) {add = true}
      %add3A_29 = arith.constant 2 : i32
      %add3A_30 = arith.addi %add3A_13, %add3A_29 : i32
      %dma_start3A_31 = arith.constant 0 : i32
      %dma_start3A_32 = tpu.memref_slice %arg6[%add3A_30, %dma_start3A_31] : memref<160x128xi32, #tpu.memory_space<vmem>> -> memref<1x128xi32, #tpu.memory_space<vmem>>
      %dma_start3A_33 = tpu.memref_squeeze %dma_start3A_32 : memref<1x128xi32, #tpu.memory_space<vmem>> -> memref<128xi32, #tpu.memory_space<vmem>>
      %dma_start3A_34 = arith.constant 0 : i32
      %dma_start3A_35 = arith.constant 0 : i32
      %dma_start3A_36 = tpu.memref_slice %arg8[%dma_start3A_34, %dma_start3A_35] : memref<10240x16xf32, #tpu.memory_space<vmem_shared>> -> memref<10240x16xf32, #tpu.memory_space<vmem_shared>>
      tpu.enqueue_indirect_dma source(%arg7 : memref<128x16xf32, #tpu.memory_space<vmem>>) target(%dma_start3A_36 : memref<10240x16xf32, #tpu.memory_space<vmem_shared>>) offsets(%dma_start3A_33 : memref<128xi32, #tpu.memory_space<vmem>>) semaphore(%arg9 : memref<!tpu.dma_semaphore, #tpu.memory_space<semaphore_mem>>) {add = true}
      %add3A_37 = arith.constant 3 : i32
      %add3A_38 = arith.addi %add3A_13, %add3A_37 : i32
      %dma_start3A_39 = arith.constant 0 : i32
      %dma_start3A_40 = tpu.memref_slice %arg6[%add3A_38, %dma_start3A_39] : memref<160x128xi32, #tpu.memory_space<vmem>> -> memref<1x128xi32, #tpu.memory_space<vmem>>
      %dma_start3A_41 = tpu.memref_squeeze %dma_start3A_40 : memref<1x128xi32, #tpu.memory_space<vmem>> -> memref<128xi32, #tpu.memory_space<vmem>>
      %dma_start3A_42 = arith.constant 0 : i32
      %dma_start3A_43 = arith.constant 0 : i32
      %dma_start3A_44 = tpu.memref_slice %arg8[%dma_start3A_42, %dma_start3A_43] : memref<10240x16xf32, #tpu.memory_space<vmem_shared>> -> memref<10240x16xf32, #tpu.memory_space<vmem_shared>>
      tpu.enqueue_indirect_dma source(%arg7 : memref<128x16xf32, #tpu.memory_space<vmem>>) target(%dma_start3A_44 : memref<10240x16xf32, #tpu.memory_space<vmem_shared>>) offsets(%dma_start3A_41 : memref<128xi32, #tpu.memory_space<vmem>>) semaphore(%arg9 : memref<!tpu.dma_semaphore, #tpu.memory_space<semaphore_mem>>) {add = true}
      %add3A_45 = arith.constant 4 : i32
      %add3A_46 = arith.addi %add3A_13, %add3A_45 : i32
      %dma_start3A_47 = arith.constant 0 : i32
      %dma_start3A_48 = tpu.memref_slice %arg6[%add3A_46, %dma_start3A_47] : memref<160x128xi32, #tpu.memory_space<vmem>> -> memref<1x128xi32, #tpu.memory_space<vmem>>
      %dma_start3A_49 = tpu.memref_squeeze %dma_start3A_48 : memref<1x128xi32, #tpu.memory_space<vmem>> -> memref<128xi32, #tpu.memory_space<vmem>>
      %dma_start3A_50 = arith.constant 0 : i32
      %dma_start3A_51 = arith.constant 0 : i32
      %dma_start3A_52 = tpu.memref_slice %arg8[%dma_start3A_50, %dma_start3A_51] : memref<10240x16xf32, #tpu.memory_space<vmem_shared>> -> memref<10240x16xf32, #tpu.memory_space<vmem_shared>>
      tpu.enqueue_indirect_dma source(%arg7 : memref<128x16xf32, #tpu.memory_space<vmem>>) target(%dma_start3A_52 : memref<10240x16xf32, #tpu.memory_space<vmem_shared>>) offsets(%dma_start3A_49 : memref<128xi32, #tpu.memory_space<vmem>>) semaphore(%arg9 : memref<!tpu.dma_semaphore, #tpu.memory_space<semaphore_mem>>) {add = true}
      %add3A_53 = arith.constant 5 : i32
      %add3A_54 = arith.addi %add3A_13, %add3A_53 : i32
      %dma_start3A_55 = arith.constant 0 : i32
      %dma_start3A_56 = tpu.memref_slice %arg6[%add3A_54, %dma_start3A_55] : memref<160x128xi32, #tpu.memory_space<vmem>> -> memref<1x128xi32, #tpu.memory_space<vmem>>
      %dma_start3A_57 = tpu.memref_squeeze %dma_start3A_56 : memref<1x128xi32, #tpu.memory_space<vmem>> -> memref<128xi32, #tpu.memory_space<vmem>>
      %dma_start3A_58 = arith.constant 0 : i32
      %dma_start3A_59 = arith.constant 0 : i32
      %dma_start3A_60 = tpu.memref_slice %arg8[%dma_start3A_58, %dma_start3A_59] : memref<10240x16xf32, #tpu.memory_space<vmem_shared>> -> memref<10240x16xf32, #tpu.memory_space<vmem_shared>>
      tpu.enqueue_indirect_dma source(%arg7 : memref<128x16xf32, #tpu.memory_space<vmem>>) target(%dma_start3A_60 : memref<10240x16xf32, #tpu.memory_space<vmem_shared>>) offsets(%dma_start3A_57 : memref<128xi32, #tpu.memory_space<vmem>>) semaphore(%arg9 : memref<!tpu.dma_semaphore, #tpu.memory_space<semaphore_mem>>) {add = true}
      %add3A_61 = arith.constant 6 : i32
      %add3A_62 = arith.addi %add3A_13, %add3A_61 : i32
      %dma_start3A_63 = arith.constant 0 : i32
      %dma_start3A_64 = tpu.memref_slice %arg6[%add3A_62, %dma_start3A_63] : memref<160x128xi32, #tpu.memory_space<vmem>> -> memref<1x128xi32, #tpu.memory_space<vmem>>
      %dma_start3A_65 = tpu.memref_squeeze %dma_start3A_64 : memref<1x128xi32, #tpu.memory_space<vmem>> -> memref<128xi32, #tpu.memory_space<vmem>>
      %dma_start3A_66 = arith.constant 0 : i32
      %dma_start3A_67 = arith.constant 0 : i32
      %dma_start3A_68 = tpu.memref_slice %arg8[%dma_start3A_66, %dma_start3A_67] : memref<10240x16xf32, #tpu.memory_space<vmem_shared>> -> memref<10240x16xf32, #tpu.memory_space<vmem_shared>>
      tpu.enqueue_indirect_dma source(%arg7 : memref<128x16xf32, #tpu.memory_space<vmem>>) target(%dma_start3A_68 : memref<10240x16xf32, #tpu.memory_space<vmem_shared>>) offsets(%dma_start3A_65 : memref<128xi32, #tpu.memory_space<vmem>>) semaphore(%arg9 : memref<!tpu.dma_semaphore, #tpu.memory_space<semaphore_mem>>) {add = true}
      %add3A_69 = arith.constant 7 : i32
      %add3A_70 = arith.addi %add3A_13, %add3A_69 : i32
      %dma_start3A_71 = arith.constant 0 : i32
      %dma_start3A_72 = tpu.memref_slice %arg6[%add3A_70, %dma_start3A_71] : memref<160x128xi32, #tpu.memory_space<vmem>> -> memref<1x128xi32, #tpu.memory_space<vmem>>
      %dma_start3A_73 = tpu.memref_squeeze %dma_start3A_72 : memref<1x128xi32, #tpu.memory_space<vmem>> -> memref<128xi32, #tpu.memory_space<vmem>>
      %dma_start3A_74 = arith.constant 0 : i32
      %dma_start3A_75 = arith.constant 0 : i32
      %dma_start3A_76 = tpu.memref_slice %arg8[%dma_start3A_74, %dma_start3A_75] : memref<10240x16xf32, #tpu.memory_space<vmem_shared>> -> memref<10240x16xf32, #tpu.memory_space<vmem_shared>>
      tpu.enqueue_indirect_dma source(%arg7 : memref<128x16xf32, #tpu.memory_space<vmem>>) target(%dma_start3A_76 : memref<10240x16xf32, #tpu.memory_space<vmem_shared>>) offsets(%dma_start3A_73 : memref<128xi32, #tpu.memory_space<vmem>>) semaphore(%arg9 : memref<!tpu.dma_semaphore, #tpu.memory_space<semaphore_mem>>) {add = true}
      %add3A_77 = arith.constant 0 : i32
      %add3A_78 = arith.addi %add3A_13, %add3A_77 : i32
      %dma_wait3A = arith.constant 0 : i32
      %dma_wait3A_79 = tpu.memref_slice %arg6[%add3A_78, %dma_wait3A] : memref<160x128xi32, #tpu.memory_space<vmem>> -> memref<1x128xi32, #tpu.memory_space<vmem>>
      %dma_wait3A_80 = tpu.memref_squeeze %dma_wait3A_79 : memref<1x128xi32, #tpu.memory_space<vmem>> -> memref<128xi32, #tpu.memory_space<vmem>>
      %dma_wait3A_81 = arith.constant 0 : i32
      %dma_wait3A_82 = arith.constant 0 : i32
      %dma_wait3A_83 = tpu.memref_slice %arg8[%dma_wait3A_81, %dma_wait3A_82] : memref<10240x16xf32, #tpu.memory_space<vmem_shared>> -> memref<10240x16xf32, #tpu.memory_space<vmem_shared>>
      tpu.wait_indirect_dma semaphore(%arg9 : memref<!tpu.dma_semaphore, #tpu.memory_space<semaphore_mem>>) src(%arg7 : memref<128x16xf32, #tpu.memory_space<vmem>>) dst(%dma_wait3A_83 : memref<10240x16xf32, #tpu.memory_space<vmem_shared>>)
      %add3A_84 = arith.constant 1 : i32
      %add3A_85 = arith.addi %add3A_13, %add3A_84 : i32
      %dma_wait3A_86 = arith.constant 0 : i32
      %dma_wait3A_87 = tpu.memref_slice %arg6[%add3A_85, %dma_wait3A_86] : memref<160x128xi32, #tpu.memory_space<vmem>> -> memref<1x128xi32, #tpu.memory_space<vmem>>
      %dma_wait3A_88 = tpu.memref_squeeze %dma_wait3A_87 : memref<1x128xi32, #tpu.memory_space<vmem>> -> memref<128xi32, #tpu.memory_space<vmem>>
      %dma_wait3A_89 = arith.constant 0 : i32
      %dma_wait3A_90 = arith.constant 0 : i32
      %dma_wait3A_91 = tpu.memref_slice %arg8[%dma_wait3A_89, %dma_wait3A_90] : memref<10240x16xf32, #tpu.memory_space<vmem_shared>> -> memref<10240x16xf32, #tpu.memory_space<vmem_shared>>
      tpu.wait_indirect_dma semaphore(%arg9 : memref<!tpu.dma_semaphore, #tpu.memory_space<semaphore_mem>>) src(%arg7 : memref<128x16xf32, #tpu.memory_space<vmem>>) dst(%dma_wait3A_91 : memref<10240x16xf32, #tpu.memory_space<vmem_shared>>)
      %add3A_92 = arith.constant 2 : i32
      %add3A_93 = arith.addi %add3A_13, %add3A_92 : i32
      %dma_wait3A_94 = arith.constant 0 : i32
      %dma_wait3A_95 = tpu.memref_slice %arg6[%add3A_93, %dma_wait3A_94] : memref<160x128xi32, #tpu.memory_space<vmem>> -> memref<1x128xi32, #tpu.memory_space<vmem>>
      %dma_wait3A_96 = tpu.memref_squeeze %dma_wait3A_95 : memref<1x128xi32, #tpu.memory_space<vmem>> -> memref<128xi32, #tpu.memory_space<vmem>>
      %dma_wait3A_97 = arith.constant 0 : i32
      %dma_wait3A_98 = arith.constant 0 : i32
      %dma_wait3A_99 = tpu.memref_slice %arg8[%dma_wait3A_97, %dma_wait3A_98] : memref<10240x16xf32, #tpu.memory_space<vmem_shared>> -> memref<10240x16xf32, #tpu.memory_space<vmem_shared>>
      tpu.wait_indirect_dma semaphore(%arg9 : memref<!tpu.dma_semaphore, #tpu.memory_space<semaphore_mem>>) src(%arg7 : memref<128x16xf32, #tpu.memory_space<vmem>>) dst(%dma_wait3A_99 : memref<10240x16xf32, #tpu.memory_space<vmem_shared>>)
      %add3A_100 = arith.constant 3 : i32
      %add3A_101 = arith.addi %add3A_13, %add3A_100 : i32
      %dma_wait3A_102 = arith.constant 0 : i32
      %dma_wait3A_103 = tpu.memref_slice %arg6[%add3A_101, %dma_wait3A_102] : memref<160x128xi32, #tpu.memory_space<vmem>> -> memref<1x128xi32, #tpu.memory_space<vmem>>
      %dma_wait3A_104 = tpu.memref_squeeze %dma_wait3A_103 : memref<1x128xi32, #tpu.memory_space<vmem>> -> memref<128xi32, #tpu.memory_space<vmem>>
      %dma_wait3A_105 = arith.constant 0 : i32
      %dma_wait3A_106 = arith.constant 0 : i32
      %dma_wait3A_107 = tpu.memref_slice %arg8[%dma_wait3A_105, %dma_wait3A_106] : memref<10240x16xf32, #tpu.memory_space<vmem_shared>> -> memref<10240x16xf32, #tpu.memory_space<vmem_shared>>
      tpu.wait_indirect_dma semaphore(%arg9 : memref<!tpu.dma_semaphore, #tpu.memory_space<semaphore_mem>>) src(%arg7 : memref<128x16xf32, #tpu.memory_space<vmem>>) dst(%dma_wait3A_107 : memref<10240x16xf32, #tpu.memory_space<vmem_shared>>)
      %add3A_108 = arith.constant 4 : i32
      %add3A_109 = arith.addi %add3A_13, %add3A_108 : i32
      %dma_wait3A_110 = arith.constant 0 : i32
      %dma_wait3A_111 = tpu.memref_slice %arg6[%add3A_109, %dma_wait3A_110] : memref<160x128xi32, #tpu.memory_space<vmem>> -> memref<1x128xi32, #tpu.memory_space<vmem>>
      %dma_wait3A_112 = tpu.memref_squeeze %dma_wait3A_111 : memref<1x128xi32, #tpu.memory_space<vmem>> -> memref<128xi32, #tpu.memory_space<vmem>>
      %dma_wait3A_113 = arith.constant 0 : i32
      %dma_wait3A_114 = arith.constant 0 : i32
      %dma_wait3A_115 = tpu.memref_slice %arg8[%dma_wait3A_113, %dma_wait3A_114] : memref<10240x16xf32, #tpu.memory_space<vmem_shared>> -> memref<10240x16xf32, #tpu.memory_space<vmem_shared>>
      tpu.wait_indirect_dma semaphore(%arg9 : memref<!tpu.dma_semaphore, #tpu.memory_space<semaphore_mem>>) src(%arg7 : memref<128x16xf32, #tpu.memory_space<vmem>>) dst(%dma_wait3A_115 : memref<10240x16xf32, #tpu.memory_space<vmem_shared>>)
      %add3A_116 = arith.constant 5 : i32
      %add3A_117 = arith.addi %add3A_13, %add3A_116 : i32
      %dma_wait3A_118 = arith.constant 0 : i32
      %dma_wait3A_119 = tpu.memref_slice %arg6[%add3A_117, %dma_wait3A_118] : memref<160x128xi32, #tpu.memory_space<vmem>> -> memref<1x128xi32, #tpu.memory_space<vmem>>
      %dma_wait3A_120 = tpu.memref_squeeze %dma_wait3A_119 : memref<1x128xi32, #tpu.memory_space<vmem>> -> memref<128xi32, #tpu.memory_space<vmem>>
      %dma_wait3A_121 = arith.constant 0 : i32
      %dma_wait3A_122 = arith.constant 0 : i32
      %dma_wait3A_123 = tpu.memref_slice %arg8[%dma_wait3A_121, %dma_wait3A_122] : memref<10240x16xf32, #tpu.memory_space<vmem_shared>> -> memref<10240x16xf32, #tpu.memory_space<vmem_shared>>
      tpu.wait_indirect_dma semaphore(%arg9 : memref<!tpu.dma_semaphore, #tpu.memory_space<semaphore_mem>>) src(%arg7 : memref<128x16xf32, #tpu.memory_space<vmem>>) dst(%dma_wait3A_123 : memref<10240x16xf32, #tpu.memory_space<vmem_shared>>)
      %add3A_124 = arith.constant 6 : i32
      %add3A_125 = arith.addi %add3A_13, %add3A_124 : i32
      %dma_wait3A_126 = arith.constant 0 : i32
      %dma_wait3A_127 = tpu.memref_slice %arg6[%add3A_125, %dma_wait3A_126] : memref<160x128xi32, #tpu.memory_space<vmem>> -> memref<1x128xi32, #tpu.memory_space<vmem>>
      %dma_wait3A_128 = tpu.memref_squeeze %dma_wait3A_127 : memref<1x128xi32, #tpu.memory_space<vmem>> -> memref<128xi32, #tpu.memory_space<vmem>>
      %dma_wait3A_129 = arith.constant 0 : i32
      %dma_wait3A_130 = arith.constant 0 : i32
      %dma_wait3A_131 = tpu.memref_slice %arg8[%dma_wait3A_129, %dma_wait3A_130] : memref<10240x16xf32, #tpu.memory_space<vmem_shared>> -> memref<10240x16xf32, #tpu.memory_space<vmem_shared>>
      tpu.wait_indirect_dma semaphore(%arg9 : memref<!tpu.dma_semaphore, #tpu.memory_space<semaphore_mem>>) src(%arg7 : memref<128x16xf32, #tpu.memory_space<vmem>>) dst(%dma_wait3A_131 : memref<10240x16xf32, #tpu.memory_space<vmem_shared>>)
      %add3A_132 = arith.constant 7 : i32
      %add3A_133 = arith.addi %add3A_13, %add3A_132 : i32
      %dma_wait3A_134 = arith.constant 0 : i32
      %dma_wait3A_135 = tpu.memref_slice %arg6[%add3A_133, %dma_wait3A_134] : memref<160x128xi32, #tpu.memory_space<vmem>> -> memref<1x128xi32, #tpu.memory_space<vmem>>
      %dma_wait3A_136 = tpu.memref_squeeze %dma_wait3A_135 : memref<1x128xi32, #tpu.memory_space<vmem>> -> memref<128xi32, #tpu.memory_space<vmem>>
      %dma_wait3A_137 = arith.constant 0 : i32
      %dma_wait3A_138 = arith.constant 0 : i32
      %dma_wait3A_139 = tpu.memref_slice %arg8[%dma_wait3A_137, %dma_wait3A_138] : memref<10240x16xf32, #tpu.memory_space<vmem_shared>> -> memref<10240x16xf32, #tpu.memory_space<vmem_shared>>
      tpu.wait_indirect_dma semaphore(%arg9 : memref<!tpu.dma_semaphore, #tpu.memory_space<semaphore_mem>>) src(%arg7 : memref<128x16xf32, #tpu.memory_space<vmem>>) dst(%dma_wait3A_139 : memref<10240x16xf32, #tpu.memory_space<vmem_shared>>)
    }
    %scan3A_6 = arith.constant 20 : i32
    %barrier3A_7 = arith.constant 0 : index
    tpu.barrier barrier_id(%barrier3A_7)
    %eq3A = arith.constant 0 : i32
    %eq3A_8 = arith.cmpi eq, %arg0, %eq3A : i32
    %convert_element_type3A = arith.extui %eq3A_8 : i1 to i32
    %cond3A = arith.constant 0 : i32
    %cond3A_9 = arith.cmpi ne, %convert_element_type3A, %cond3A : i32
    scf.if %cond3A_9 {
      %mul3A_10 = arith.constant 625 : i32
      %mul3A_11 = arith.muli %arg1, %mul3A_10 : i32
      %mul3A_12 = arith.constant 625 : i32
      %mul3A_13 = arith.muli %arg1, %mul3A_12 : i32
      "tpu.region"() ({
        %run_scoped3A = tpu.sem_alloc : memref<!tpu.dma_semaphore, #tpu.memory_space<semaphore_mem>>
        %dma_start3A = arith.constant 0 : i32
        %dma_start3A_14 = tpu.memref_slice %arg5[%mul3A_13, %dma_start3A] : memref<10000x16xf32, #tpu.memory_space<hbm>> -> memref<625x16xf32, #tpu.memory_space<hbm>>
        %dma_start3A_15 = arith.constant 0 : i32
        %dma_start3A_16 = tpu.memref_slice %arg8[%mul3A_11, %dma_start3A_15] : memref<10240x16xf32, #tpu.memory_space<vmem_shared>> -> memref<625x16xf32, #tpu.memory_space<vmem_shared>>
        tpu.enqueue_dma source(%dma_start3A_16 : memref<625x16xf32, #tpu.memory_space<vmem_shared>>) target(%dma_start3A_14 : memref<625x16xf32, #tpu.memory_space<hbm>>) target_semaphore(%run_scoped3A : memref<!tpu.dma_semaphore, #tpu.memory_space<semaphore_mem>>)
        %dma_wait3A = arith.constant 0 : i32
        %dma_wait3A_17 = tpu.memref_slice %arg5[%mul3A_13, %dma_wait3A] : memref<10000x16xf32, #tpu.memory_space<hbm>> -> memref<625x16xf32, #tpu.memory_space<hbm>>
        %dma_wait3A_18 = arith.constant 0 : i32
        %dma_wait3A_19 = tpu.memref_slice %arg8[%mul3A_11, %dma_wait3A_18] : memref<10240x16xf32, #tpu.memory_space<vmem_shared>> -> memref<625x16xf32, #tpu.memory_space<vmem_shared>>
        tpu.wait_dma2 semaphore(%run_scoped3A : memref<!tpu.dma_semaphore, #tpu.memory_space<semaphore_mem>>) src(%dma_wait3A_19 : memref<625x16xf32, #tpu.memory_space<vmem_shared>>) dst(%dma_wait3A_17 : memref<625x16xf32, #tpu.memory_space<hbm>>)
        tpu.yield
      }) : () -> ()
    } else {
    }
    return
  }
}

#map = affine_map<(d0, d1) -> (0, 0)>
#map1 = affine_map<(d0, d1) -> (0, 0, 0)>
module attributes {stable_mosaic.version = 14 : i64} {
  func.func @_prop_sc(%arg0: i32, %arg1: i32, %arg2: memref<10000x128xbf16, #tpu.memory_space<hbm>>, %arg3: memref<16x160x128xi32, #tpu.memory_space<hbm>>, %arg4: memref<16x160x128xi32, #tpu.memory_space<hbm>>, %arg5: memref<10000x128xbf16, #tpu.memory_space<hbm>>, %arg6: memref<160x128xi32, #tpu.memory_space<vmem>>, %arg7: memref<160x128xi32, #tpu.memory_space<vmem>>, %arg8: memref<128x64xbf16, #tpu.memory_space<vmem>>, %arg9: memref<128x64xbf16, #tpu.memory_space<vmem>>, %arg10: memref<128x64xbf16, #tpu.memory_space<vmem>>, %arg11: memref<128x64xbf16, #tpu.memory_space<vmem>>, %arg12: memref<10000x64xbf16, #tpu.memory_space<vmem_shared>>, %arg13: memref<10240x64xbf16, #tpu.memory_space<vmem_shared>>, %arg14: memref<!tpu.dma_semaphore, #tpu.memory_space<semaphore_mem>>, %arg15: memref<!tpu.dma_semaphore, #tpu.memory_space<semaphore_mem>>, %arg16: memref<!tpu.dma_semaphore, #tpu.memory_space<semaphore_mem>>, %arg17: memref<!tpu.dma_semaphore, #tpu.memory_space<semaphore_mem>>, %arg18: memref<!tpu.dma_semaphore, #tpu.memory_space<semaphore_mem>>, %arg19: memref<!tpu.dma_semaphore, #tpu.memory_space<semaphore_mem>>, %arg20: memref<!tpu.dma_semaphore, #tpu.memory_space<semaphore_mem>>, %arg21: memref<!tpu.dma_semaphore, #tpu.memory_space<semaphore_mem>>) attributes {dimension_semantics = [#tpu.dimension_semantics<core_parallel>, #tpu.dimension_semantics<subcore_parallel>], iteration_bounds = array<i64: 2, 16>, scalar_prefetch = 0 : i64, scratch_operands = 16 : i64, tpu.core_type = #tpu.core_type<sc_vector_subcore>, window_params = [{transform_indices = #map}, {transform_indices = #map1}, {transform_indices = #map1}, {transform_indices = #map}]} {
    %mul3A = arith.constant 625 : i32
    %mul3A_0 = arith.muli %arg1, %mul3A : i32
    %mul3A_1 = arith.constant 64 : i32
    %mul3A_2 = arith.muli %arg0, %mul3A_1 : i32
    %dma_start3A = arith.constant 0 : i32
    %dma_start3A_3 = arith.constant 0 : i32
    %dma_start3A_4 = tpu.memref_slice %arg3[%arg1, %dma_start3A, %dma_start3A_3] : memref<16x160x128xi32, #tpu.memory_space<hbm>> -> memref<1x160x128xi32, #tpu.memory_space<hbm>>
    %dma_start3A_5 = tpu.memref_squeeze %dma_start3A_4 : memref<1x160x128xi32, #tpu.memory_space<hbm>> -> memref<160x128xi32, #tpu.memory_space<hbm>>
    %dma_start3A_6 = arith.constant 0 : i32
    %dma_start3A_7 = arith.constant 0 : i32
    %dma_start3A_8 = tpu.memref_slice %arg3[%arg1, %dma_start3A_6, %dma_start3A_7] : memref<16x160x128xi32, #tpu.memory_space<hbm>> -> memref<1x160x128xi32, #tpu.memory_space<hbm>>
    %dma_start3A_9 = tpu.memref_squeeze %dma_start3A_8 : memref<1x160x128xi32, #tpu.memory_space<hbm>> -> memref<160x128xi32, #tpu.memory_space<hbm>>
    tpu.enqueue_dma source(%dma_start3A_9 : memref<160x128xi32, #tpu.memory_space<hbm>>) target(%arg6 : memref<160x128xi32, #tpu.memory_space<vmem>>) target_semaphore(%arg14 : memref<!tpu.dma_semaphore, #tpu.memory_space<semaphore_mem>>)
    %dma_start3A_10 = arith.constant 0 : i32
    %dma_start3A_11 = arith.constant 0 : i32
    %dma_start3A_12 = tpu.memref_slice %arg4[%arg1, %dma_start3A_10, %dma_start3A_11] : memref<16x160x128xi32, #tpu.memory_space<hbm>> -> memref<1x160x128xi32, #tpu.memory_space<hbm>>
    %dma_start3A_13 = tpu.memref_squeeze %dma_start3A_12 : memref<1x160x128xi32, #tpu.memory_space<hbm>> -> memref<160x128xi32, #tpu.memory_space<hbm>>
    %dma_start3A_14 = arith.constant 0 : i32
    %dma_start3A_15 = arith.constant 0 : i32
    %dma_start3A_16 = tpu.memref_slice %arg4[%arg1, %dma_start3A_14, %dma_start3A_15] : memref<16x160x128xi32, #tpu.memory_space<hbm>> -> memref<1x160x128xi32, #tpu.memory_space<hbm>>
    %dma_start3A_17 = tpu.memref_squeeze %dma_start3A_16 : memref<1x160x128xi32, #tpu.memory_space<hbm>> -> memref<160x128xi32, #tpu.memory_space<hbm>>
    tpu.enqueue_dma source(%dma_start3A_17 : memref<160x128xi32, #tpu.memory_space<hbm>>) target(%arg7 : memref<160x128xi32, #tpu.memory_space<vmem>>) target_semaphore(%arg15 : memref<!tpu.dma_semaphore, #tpu.memory_space<semaphore_mem>>)
    %dma_start3A_18 = arith.constant 0 : i32
    %dma_start3A_19 = tpu.memref_slice %arg12[%mul3A_0, %dma_start3A_18] : memref<10000x64xbf16, #tpu.memory_space<vmem_shared>> -> memref<625x64xbf16, #tpu.memory_space<vmem_shared>>
    %dma_start3A_20 = tpu.memref_slice %arg2[%mul3A_0, %mul3A_2] : memref<10000x128xbf16, #tpu.memory_space<hbm>> -> memref<625x64xbf16, #tpu.memory_space<hbm>>
    tpu.enqueue_dma source(%dma_start3A_20 : memref<625x64xbf16, #tpu.memory_space<hbm>>) target(%dma_start3A_19 : memref<625x64xbf16, #tpu.memory_space<vmem_shared>>) target_semaphore(%arg16 : memref<!tpu.dma_semaphore, #tpu.memory_space<semaphore_mem>>)
    %dma_start3A_21 = arith.constant 0 : i32
    %dma_start3A_22 = tpu.memref_slice %arg13[%mul3A_0, %dma_start3A_21] : memref<10240x64xbf16, #tpu.memory_space<vmem_shared>> -> memref<625x64xbf16, #tpu.memory_space<vmem_shared>>
    %dma_start3A_23 = tpu.memref_slice %arg2[%mul3A_0, %mul3A_2] : memref<10000x128xbf16, #tpu.memory_space<hbm>> -> memref<625x64xbf16, #tpu.memory_space<hbm>>
    tpu.enqueue_dma source(%dma_start3A_23 : memref<625x64xbf16, #tpu.memory_space<hbm>>) target(%dma_start3A_22 : memref<625x64xbf16, #tpu.memory_space<vmem_shared>>) target_semaphore(%arg17 : memref<!tpu.dma_semaphore, #tpu.memory_space<semaphore_mem>>)
    %dma_wait3A = arith.constant 0 : i32
    %dma_wait3A_24 = arith.constant 0 : i32
    %dma_wait3A_25 = tpu.memref_slice %arg3[%arg1, %dma_wait3A, %dma_wait3A_24] : memref<16x160x128xi32, #tpu.memory_space<hbm>> -> memref<1x160x128xi32, #tpu.memory_space<hbm>>
    %dma_wait3A_26 = tpu.memref_squeeze %dma_wait3A_25 : memref<1x160x128xi32, #tpu.memory_space<hbm>> -> memref<160x128xi32, #tpu.memory_space<hbm>>
    %dma_wait3A_27 = arith.constant 0 : i32
    %dma_wait3A_28 = arith.constant 0 : i32
    %dma_wait3A_29 = tpu.memref_slice %arg3[%arg1, %dma_wait3A_27, %dma_wait3A_28] : memref<16x160x128xi32, #tpu.memory_space<hbm>> -> memref<1x160x128xi32, #tpu.memory_space<hbm>>
    %dma_wait3A_30 = tpu.memref_squeeze %dma_wait3A_29 : memref<1x160x128xi32, #tpu.memory_space<hbm>> -> memref<160x128xi32, #tpu.memory_space<hbm>>
    tpu.wait_dma2 semaphore(%arg14 : memref<!tpu.dma_semaphore, #tpu.memory_space<semaphore_mem>>) src(%dma_wait3A_30 : memref<160x128xi32, #tpu.memory_space<hbm>>) dst(%arg6 : memref<160x128xi32, #tpu.memory_space<vmem>>)
    %dma_wait3A_31 = arith.constant 0 : i32
    %dma_wait3A_32 = arith.constant 0 : i32
    %dma_wait3A_33 = tpu.memref_slice %arg4[%arg1, %dma_wait3A_31, %dma_wait3A_32] : memref<16x160x128xi32, #tpu.memory_space<hbm>> -> memref<1x160x128xi32, #tpu.memory_space<hbm>>
    %dma_wait3A_34 = tpu.memref_squeeze %dma_wait3A_33 : memref<1x160x128xi32, #tpu.memory_space<hbm>> -> memref<160x128xi32, #tpu.memory_space<hbm>>
    %dma_wait3A_35 = arith.constant 0 : i32
    %dma_wait3A_36 = arith.constant 0 : i32
    %dma_wait3A_37 = tpu.memref_slice %arg4[%arg1, %dma_wait3A_35, %dma_wait3A_36] : memref<16x160x128xi32, #tpu.memory_space<hbm>> -> memref<1x160x128xi32, #tpu.memory_space<hbm>>
    %dma_wait3A_38 = tpu.memref_squeeze %dma_wait3A_37 : memref<1x160x128xi32, #tpu.memory_space<hbm>> -> memref<160x128xi32, #tpu.memory_space<hbm>>
    tpu.wait_dma2 semaphore(%arg15 : memref<!tpu.dma_semaphore, #tpu.memory_space<semaphore_mem>>) src(%dma_wait3A_38 : memref<160x128xi32, #tpu.memory_space<hbm>>) dst(%arg7 : memref<160x128xi32, #tpu.memory_space<vmem>>)
    %dma_wait3A_39 = arith.constant 0 : i32
    %dma_wait3A_40 = tpu.memref_slice %arg12[%mul3A_0, %dma_wait3A_39] : memref<10000x64xbf16, #tpu.memory_space<vmem_shared>> -> memref<625x64xbf16, #tpu.memory_space<vmem_shared>>
    %dma_wait3A_41 = tpu.memref_slice %arg2[%mul3A_0, %mul3A_2] : memref<10000x128xbf16, #tpu.memory_space<hbm>> -> memref<625x64xbf16, #tpu.memory_space<hbm>>
    tpu.wait_dma2 semaphore(%arg16 : memref<!tpu.dma_semaphore, #tpu.memory_space<semaphore_mem>>) src(%dma_wait3A_41 : memref<625x64xbf16, #tpu.memory_space<hbm>>) dst(%dma_wait3A_40 : memref<625x64xbf16, #tpu.memory_space<vmem_shared>>)
    %dma_wait3A_42 = arith.constant 0 : i32
    %dma_wait3A_43 = tpu.memref_slice %arg13[%mul3A_0, %dma_wait3A_42] : memref<10240x64xbf16, #tpu.memory_space<vmem_shared>> -> memref<625x64xbf16, #tpu.memory_space<vmem_shared>>
    %dma_wait3A_44 = tpu.memref_slice %arg2[%mul3A_0, %mul3A_2] : memref<10000x128xbf16, #tpu.memory_space<hbm>> -> memref<625x64xbf16, #tpu.memory_space<hbm>>
    tpu.wait_dma2 semaphore(%arg17 : memref<!tpu.dma_semaphore, #tpu.memory_space<semaphore_mem>>) src(%dma_wait3A_44 : memref<625x64xbf16, #tpu.memory_space<hbm>>) dst(%dma_wait3A_43 : memref<625x64xbf16, #tpu.memory_space<vmem_shared>>)
    %barrier3A = arith.constant 0 : index
    tpu.barrier barrier_id(%barrier3A)
    %dma_start3A_45 = arith.constant 0 : i32
    %dma_start3A_46 = arith.constant 0 : i32
    %dma_start3A_47 = tpu.memref_slice %arg6[%dma_start3A_45, %dma_start3A_46] : memref<160x128xi32, #tpu.memory_space<vmem>> -> memref<1x128xi32, #tpu.memory_space<vmem>>
    %dma_start3A_48 = tpu.memref_squeeze %dma_start3A_47 : memref<1x128xi32, #tpu.memory_space<vmem>> -> memref<128xi32, #tpu.memory_space<vmem>>
    %dma_start3A_49 = arith.constant 0 : i32
    %dma_start3A_50 = arith.constant 0 : i32
    %dma_start3A_51 = tpu.memref_slice %arg12[%dma_start3A_49, %dma_start3A_50] : memref<10000x64xbf16, #tpu.memory_space<vmem_shared>> -> memref<10000x64xbf16, #tpu.memory_space<vmem_shared>>
    tpu.enqueue_indirect_dma source(%dma_start3A_51 : memref<10000x64xbf16, #tpu.memory_space<vmem_shared>>) target(%arg8 : memref<128x64xbf16, #tpu.memory_space<vmem>>) offsets(%dma_start3A_48 : memref<128xi32, #tpu.memory_space<vmem>>) semaphore(%arg14 : memref<!tpu.dma_semaphore, #tpu.memory_space<semaphore_mem>>)
    %dma_start3A_52 = arith.constant 1 : i32
    %dma_start3A_53 = arith.constant 0 : i32
    %dma_start3A_54 = tpu.memref_slice %arg6[%dma_start3A_52, %dma_start3A_53] : memref<160x128xi32, #tpu.memory_space<vmem>> -> memref<1x128xi32, #tpu.memory_space<vmem>>
    %dma_start3A_55 = tpu.memref_squeeze %dma_start3A_54 : memref<1x128xi32, #tpu.memory_space<vmem>> -> memref<128xi32, #tpu.memory_space<vmem>>
    %dma_start3A_56 = arith.constant 0 : i32
    %dma_start3A_57 = arith.constant 0 : i32
    %dma_start3A_58 = tpu.memref_slice %arg12[%dma_start3A_56, %dma_start3A_57] : memref<10000x64xbf16, #tpu.memory_space<vmem_shared>> -> memref<10000x64xbf16, #tpu.memory_space<vmem_shared>>
    tpu.enqueue_indirect_dma source(%dma_start3A_58 : memref<10000x64xbf16, #tpu.memory_space<vmem_shared>>) target(%arg9 : memref<128x64xbf16, #tpu.memory_space<vmem>>) offsets(%dma_start3A_55 : memref<128xi32, #tpu.memory_space<vmem>>) semaphore(%arg15 : memref<!tpu.dma_semaphore, #tpu.memory_space<semaphore_mem>>)
    %scan3A = arith.constant 0 : i32
    %scan3A_59 = arith.constant 40 : i32
    %scan3A_60 = arith.addi %scan3A, %scan3A_59 : i32
    %scan3A_61 = arith.constant 1 : i32
    scf.for %scan3A_97 = %scan3A to %scan3A_60 step %scan3A_61  : i32 {
      %mul3A_98 = arith.constant 4 : i32
      %mul3A_99 = arith.muli %scan3A_97, %mul3A_98 : i32
      %add3A_100 = arith.constant 0 : i32
      %add3A_101 = arith.addi %add3A_100, %mul3A_99 : i32
      %add3A_102 = arith.constant 0 : i32
      %add3A_103 = arith.addi %add3A_101, %add3A_102 : i32
      %ge3A = arith.constant 2 : i32
      %ge3A_104 = arith.cmpi sge, %add3A_103, %ge3A : i32
      %convert_element_type3A = arith.extui %ge3A_104 : i1 to i32
      %cond3A = arith.constant 0 : i32
      %cond3A_105 = arith.cmpi ne, %convert_element_type3A, %cond3A : i32
      scf.if %cond3A_105 {
        %sub3A = arith.constant 2 : i32
        %sub3A_202 = arith.subi %add3A_103, %sub3A : i32
        %dma_wait3A_203 = arith.constant 0 : i32
        %dma_wait3A_204 = tpu.memref_slice %arg7[%sub3A_202, %dma_wait3A_203] : memref<160x128xi32, #tpu.memory_space<vmem>> -> memref<1x128xi32, #tpu.memory_space<vmem>>
        %dma_wait3A_205 = tpu.memref_squeeze %dma_wait3A_204 : memref<1x128xi32, #tpu.memory_space<vmem>> -> memref<128xi32, #tpu.memory_space<vmem>>
        %dma_wait3A_206 = arith.constant 0 : i32
        %dma_wait3A_207 = arith.constant 0 : i32
        %dma_wait3A_208 = tpu.memref_slice %arg13[%dma_wait3A_206, %dma_wait3A_207] : memref<10240x64xbf16, #tpu.memory_space<vmem_shared>> -> memref<10240x64xbf16, #tpu.memory_space<vmem_shared>>
        tpu.wait_indirect_dma semaphore(%arg20 : memref<!tpu.dma_semaphore, #tpu.memory_space<semaphore_mem>>) src(%arg10 : memref<128x64xbf16, #tpu.memory_space<vmem>>) dst(%dma_wait3A_208 : memref<10240x64xbf16, #tpu.memory_space<vmem_shared>>)
      } else {
      }
      %add3A_106 = arith.constant 2 : i32
      %add3A_107 = arith.addi %add3A_103, %add3A_106 : i32
      %lt3A = arith.constant 160 : i32
      %lt3A_108 = arith.cmpi slt, %add3A_107, %lt3A : i32
      %convert_element_type3A_109 = arith.extui %lt3A_108 : i1 to i32
      %cond3A_110 = arith.constant 0 : i32
      %cond3A_111 = arith.cmpi ne, %convert_element_type3A_109, %cond3A_110 : i32
      scf.if %cond3A_111 {
        %add3A_202 = arith.constant 2 : i32
        %add3A_203 = arith.addi %add3A_103, %add3A_202 : i32
        %dma_start3A_204 = arith.constant 0 : i32
        %dma_start3A_205 = tpu.memref_slice %arg6[%add3A_203, %dma_start3A_204] : memref<160x128xi32, #tpu.memory_space<vmem>> -> memref<1x128xi32, #tpu.memory_space<vmem>>
        %dma_start3A_206 = tpu.memref_squeeze %dma_start3A_205 : memref<1x128xi32, #tpu.memory_space<vmem>> -> memref<128xi32, #tpu.memory_space<vmem>>
        %dma_start3A_207 = arith.constant 0 : i32
        %dma_start3A_208 = arith.constant 0 : i32
        %dma_start3A_209 = tpu.memref_slice %arg12[%dma_start3A_207, %dma_start3A_208] : memref<10000x64xbf16, #tpu.memory_space<vmem_shared>> -> memref<10000x64xbf16, #tpu.memory_space<vmem_shared>>
        tpu.enqueue_indirect_dma source(%dma_start3A_209 : memref<10000x64xbf16, #tpu.memory_space<vmem_shared>>) target(%arg10 : memref<128x64xbf16, #tpu.memory_space<vmem>>) offsets(%dma_start3A_206 : memref<128xi32, #tpu.memory_space<vmem>>) semaphore(%arg16 : memref<!tpu.dma_semaphore, #tpu.memory_space<semaphore_mem>>)
      } else {
      }
      %dma_wait3A_112 = arith.constant 0 : i32
      %dma_wait3A_113 = tpu.memref_slice %arg6[%add3A_103, %dma_wait3A_112] : memref<160x128xi32, #tpu.memory_space<vmem>> -> memref<1x128xi32, #tpu.memory_space<vmem>>
      %dma_wait3A_114 = tpu.memref_squeeze %dma_wait3A_113 : memref<1x128xi32, #tpu.memory_space<vmem>> -> memref<128xi32, #tpu.memory_space<vmem>>
      %dma_wait3A_115 = arith.constant 0 : i32
      %dma_wait3A_116 = arith.constant 0 : i32
      %dma_wait3A_117 = tpu.memref_slice %arg12[%dma_wait3A_115, %dma_wait3A_116] : memref<10000x64xbf16, #tpu.memory_space<vmem_shared>> -> memref<10000x64xbf16, #tpu.memory_space<vmem_shared>>
      tpu.wait_indirect_dma semaphore(%arg14 : memref<!tpu.dma_semaphore, #tpu.memory_space<semaphore_mem>>) src(%dma_wait3A_117 : memref<10000x64xbf16, #tpu.memory_space<vmem_shared>>) dst(%arg8 : memref<128x64xbf16, #tpu.memory_space<vmem>>)
      %dma_start3A_118 = arith.constant 0 : i32
      %dma_start3A_119 = tpu.memref_slice %arg7[%add3A_103, %dma_start3A_118] : memref<160x128xi32, #tpu.memory_space<vmem>> -> memref<1x128xi32, #tpu.memory_space<vmem>>
      %dma_start3A_120 = tpu.memref_squeeze %dma_start3A_119 : memref<1x128xi32, #tpu.memory_space<vmem>> -> memref<128xi32, #tpu.memory_space<vmem>>
      %dma_start3A_121 = arith.constant 0 : i32
      %dma_start3A_122 = arith.constant 0 : i32
      %dma_start3A_123 = tpu.memref_slice %arg13[%dma_start3A_121, %dma_start3A_122] : memref<10240x64xbf16, #tpu.memory_space<vmem_shared>> -> memref<10240x64xbf16, #tpu.memory_space<vmem_shared>>
      tpu.enqueue_indirect_dma source(%arg8 : memref<128x64xbf16, #tpu.memory_space<vmem>>) target(%dma_start3A_123 : memref<10240x64xbf16, #tpu.memory_space<vmem_shared>>) offsets(%dma_start3A_120 : memref<128xi32, #tpu.memory_space<vmem>>) semaphore(%arg18 : memref<!tpu.dma_semaphore, #tpu.memory_space<semaphore_mem>>) {add = true}
      %add3A_124 = arith.constant 1 : i32
      %add3A_125 = arith.addi %add3A_101, %add3A_124 : i32
      %ge3A_126 = arith.constant 2 : i32
      %ge3A_127 = arith.cmpi sge, %add3A_125, %ge3A_126 : i32
      %convert_element_type3A_128 = arith.extui %ge3A_127 : i1 to i32
      %cond3A_129 = arith.constant 0 : i32
      %cond3A_130 = arith.cmpi ne, %convert_element_type3A_128, %cond3A_129 : i32
      scf.if %cond3A_130 {
        %sub3A = arith.constant 2 : i32
        %sub3A_202 = arith.subi %add3A_125, %sub3A : i32
        %dma_wait3A_203 = arith.constant 0 : i32
        %dma_wait3A_204 = tpu.memref_slice %arg7[%sub3A_202, %dma_wait3A_203] : memref<160x128xi32, #tpu.memory_space<vmem>> -> memref<1x128xi32, #tpu.memory_space<vmem>>
        %dma_wait3A_205 = tpu.memref_squeeze %dma_wait3A_204 : memref<1x128xi32, #tpu.memory_space<vmem>> -> memref<128xi32, #tpu.memory_space<vmem>>
        %dma_wait3A_206 = arith.constant 0 : i32
        %dma_wait3A_207 = arith.constant 0 : i32
        %dma_wait3A_208 = tpu.memref_slice %arg13[%dma_wait3A_206, %dma_wait3A_207] : memref<10240x64xbf16, #tpu.memory_space<vmem_shared>> -> memref<10240x64xbf16, #tpu.memory_space<vmem_shared>>
        tpu.wait_indirect_dma semaphore(%arg21 : memref<!tpu.dma_semaphore, #tpu.memory_space<semaphore_mem>>) src(%arg11 : memref<128x64xbf16, #tpu.memory_space<vmem>>) dst(%dma_wait3A_208 : memref<10240x64xbf16, #tpu.memory_space<vmem_shared>>)
      } else {
      }
      %add3A_131 = arith.constant 2 : i32
      %add3A_132 = arith.addi %add3A_125, %add3A_131 : i32
      %lt3A_133 = arith.constant 160 : i32
      %lt3A_134 = arith.cmpi slt, %add3A_132, %lt3A_133 : i32
      %convert_element_type3A_135 = arith.extui %lt3A_134 : i1 to i32
      %cond3A_136 = arith.constant 0 : i32
      %cond3A_137 = arith.cmpi ne, %convert_element_type3A_135, %cond3A_136 : i32
      scf.if %cond3A_137 {
        %add3A_202 = arith.constant 2 : i32
        %add3A_203 = arith.addi %add3A_125, %add3A_202 : i32
        %dma_start3A_204 = arith.constant 0 : i32
        %dma_start3A_205 = tpu.memref_slice %arg6[%add3A_203, %dma_start3A_204] : memref<160x128xi32, #tpu.memory_space<vmem>> -> memref<1x128xi32, #tpu.memory_space<vmem>>
        %dma_start3A_206 = tpu.memref_squeeze %dma_start3A_205 : memref<1x128xi32, #tpu.memory_space<vmem>> -> memref<128xi32, #tpu.memory_space<vmem>>
        %dma_start3A_207 = arith.constant 0 : i32
        %dma_start3A_208 = arith.constant 0 : i32
        %dma_start3A_209 = tpu.memref_slice %arg12[%dma_start3A_207, %dma_start3A_208] : memref<10000x64xbf16, #tpu.memory_space<vmem_shared>> -> memref<10000x64xbf16, #tpu.memory_space<vmem_shared>>
        tpu.enqueue_indirect_dma source(%dma_start3A_209 : memref<10000x64xbf16, #tpu.memory_space<vmem_shared>>) target(%arg11 : memref<128x64xbf16, #tpu.memory_space<vmem>>) offsets(%dma_start3A_206 : memref<128xi32, #tpu.memory_space<vmem>>) semaphore(%arg17 : memref<!tpu.dma_semaphore, #tpu.memory_space<semaphore_mem>>)
      } else {
      }
      %dma_wait3A_138 = arith.constant 0 : i32
      %dma_wait3A_139 = tpu.memref_slice %arg6[%add3A_125, %dma_wait3A_138] : memref<160x128xi32, #tpu.memory_space<vmem>> -> memref<1x128xi32, #tpu.memory_space<vmem>>
      %dma_wait3A_140 = tpu.memref_squeeze %dma_wait3A_139 : memref<1x128xi32, #tpu.memory_space<vmem>> -> memref<128xi32, #tpu.memory_space<vmem>>
      %dma_wait3A_141 = arith.constant 0 : i32
      %dma_wait3A_142 = arith.constant 0 : i32
      %dma_wait3A_143 = tpu.memref_slice %arg12[%dma_wait3A_141, %dma_wait3A_142] : memref<10000x64xbf16, #tpu.memory_space<vmem_shared>> -> memref<10000x64xbf16, #tpu.memory_space<vmem_shared>>
      tpu.wait_indirect_dma semaphore(%arg15 : memref<!tpu.dma_semaphore, #tpu.memory_space<semaphore_mem>>) src(%dma_wait3A_143 : memref<10000x64xbf16, #tpu.memory_space<vmem_shared>>) dst(%arg9 : memref<128x64xbf16, #tpu.memory_space<vmem>>)
      %dma_start3A_144 = arith.constant 0 : i32
      %dma_start3A_145 = tpu.memref_slice %arg7[%add3A_125, %dma_start3A_144] : memref<160x128xi32, #tpu.memory_space<vmem>> -> memref<1x128xi32, #tpu.memory_space<vmem>>
      %dma_start3A_146 = tpu.memref_squeeze %dma_start3A_145 : memref<1x128xi32, #tpu.memory_space<vmem>> -> memref<128xi32, #tpu.memory_space<vmem>>
      %dma_start3A_147 = arith.constant 0 : i32
      %dma_start3A_148 = arith.constant 0 : i32
      %dma_start3A_149 = tpu.memref_slice %arg13[%dma_start3A_147, %dma_start3A_148] : memref<10240x64xbf16, #tpu.memory_space<vmem_shared>> -> memref<10240x64xbf16, #tpu.memory_space<vmem_shared>>
      tpu.enqueue_indirect_dma source(%arg9 : memref<128x64xbf16, #tpu.memory_space<vmem>>) target(%dma_start3A_149 : memref<10240x64xbf16, #tpu.memory_space<vmem_shared>>) offsets(%dma_start3A_146 : memref<128xi32, #tpu.memory_space<vmem>>) semaphore(%arg19 : memref<!tpu.dma_semaphore, #tpu.memory_space<semaphore_mem>>) {add = true}
      %add3A_150 = arith.constant 2 : i32
      %add3A_151 = arith.addi %add3A_101, %add3A_150 : i32
      %ge3A_152 = arith.constant 2 : i32
      %ge3A_153 = arith.cmpi sge, %add3A_151, %ge3A_152 : i32
      %convert_element_type3A_154 = arith.extui %ge3A_153 : i1 to i32
      %cond3A_155 = arith.constant 0 : i32
      %cond3A_156 = arith.cmpi ne, %convert_element_type3A_154, %cond3A_155 : i32
      scf.if %cond3A_156 {
        %sub3A = arith.constant 2 : i32
        %sub3A_202 = arith.subi %add3A_151, %sub3A : i32
        %dma_wait3A_203 = arith.constant 0 : i32
        %dma_wait3A_204 = tpu.memref_slice %arg7[%sub3A_202, %dma_wait3A_203] : memref<160x128xi32, #tpu.memory_space<vmem>> -> memref<1x128xi32, #tpu.memory_space<vmem>>
        %dma_wait3A_205 = tpu.memref_squeeze %dma_wait3A_204 : memref<1x128xi32, #tpu.memory_space<vmem>> -> memref<128xi32, #tpu.memory_space<vmem>>
        %dma_wait3A_206 = arith.constant 0 : i32
        %dma_wait3A_207 = arith.constant 0 : i32
        %dma_wait3A_208 = tpu.memref_slice %arg13[%dma_wait3A_206, %dma_wait3A_207] : memref<10240x64xbf16, #tpu.memory_space<vmem_shared>> -> memref<10240x64xbf16, #tpu.memory_space<vmem_shared>>
        tpu.wait_indirect_dma semaphore(%arg18 : memref<!tpu.dma_semaphore, #tpu.memory_space<semaphore_mem>>) src(%arg8 : memref<128x64xbf16, #tpu.memory_space<vmem>>) dst(%dma_wait3A_208 : memref<10240x64xbf16, #tpu.memory_space<vmem_shared>>)
      } else {
      }
      %add3A_157 = arith.constant 2 : i32
      %add3A_158 = arith.addi %add3A_151, %add3A_157 : i32
      %lt3A_159 = arith.constant 160 : i32
      %lt3A_160 = arith.cmpi slt, %add3A_158, %lt3A_159 : i32
      %convert_element_type3A_161 = arith.extui %lt3A_160 : i1 to i32
      %cond3A_162 = arith.constant 0 : i32
      %cond3A_163 = arith.cmpi ne, %convert_element_type3A_161, %cond3A_162 : i32
      scf.if %cond3A_163 {
        %add3A_202 = arith.constant 2 : i32
        %add3A_203 = arith.addi %add3A_151, %add3A_202 : i32
        %dma_start3A_204 = arith.constant 0 : i32
        %dma_start3A_205 = tpu.memref_slice %arg6[%add3A_203, %dma_start3A_204] : memref<160x128xi32, #tpu.memory_space<vmem>> -> memref<1x128xi32, #tpu.memory_space<vmem>>
        %dma_start3A_206 = tpu.memref_squeeze %dma_start3A_205 : memref<1x128xi32, #tpu.memory_space<vmem>> -> memref<128xi32, #tpu.memory_space<vmem>>
        %dma_start3A_207 = arith.constant 0 : i32
        %dma_start3A_208 = arith.constant 0 : i32
        %dma_start3A_209 = tpu.memref_slice %arg12[%dma_start3A_207, %dma_start3A_208] : memref<10000x64xbf16, #tpu.memory_space<vmem_shared>> -> memref<10000x64xbf16, #tpu.memory_space<vmem_shared>>
        tpu.enqueue_indirect_dma source(%dma_start3A_209 : memref<10000x64xbf16, #tpu.memory_space<vmem_shared>>) target(%arg8 : memref<128x64xbf16, #tpu.memory_space<vmem>>) offsets(%dma_start3A_206 : memref<128xi32, #tpu.memory_space<vmem>>) semaphore(%arg14 : memref<!tpu.dma_semaphore, #tpu.memory_space<semaphore_mem>>)
      } else {
      }
      %dma_wait3A_164 = arith.constant 0 : i32
      %dma_wait3A_165 = tpu.memref_slice %arg6[%add3A_151, %dma_wait3A_164] : memref<160x128xi32, #tpu.memory_space<vmem>> -> memref<1x128xi32, #tpu.memory_space<vmem>>
      %dma_wait3A_166 = tpu.memref_squeeze %dma_wait3A_165 : memref<1x128xi32, #tpu.memory_space<vmem>> -> memref<128xi32, #tpu.memory_space<vmem>>
      %dma_wait3A_167 = arith.constant 0 : i32
      %dma_wait3A_168 = arith.constant 0 : i32
      %dma_wait3A_169 = tpu.memref_slice %arg12[%dma_wait3A_167, %dma_wait3A_168] : memref<10000x64xbf16, #tpu.memory_space<vmem_shared>> -> memref<10000x64xbf16, #tpu.memory_space<vmem_shared>>
      tpu.wait_indirect_dma semaphore(%arg16 : memref<!tpu.dma_semaphore, #tpu.memory_space<semaphore_mem>>) src(%dma_wait3A_169 : memref<10000x64xbf16, #tpu.memory_space<vmem_shared>>) dst(%arg10 : memref<128x64xbf16, #tpu.memory_space<vmem>>)
      %dma_start3A_170 = arith.constant 0 : i32
      %dma_start3A_171 = tpu.memref_slice %arg7[%add3A_151, %dma_start3A_170] : memref<160x128xi32, #tpu.memory_space<vmem>> -> memref<1x128xi32, #tpu.memory_space<vmem>>
      %dma_start3A_172 = tpu.memref_squeeze %dma_start3A_171 : memref<1x128xi32, #tpu.memory_space<vmem>> -> memref<128xi32, #tpu.memory_space<vmem>>
      %dma_start3A_173 = arith.constant 0 : i32
      %dma_start3A_174 = arith.constant 0 : i32
      %dma_start3A_175 = tpu.memref_slice %arg13[%dma_start3A_173, %dma_start3A_174] : memref<10240x64xbf16, #tpu.memory_space<vmem_shared>> -> memref<10240x64xbf16, #tpu.memory_space<vmem_shared>>
      tpu.enqueue_indirect_dma source(%arg10 : memref<128x64xbf16, #tpu.memory_space<vmem>>) target(%dma_start3A_175 : memref<10240x64xbf16, #tpu.memory_space<vmem_shared>>) offsets(%dma_start3A_172 : memref<128xi32, #tpu.memory_space<vmem>>) semaphore(%arg20 : memref<!tpu.dma_semaphore, #tpu.memory_space<semaphore_mem>>) {add = true}
      %add3A_176 = arith.constant 3 : i32
      %add3A_177 = arith.addi %add3A_101, %add3A_176 : i32
      %ge3A_178 = arith.constant 2 : i32
      %ge3A_179 = arith.cmpi sge, %add3A_177, %ge3A_178 : i32
      %convert_element_type3A_180 = arith.extui %ge3A_179 : i1 to i32
      %cond3A_181 = arith.constant 0 : i32
      %cond3A_182 = arith.cmpi ne, %convert_element_type3A_180, %cond3A_181 : i32
      scf.if %cond3A_182 {
        %sub3A = arith.constant 2 : i32
        %sub3A_202 = arith.subi %add3A_177, %sub3A : i32
        %dma_wait3A_203 = arith.constant 0 : i32
        %dma_wait3A_204 = tpu.memref_slice %arg7[%sub3A_202, %dma_wait3A_203] : memref<160x128xi32, #tpu.memory_space<vmem>> -> memref<1x128xi32, #tpu.memory_space<vmem>>
        %dma_wait3A_205 = tpu.memref_squeeze %dma_wait3A_204 : memref<1x128xi32, #tpu.memory_space<vmem>> -> memref<128xi32, #tpu.memory_space<vmem>>
        %dma_wait3A_206 = arith.constant 0 : i32
        %dma_wait3A_207 = arith.constant 0 : i32
        %dma_wait3A_208 = tpu.memref_slice %arg13[%dma_wait3A_206, %dma_wait3A_207] : memref<10240x64xbf16, #tpu.memory_space<vmem_shared>> -> memref<10240x64xbf16, #tpu.memory_space<vmem_shared>>
        tpu.wait_indirect_dma semaphore(%arg19 : memref<!tpu.dma_semaphore, #tpu.memory_space<semaphore_mem>>) src(%arg9 : memref<128x64xbf16, #tpu.memory_space<vmem>>) dst(%dma_wait3A_208 : memref<10240x64xbf16, #tpu.memory_space<vmem_shared>>)
      } else {
      }
      %add3A_183 = arith.constant 2 : i32
      %add3A_184 = arith.addi %add3A_177, %add3A_183 : i32
      %lt3A_185 = arith.constant 160 : i32
      %lt3A_186 = arith.cmpi slt, %add3A_184, %lt3A_185 : i32
      %convert_element_type3A_187 = arith.extui %lt3A_186 : i1 to i32
      %cond3A_188 = arith.constant 0 : i32
      %cond3A_189 = arith.cmpi ne, %convert_element_type3A_187, %cond3A_188 : i32
      scf.if %cond3A_189 {
        %add3A_202 = arith.constant 2 : i32
        %add3A_203 = arith.addi %add3A_177, %add3A_202 : i32
        %dma_start3A_204 = arith.constant 0 : i32
        %dma_start3A_205 = tpu.memref_slice %arg6[%add3A_203, %dma_start3A_204] : memref<160x128xi32, #tpu.memory_space<vmem>> -> memref<1x128xi32, #tpu.memory_space<vmem>>
        %dma_start3A_206 = tpu.memref_squeeze %dma_start3A_205 : memref<1x128xi32, #tpu.memory_space<vmem>> -> memref<128xi32, #tpu.memory_space<vmem>>
        %dma_start3A_207 = arith.constant 0 : i32
        %dma_start3A_208 = arith.constant 0 : i32
        %dma_start3A_209 = tpu.memref_slice %arg12[%dma_start3A_207, %dma_start3A_208] : memref<10000x64xbf16, #tpu.memory_space<vmem_shared>> -> memref<10000x64xbf16, #tpu.memory_space<vmem_shared>>
        tpu.enqueue_indirect_dma source(%dma_start3A_209 : memref<10000x64xbf16, #tpu.memory_space<vmem_shared>>) target(%arg9 : memref<128x64xbf16, #tpu.memory_space<vmem>>) offsets(%dma_start3A_206 : memref<128xi32, #tpu.memory_space<vmem>>) semaphore(%arg15 : memref<!tpu.dma_semaphore, #tpu.memory_space<semaphore_mem>>)
      } else {
      }
      %dma_wait3A_190 = arith.constant 0 : i32
      %dma_wait3A_191 = tpu.memref_slice %arg6[%add3A_177, %dma_wait3A_190] : memref<160x128xi32, #tpu.memory_space<vmem>> -> memref<1x128xi32, #tpu.memory_space<vmem>>
      %dma_wait3A_192 = tpu.memref_squeeze %dma_wait3A_191 : memref<1x128xi32, #tpu.memory_space<vmem>> -> memref<128xi32, #tpu.memory_space<vmem>>
      %dma_wait3A_193 = arith.constant 0 : i32
      %dma_wait3A_194 = arith.constant 0 : i32
      %dma_wait3A_195 = tpu.memref_slice %arg12[%dma_wait3A_193, %dma_wait3A_194] : memref<10000x64xbf16, #tpu.memory_space<vmem_shared>> -> memref<10000x64xbf16, #tpu.memory_space<vmem_shared>>
      tpu.wait_indirect_dma semaphore(%arg17 : memref<!tpu.dma_semaphore, #tpu.memory_space<semaphore_mem>>) src(%dma_wait3A_195 : memref<10000x64xbf16, #tpu.memory_space<vmem_shared>>) dst(%arg11 : memref<128x64xbf16, #tpu.memory_space<vmem>>)
      %dma_start3A_196 = arith.constant 0 : i32
      %dma_start3A_197 = tpu.memref_slice %arg7[%add3A_177, %dma_start3A_196] : memref<160x128xi32, #tpu.memory_space<vmem>> -> memref<1x128xi32, #tpu.memory_space<vmem>>
      %dma_start3A_198 = tpu.memref_squeeze %dma_start3A_197 : memref<1x128xi32, #tpu.memory_space<vmem>> -> memref<128xi32, #tpu.memory_space<vmem>>
      %dma_start3A_199 = arith.constant 0 : i32
      %dma_start3A_200 = arith.constant 0 : i32
      %dma_start3A_201 = tpu.memref_slice %arg13[%dma_start3A_199, %dma_start3A_200] : memref<10240x64xbf16, #tpu.memory_space<vmem_shared>> -> memref<10240x64xbf16, #tpu.memory_space<vmem_shared>>
      tpu.enqueue_indirect_dma source(%arg11 : memref<128x64xbf16, #tpu.memory_space<vmem>>) target(%dma_start3A_201 : memref<10240x64xbf16, #tpu.memory_space<vmem_shared>>) offsets(%dma_start3A_198 : memref<128xi32, #tpu.memory_space<vmem>>) semaphore(%arg21 : memref<!tpu.dma_semaphore, #tpu.memory_space<semaphore_mem>>) {add = true}
    }
    %scan3A_62 = arith.constant 40 : i32
    %dma_wait3A_63 = arith.constant 158 : i32
    %dma_wait3A_64 = arith.constant 0 : i32
    %dma_wait3A_65 = tpu.memref_slice %arg7[%dma_wait3A_63, %dma_wait3A_64] : memref<160x128xi32, #tpu.memory_space<vmem>> -> memref<1x128xi32, #tpu.memory_space<vmem>>
    %dma_wait3A_66 = tpu.memref_squeeze %dma_wait3A_65 : memref<1x128xi32, #tpu.memory_space<vmem>> -> memref<128xi32, #tpu.memory_space<vmem>>
    %dma_wait3A_67 = arith.constant 0 : i32
    %dma_wait3A_68 = arith.constant 0 : i32
    %dma_wait3A_69 = tpu.memref_slice %arg13[%dma_wait3A_67, %dma_wait3A_68] : memref<10240x64xbf16, #tpu.memory_space<vmem_shared>> -> memref<10240x64xbf16, #tpu.memory_space<vmem_shared>>
    tpu.wait_indirect_dma semaphore(%arg20 : memref<!tpu.dma_semaphore, #tpu.memory_space<semaphore_mem>>) src(%arg10 : memref<128x64xbf16, #tpu.memory_space<vmem>>) dst(%dma_wait3A_69 : memref<10240x64xbf16, #tpu.memory_space<vmem_shared>>)
    %dma_wait3A_70 = arith.constant 159 : i32
    %dma_wait3A_71 = arith.constant 0 : i32
    %dma_wait3A_72 = tpu.memref_slice %arg7[%dma_wait3A_70, %dma_wait3A_71] : memref<160x128xi32, #tpu.memory_space<vmem>> -> memref<1x128xi32, #tpu.memory_space<vmem>>
    %dma_wait3A_73 = tpu.memref_squeeze %dma_wait3A_72 : memref<1x128xi32, #tpu.memory_space<vmem>> -> memref<128xi32, #tpu.memory_space<vmem>>
    %dma_wait3A_74 = arith.constant 0 : i32
    %dma_wait3A_75 = arith.constant 0 : i32
    %dma_wait3A_76 = tpu.memref_slice %arg13[%dma_wait3A_74, %dma_wait3A_75] : memref<10240x64xbf16, #tpu.memory_space<vmem_shared>> -> memref<10240x64xbf16, #tpu.memory_space<vmem_shared>>
    tpu.wait_indirect_dma semaphore(%arg21 : memref<!tpu.dma_semaphore, #tpu.memory_space<semaphore_mem>>) src(%arg11 : memref<128x64xbf16, #tpu.memory_space<vmem>>) dst(%dma_wait3A_76 : memref<10240x64xbf16, #tpu.memory_space<vmem_shared>>)
    %barrier3A_77 = arith.constant 0 : index
    tpu.barrier barrier_id(%barrier3A_77)
    %add3A = arith.constant 0 : i32
    %add3A_78 = arith.addi %mul3A_0, %add3A : i32
    "tpu.region"() ({
      %run_scoped3A = tpu.sem_alloc : memref<!tpu.dma_semaphore, #tpu.memory_space<semaphore_mem>>
      %dma_start3A_97 = arith.constant 0 : i32
      %dma_start3A_98 = arith.constant 0 : i32
      %dma_start3A_99 = tpu.memref_slice %arg8[%dma_start3A_97, %dma_start3A_98] : memref<128x64xbf16, #tpu.memory_space<vmem>> -> memref<128x64xbf16, #tpu.memory_space<vmem>>
      %dma_start3A_100 = arith.constant 0 : i32
      %dma_start3A_101 = tpu.memref_slice %arg13[%add3A_78, %dma_start3A_100] : memref<10240x64xbf16, #tpu.memory_space<vmem_shared>> -> memref<128x64xbf16, #tpu.memory_space<vmem_shared>>
      %dma_start3A_102 = arith.constant 0 : i32
      %dma_start3A_103 = arith.constant 0 : i32
      %dma_start3A_104 = tpu.memref_slice %arg8[%dma_start3A_102, %dma_start3A_103] : memref<128x64xbf16, #tpu.memory_space<vmem>> -> memref<128x64xbf16, #tpu.memory_space<vmem>>
      %dma_start3A_105 = arith.constant 0 : i32
      %dma_start3A_106 = tpu.memref_slice %arg13[%add3A_78, %dma_start3A_105] : memref<10240x64xbf16, #tpu.memory_space<vmem_shared>> -> memref<128x64xbf16, #tpu.memory_space<vmem_shared>>
      tpu.enqueue_dma source(%dma_start3A_106 : memref<128x64xbf16, #tpu.memory_space<vmem_shared>>) target(%dma_start3A_104 : memref<128x64xbf16, #tpu.memory_space<vmem>>) target_semaphore(%run_scoped3A : memref<!tpu.dma_semaphore, #tpu.memory_space<semaphore_mem>>)
      %dma_wait3A_107 = arith.constant 0 : i32
      %dma_wait3A_108 = arith.constant 0 : i32
      %dma_wait3A_109 = tpu.memref_slice %arg8[%dma_wait3A_107, %dma_wait3A_108] : memref<128x64xbf16, #tpu.memory_space<vmem>> -> memref<128x64xbf16, #tpu.memory_space<vmem>>
      %dma_wait3A_110 = arith.constant 0 : i32
      %dma_wait3A_111 = tpu.memref_slice %arg13[%add3A_78, %dma_wait3A_110] : memref<10240x64xbf16, #tpu.memory_space<vmem_shared>> -> memref<128x64xbf16, #tpu.memory_space<vmem_shared>>
      %dma_wait3A_112 = arith.constant 0 : i32
      %dma_wait3A_113 = arith.constant 0 : i32
      %dma_wait3A_114 = tpu.memref_slice %arg8[%dma_wait3A_112, %dma_wait3A_113] : memref<128x64xbf16, #tpu.memory_space<vmem>> -> memref<128x64xbf16, #tpu.memory_space<vmem>>
      %dma_wait3A_115 = arith.constant 0 : i32
      %dma_wait3A_116 = tpu.memref_slice %arg13[%add3A_78, %dma_wait3A_115] : memref<10240x64xbf16, #tpu.memory_space<vmem_shared>> -> memref<128x64xbf16, #tpu.memory_space<vmem_shared>>
      tpu.wait_dma2 semaphore(%run_scoped3A : memref<!tpu.dma_semaphore, #tpu.memory_space<semaphore_mem>>) src(%dma_wait3A_116 : memref<128x64xbf16, #tpu.memory_space<vmem_shared>>) dst(%dma_wait3A_114 : memref<128x64xbf16, #tpu.memory_space<vmem>>)
      tpu.yield
    }) : () -> ()
    %add3A_79 = arith.constant 0 : i32
    %add3A_80 = arith.addi %mul3A_0, %add3A_79 : i32
    "tpu.region"() ({
      %run_scoped3A = tpu.sem_alloc : memref<!tpu.dma_semaphore, #tpu.memory_space<semaphore_mem>>
      %dma_start3A_97 = arith.constant 0 : i32
      %dma_start3A_98 = arith.constant 0 : i32
      %dma_start3A_99 = tpu.memref_slice %arg8[%dma_start3A_97, %dma_start3A_98] : memref<128x64xbf16, #tpu.memory_space<vmem>> -> memref<128x64xbf16, #tpu.memory_space<vmem>>
      %dma_start3A_100 = tpu.memref_slice %arg5[%add3A_80, %mul3A_2] : memref<10000x128xbf16, #tpu.memory_space<hbm>> -> memref<128x64xbf16, #tpu.memory_space<hbm>>
      %dma_start3A_101 = tpu.memref_slice %arg5[%add3A_80, %mul3A_2] : memref<10000x128xbf16, #tpu.memory_space<hbm>> -> memref<128x64xbf16, #tpu.memory_space<hbm>>
      %dma_start3A_102 = arith.constant 0 : i32
      %dma_start3A_103 = arith.constant 0 : i32
      %dma_start3A_104 = tpu.memref_slice %arg8[%dma_start3A_102, %dma_start3A_103] : memref<128x64xbf16, #tpu.memory_space<vmem>> -> memref<128x64xbf16, #tpu.memory_space<vmem>>
      tpu.enqueue_dma source(%dma_start3A_104 : memref<128x64xbf16, #tpu.memory_space<vmem>>) target(%dma_start3A_101 : memref<128x64xbf16, #tpu.memory_space<hbm>>) target_semaphore(%run_scoped3A : memref<!tpu.dma_semaphore, #tpu.memory_space<semaphore_mem>>)
      %dma_wait3A_105 = arith.constant 0 : i32
      %dma_wait3A_106 = arith.constant 0 : i32
      %dma_wait3A_107 = tpu.memref_slice %arg8[%dma_wait3A_105, %dma_wait3A_106] : memref<128x64xbf16, #tpu.memory_space<vmem>> -> memref<128x64xbf16, #tpu.memory_space<vmem>>
      %dma_wait3A_108 = tpu.memref_slice %arg5[%add3A_80, %mul3A_2] : memref<10000x128xbf16, #tpu.memory_space<hbm>> -> memref<128x64xbf16, #tpu.memory_space<hbm>>
      %dma_wait3A_109 = tpu.memref_slice %arg5[%add3A_80, %mul3A_2] : memref<10000x128xbf16, #tpu.memory_space<hbm>> -> memref<128x64xbf16, #tpu.memory_space<hbm>>
      %dma_wait3A_110 = arith.constant 0 : i32
      %dma_wait3A_111 = arith.constant 0 : i32
      %dma_wait3A_112 = tpu.memref_slice %arg8[%dma_wait3A_110, %dma_wait3A_111] : memref<128x64xbf16, #tpu.memory_space<vmem>> -> memref<128x64xbf16, #tpu.memory_space<vmem>>
      tpu.wait_dma2 semaphore(%run_scoped3A : memref<!tpu.dma_semaphore, #tpu.memory_space<semaphore_mem>>) src(%dma_wait3A_112 : memref<128x64xbf16, #tpu.memory_space<vmem>>) dst(%dma_wait3A_109 : memref<128x64xbf16, #tpu.memory_space<hbm>>)
      tpu.yield
    }) : () -> ()
    %add3A_81 = arith.constant 128 : i32
    %add3A_82 = arith.addi %mul3A_0, %add3A_81 : i32
    "tpu.region"() ({
      %run_scoped3A = tpu.sem_alloc : memref<!tpu.dma_semaphore, #tpu.memory_space<semaphore_mem>>
      %dma_start3A_97 = arith.constant 0 : i32
      %dma_start3A_98 = arith.constant 0 : i32
      %dma_start3A_99 = tpu.memref_slice %arg9[%dma_start3A_97, %dma_start3A_98] : memref<128x64xbf16, #tpu.memory_space<vmem>> -> memref<128x64xbf16, #tpu.memory_space<vmem>>
      %dma_start3A_100 = arith.constant 0 : i32
      %dma_start3A_101 = tpu.memref_slice %arg13[%add3A_82, %dma_start3A_100] : memref<10240x64xbf16, #tpu.memory_space<vmem_shared>> -> memref<128x64xbf16, #tpu.memory_space<vmem_shared>>
      %dma_start3A_102 = arith.constant 0 : i32
      %dma_start3A_103 = arith.constant 0 : i32
      %dma_start3A_104 = tpu.memref_slice %arg9[%dma_start3A_102, %dma_start3A_103] : memref<128x64xbf16, #tpu.memory_space<vmem>> -> memref<128x64xbf16, #tpu.memory_space<vmem>>
      %dma_start3A_105 = arith.constant 0 : i32
      %dma_start3A_106 = tpu.memref_slice %arg13[%add3A_82, %dma_start3A_105] : memref<10240x64xbf16, #tpu.memory_space<vmem_shared>> -> memref<128x64xbf16, #tpu.memory_space<vmem_shared>>
      tpu.enqueue_dma source(%dma_start3A_106 : memref<128x64xbf16, #tpu.memory_space<vmem_shared>>) target(%dma_start3A_104 : memref<128x64xbf16, #tpu.memory_space<vmem>>) target_semaphore(%run_scoped3A : memref<!tpu.dma_semaphore, #tpu.memory_space<semaphore_mem>>)
      %dma_wait3A_107 = arith.constant 0 : i32
      %dma_wait3A_108 = arith.constant 0 : i32
      %dma_wait3A_109 = tpu.memref_slice %arg9[%dma_wait3A_107, %dma_wait3A_108] : memref<128x64xbf16, #tpu.memory_space<vmem>> -> memref<128x64xbf16, #tpu.memory_space<vmem>>
      %dma_wait3A_110 = arith.constant 0 : i32
      %dma_wait3A_111 = tpu.memref_slice %arg13[%add3A_82, %dma_wait3A_110] : memref<10240x64xbf16, #tpu.memory_space<vmem_shared>> -> memref<128x64xbf16, #tpu.memory_space<vmem_shared>>
      %dma_wait3A_112 = arith.constant 0 : i32
      %dma_wait3A_113 = arith.constant 0 : i32
      %dma_wait3A_114 = tpu.memref_slice %arg9[%dma_wait3A_112, %dma_wait3A_113] : memref<128x64xbf16, #tpu.memory_space<vmem>> -> memref<128x64xbf16, #tpu.memory_space<vmem>>
      %dma_wait3A_115 = arith.constant 0 : i32
      %dma_wait3A_116 = tpu.memref_slice %arg13[%add3A_82, %dma_wait3A_115] : memref<10240x64xbf16, #tpu.memory_space<vmem_shared>> -> memref<128x64xbf16, #tpu.memory_space<vmem_shared>>
      tpu.wait_dma2 semaphore(%run_scoped3A : memref<!tpu.dma_semaphore, #tpu.memory_space<semaphore_mem>>) src(%dma_wait3A_116 : memref<128x64xbf16, #tpu.memory_space<vmem_shared>>) dst(%dma_wait3A_114 : memref<128x64xbf16, #tpu.memory_space<vmem>>)
      tpu.yield
    }) : () -> ()
    %add3A_83 = arith.constant 128 : i32
    %add3A_84 = arith.addi %mul3A_0, %add3A_83 : i32
    "tpu.region"() ({
      %run_scoped3A = tpu.sem_alloc : memref<!tpu.dma_semaphore, #tpu.memory_space<semaphore_mem>>
      %dma_start3A_97 = arith.constant 0 : i32
      %dma_start3A_98 = arith.constant 0 : i32
      %dma_start3A_99 = tpu.memref_slice %arg9[%dma_start3A_97, %dma_start3A_98] : memref<128x64xbf16, #tpu.memory_space<vmem>> -> memref<128x64xbf16, #tpu.memory_space<vmem>>
      %dma_start3A_100 = tpu.memref_slice %arg5[%add3A_84, %mul3A_2] : memref<10000x128xbf16, #tpu.memory_space<hbm>> -> memref<128x64xbf16, #tpu.memory_space<hbm>>
      %dma_start3A_101 = tpu.memref_slice %arg5[%add3A_84, %mul3A_2] : memref<10000x128xbf16, #tpu.memory_space<hbm>> -> memref<128x64xbf16, #tpu.memory_space<hbm>>
      %dma_start3A_102 = arith.constant 0 : i32
      %dma_start3A_103 = arith.constant 0 : i32
      %dma_start3A_104 = tpu.memref_slice %arg9[%dma_start3A_102, %dma_start3A_103] : memref<128x64xbf16, #tpu.memory_space<vmem>> -> memref<128x64xbf16, #tpu.memory_space<vmem>>
      tpu.enqueue_dma source(%dma_start3A_104 : memref<128x64xbf16, #tpu.memory_space<vmem>>) target(%dma_start3A_101 : memref<128x64xbf16, #tpu.memory_space<hbm>>) target_semaphore(%run_scoped3A : memref<!tpu.dma_semaphore, #tpu.memory_space<semaphore_mem>>)
      %dma_wait3A_105 = arith.constant 0 : i32
      %dma_wait3A_106 = arith.constant 0 : i32
      %dma_wait3A_107 = tpu.memref_slice %arg9[%dma_wait3A_105, %dma_wait3A_106] : memref<128x64xbf16, #tpu.memory_space<vmem>> -> memref<128x64xbf16, #tpu.memory_space<vmem>>
      %dma_wait3A_108 = tpu.memref_slice %arg5[%add3A_84, %mul3A_2] : memref<10000x128xbf16, #tpu.memory_space<hbm>> -> memref<128x64xbf16, #tpu.memory_space<hbm>>
      %dma_wait3A_109 = tpu.memref_slice %arg5[%add3A_84, %mul3A_2] : memref<10000x128xbf16, #tpu.memory_space<hbm>> -> memref<128x64xbf16, #tpu.memory_space<hbm>>
      %dma_wait3A_110 = arith.constant 0 : i32
      %dma_wait3A_111 = arith.constant 0 : i32
      %dma_wait3A_112 = tpu.memref_slice %arg9[%dma_wait3A_110, %dma_wait3A_111] : memref<128x64xbf16, #tpu.memory_space<vmem>> -> memref<128x64xbf16, #tpu.memory_space<vmem>>
      tpu.wait_dma2 semaphore(%run_scoped3A : memref<!tpu.dma_semaphore, #tpu.memory_space<semaphore_mem>>) src(%dma_wait3A_112 : memref<128x64xbf16, #tpu.memory_space<vmem>>) dst(%dma_wait3A_109 : memref<128x64xbf16, #tpu.memory_space<hbm>>)
      tpu.yield
    }) : () -> ()
    %add3A_85 = arith.constant 256 : i32
    %add3A_86 = arith.addi %mul3A_0, %add3A_85 : i32
    "tpu.region"() ({
      %run_scoped3A = tpu.sem_alloc : memref<!tpu.dma_semaphore, #tpu.memory_space<semaphore_mem>>
      %dma_start3A_97 = arith.constant 0 : i32
      %dma_start3A_98 = arith.constant 0 : i32
      %dma_start3A_99 = tpu.memref_slice %arg8[%dma_start3A_97, %dma_start3A_98] : memref<128x64xbf16, #tpu.memory_space<vmem>> -> memref<128x64xbf16, #tpu.memory_space<vmem>>
      %dma_start3A_100 = arith.constant 0 : i32
      %dma_start3A_101 = tpu.memref_slice %arg13[%add3A_86, %dma_start3A_100] : memref<10240x64xbf16, #tpu.memory_space<vmem_shared>> -> memref<128x64xbf16, #tpu.memory_space<vmem_shared>>
      %dma_start3A_102 = arith.constant 0 : i32
      %dma_start3A_103 = arith.constant 0 : i32
      %dma_start3A_104 = tpu.memref_slice %arg8[%dma_start3A_102, %dma_start3A_103] : memref<128x64xbf16, #tpu.memory_space<vmem>> -> memref<128x64xbf16, #tpu.memory_space<vmem>>
      %dma_start3A_105 = arith.constant 0 : i32
      %dma_start3A_106 = tpu.memref_slice %arg13[%add3A_86, %dma_start3A_105] : memref<10240x64xbf16, #tpu.memory_space<vmem_shared>> -> memref<128x64xbf16, #tpu.memory_space<vmem_shared>>
      tpu.enqueue_dma source(%dma_start3A_106 : memref<128x64xbf16, #tpu.memory_space<vmem_shared>>) target(%dma_start3A_104 : memref<128x64xbf16, #tpu.memory_space<vmem>>) target_semaphore(%run_scoped3A : memref<!tpu.dma_semaphore, #tpu.memory_space<semaphore_mem>>)
      %dma_wait3A_107 = arith.constant 0 : i32
      %dma_wait3A_108 = arith.constant 0 : i32
      %dma_wait3A_109 = tpu.memref_slice %arg8[%dma_wait3A_107, %dma_wait3A_108] : memref<128x64xbf16, #tpu.memory_space<vmem>> -> memref<128x64xbf16, #tpu.memory_space<vmem>>
      %dma_wait3A_110 = arith.constant 0 : i32
      %dma_wait3A_111 = tpu.memref_slice %arg13[%add3A_86, %dma_wait3A_110] : memref<10240x64xbf16, #tpu.memory_space<vmem_shared>> -> memref<128x64xbf16, #tpu.memory_space<vmem_shared>>
      %dma_wait3A_112 = arith.constant 0 : i32
      %dma_wait3A_113 = arith.constant 0 : i32
      %dma_wait3A_114 = tpu.memref_slice %arg8[%dma_wait3A_112, %dma_wait3A_113] : memref<128x64xbf16, #tpu.memory_space<vmem>> -> memref<128x64xbf16, #tpu.memory_space<vmem>>
      %dma_wait3A_115 = arith.constant 0 : i32
      %dma_wait3A_116 = tpu.memref_slice %arg13[%add3A_86, %dma_wait3A_115] : memref<10240x64xbf16, #tpu.memory_space<vmem_shared>> -> memref<128x64xbf16, #tpu.memory_space<vmem_shared>>
      tpu.wait_dma2 semaphore(%run_scoped3A : memref<!tpu.dma_semaphore, #tpu.memory_space<semaphore_mem>>) src(%dma_wait3A_116 : memref<128x64xbf16, #tpu.memory_space<vmem_shared>>) dst(%dma_wait3A_114 : memref<128x64xbf16, #tpu.memory_space<vmem>>)
      tpu.yield
    }) : () -> ()
    %add3A_87 = arith.constant 256 : i32
    %add3A_88 = arith.addi %mul3A_0, %add3A_87 : i32
    "tpu.region"() ({
      %run_scoped3A = tpu.sem_alloc : memref<!tpu.dma_semaphore, #tpu.memory_space<semaphore_mem>>
      %dma_start3A_97 = arith.constant 0 : i32
      %dma_start3A_98 = arith.constant 0 : i32
      %dma_start3A_99 = tpu.memref_slice %arg8[%dma_start3A_97, %dma_start3A_98] : memref<128x64xbf16, #tpu.memory_space<vmem>> -> memref<128x64xbf16, #tpu.memory_space<vmem>>
      %dma_start3A_100 = tpu.memref_slice %arg5[%add3A_88, %mul3A_2] : memref<10000x128xbf16, #tpu.memory_space<hbm>> -> memref<128x64xbf16, #tpu.memory_space<hbm>>
      %dma_start3A_101 = tpu.memref_slice %arg5[%add3A_88, %mul3A_2] : memref<10000x128xbf16, #tpu.memory_space<hbm>> -> memref<128x64xbf16, #tpu.memory_space<hbm>>
      %dma_start3A_102 = arith.constant 0 : i32
      %dma_start3A_103 = arith.constant 0 : i32
      %dma_start3A_104 = tpu.memref_slice %arg8[%dma_start3A_102, %dma_start3A_103] : memref<128x64xbf16, #tpu.memory_space<vmem>> -> memref<128x64xbf16, #tpu.memory_space<vmem>>
      tpu.enqueue_dma source(%dma_start3A_104 : memref<128x64xbf16, #tpu.memory_space<vmem>>) target(%dma_start3A_101 : memref<128x64xbf16, #tpu.memory_space<hbm>>) target_semaphore(%run_scoped3A : memref<!tpu.dma_semaphore, #tpu.memory_space<semaphore_mem>>)
      %dma_wait3A_105 = arith.constant 0 : i32
      %dma_wait3A_106 = arith.constant 0 : i32
      %dma_wait3A_107 = tpu.memref_slice %arg8[%dma_wait3A_105, %dma_wait3A_106] : memref<128x64xbf16, #tpu.memory_space<vmem>> -> memref<128x64xbf16, #tpu.memory_space<vmem>>
      %dma_wait3A_108 = tpu.memref_slice %arg5[%add3A_88, %mul3A_2] : memref<10000x128xbf16, #tpu.memory_space<hbm>> -> memref<128x64xbf16, #tpu.memory_space<hbm>>
      %dma_wait3A_109 = tpu.memref_slice %arg5[%add3A_88, %mul3A_2] : memref<10000x128xbf16, #tpu.memory_space<hbm>> -> memref<128x64xbf16, #tpu.memory_space<hbm>>
      %dma_wait3A_110 = arith.constant 0 : i32
      %dma_wait3A_111 = arith.constant 0 : i32
      %dma_wait3A_112 = tpu.memref_slice %arg8[%dma_wait3A_110, %dma_wait3A_111] : memref<128x64xbf16, #tpu.memory_space<vmem>> -> memref<128x64xbf16, #tpu.memory_space<vmem>>
      tpu.wait_dma2 semaphore(%run_scoped3A : memref<!tpu.dma_semaphore, #tpu.memory_space<semaphore_mem>>) src(%dma_wait3A_112 : memref<128x64xbf16, #tpu.memory_space<vmem>>) dst(%dma_wait3A_109 : memref<128x64xbf16, #tpu.memory_space<hbm>>)
      tpu.yield
    }) : () -> ()
    %add3A_89 = arith.constant 384 : i32
    %add3A_90 = arith.addi %mul3A_0, %add3A_89 : i32
    "tpu.region"() ({
      %run_scoped3A = tpu.sem_alloc : memref<!tpu.dma_semaphore, #tpu.memory_space<semaphore_mem>>
      %dma_start3A_97 = arith.constant 0 : i32
      %dma_start3A_98 = arith.constant 0 : i32
      %dma_start3A_99 = tpu.memref_slice %arg9[%dma_start3A_97, %dma_start3A_98] : memref<128x64xbf16, #tpu.memory_space<vmem>> -> memref<128x64xbf16, #tpu.memory_space<vmem>>
      %dma_start3A_100 = arith.constant 0 : i32
      %dma_start3A_101 = tpu.memref_slice %arg13[%add3A_90, %dma_start3A_100] : memref<10240x64xbf16, #tpu.memory_space<vmem_shared>> -> memref<128x64xbf16, #tpu.memory_space<vmem_shared>>
      %dma_start3A_102 = arith.constant 0 : i32
      %dma_start3A_103 = arith.constant 0 : i32
      %dma_start3A_104 = tpu.memref_slice %arg9[%dma_start3A_102, %dma_start3A_103] : memref<128x64xbf16, #tpu.memory_space<vmem>> -> memref<128x64xbf16, #tpu.memory_space<vmem>>
      %dma_start3A_105 = arith.constant 0 : i32
      %dma_start3A_106 = tpu.memref_slice %arg13[%add3A_90, %dma_start3A_105] : memref<10240x64xbf16, #tpu.memory_space<vmem_shared>> -> memref<128x64xbf16, #tpu.memory_space<vmem_shared>>
      tpu.enqueue_dma source(%dma_start3A_106 : memref<128x64xbf16, #tpu.memory_space<vmem_shared>>) target(%dma_start3A_104 : memref<128x64xbf16, #tpu.memory_space<vmem>>) target_semaphore(%run_scoped3A : memref<!tpu.dma_semaphore, #tpu.memory_space<semaphore_mem>>)
      %dma_wait3A_107 = arith.constant 0 : i32
      %dma_wait3A_108 = arith.constant 0 : i32
      %dma_wait3A_109 = tpu.memref_slice %arg9[%dma_wait3A_107, %dma_wait3A_108] : memref<128x64xbf16, #tpu.memory_space<vmem>> -> memref<128x64xbf16, #tpu.memory_space<vmem>>
      %dma_wait3A_110 = arith.constant 0 : i32
      %dma_wait3A_111 = tpu.memref_slice %arg13[%add3A_90, %dma_wait3A_110] : memref<10240x64xbf16, #tpu.memory_space<vmem_shared>> -> memref<128x64xbf16, #tpu.memory_space<vmem_shared>>
      %dma_wait3A_112 = arith.constant 0 : i32
      %dma_wait3A_113 = arith.constant 0 : i32
      %dma_wait3A_114 = tpu.memref_slice %arg9[%dma_wait3A_112, %dma_wait3A_113] : memref<128x64xbf16, #tpu.memory_space<vmem>> -> memref<128x64xbf16, #tpu.memory_space<vmem>>
      %dma_wait3A_115 = arith.constant 0 : i32
      %dma_wait3A_116 = tpu.memref_slice %arg13[%add3A_90, %dma_wait3A_115] : memref<10240x64xbf16, #tpu.memory_space<vmem_shared>> -> memref<128x64xbf16, #tpu.memory_space<vmem_shared>>
      tpu.wait_dma2 semaphore(%run_scoped3A : memref<!tpu.dma_semaphore, #tpu.memory_space<semaphore_mem>>) src(%dma_wait3A_116 : memref<128x64xbf16, #tpu.memory_space<vmem_shared>>) dst(%dma_wait3A_114 : memref<128x64xbf16, #tpu.memory_space<vmem>>)
      tpu.yield
    }) : () -> ()
    %add3A_91 = arith.constant 384 : i32
    %add3A_92 = arith.addi %mul3A_0, %add3A_91 : i32
    "tpu.region"() ({
      %run_scoped3A = tpu.sem_alloc : memref<!tpu.dma_semaphore, #tpu.memory_space<semaphore_mem>>
      %dma_start3A_97 = arith.constant 0 : i32
      %dma_start3A_98 = arith.constant 0 : i32
      %dma_start3A_99 = tpu.memref_slice %arg9[%dma_start3A_97, %dma_start3A_98] : memref<128x64xbf16, #tpu.memory_space<vmem>> -> memref<128x64xbf16, #tpu.memory_space<vmem>>
      %dma_start3A_100 = tpu.memref_slice %arg5[%add3A_92, %mul3A_2] : memref<10000x128xbf16, #tpu.memory_space<hbm>> -> memref<128x64xbf16, #tpu.memory_space<hbm>>
      %dma_start3A_101 = tpu.memref_slice %arg5[%add3A_92, %mul3A_2] : memref<10000x128xbf16, #tpu.memory_space<hbm>> -> memref<128x64xbf16, #tpu.memory_space<hbm>>
      %dma_start3A_102 = arith.constant 0 : i32
      %dma_start3A_103 = arith.constant 0 : i32
      %dma_start3A_104 = tpu.memref_slice %arg9[%dma_start3A_102, %dma_start3A_103] : memref<128x64xbf16, #tpu.memory_space<vmem>> -> memref<128x64xbf16, #tpu.memory_space<vmem>>
      tpu.enqueue_dma source(%dma_start3A_104 : memref<128x64xbf16, #tpu.memory_space<vmem>>) target(%dma_start3A_101 : memref<128x64xbf16, #tpu.memory_space<hbm>>) target_semaphore(%run_scoped3A : memref<!tpu.dma_semaphore, #tpu.memory_space<semaphore_mem>>)
      %dma_wait3A_105 = arith.constant 0 : i32
      %dma_wait3A_106 = arith.constant 0 : i32
      %dma_wait3A_107 = tpu.memref_slice %arg9[%dma_wait3A_105, %dma_wait3A_106] : memref<128x64xbf16, #tpu.memory_space<vmem>> -> memref<128x64xbf16, #tpu.memory_space<vmem>>
      %dma_wait3A_108 = tpu.memref_slice %arg5[%add3A_92, %mul3A_2] : memref<10000x128xbf16, #tpu.memory_space<hbm>> -> memref<128x64xbf16, #tpu.memory_space<hbm>>
      %dma_wait3A_109 = tpu.memref_slice %arg5[%add3A_92, %mul3A_2] : memref<10000x128xbf16, #tpu.memory_space<hbm>> -> memref<128x64xbf16, #tpu.memory_space<hbm>>
      %dma_wait3A_110 = arith.constant 0 : i32
      %dma_wait3A_111 = arith.constant 0 : i32
      %dma_wait3A_112 = tpu.memref_slice %arg9[%dma_wait3A_110, %dma_wait3A_111] : memref<128x64xbf16, #tpu.memory_space<vmem>> -> memref<128x64xbf16, #tpu.memory_space<vmem>>
      tpu.wait_dma2 semaphore(%run_scoped3A : memref<!tpu.dma_semaphore, #tpu.memory_space<semaphore_mem>>) src(%dma_wait3A_112 : memref<128x64xbf16, #tpu.memory_space<vmem>>) dst(%dma_wait3A_109 : memref<128x64xbf16, #tpu.memory_space<hbm>>)
      tpu.yield
    }) : () -> ()
    %add3A_93 = arith.constant 512 : i32
    %add3A_94 = arith.addi %mul3A_0, %add3A_93 : i32
    "tpu.region"() ({
      %run_scoped3A = tpu.sem_alloc : memref<!tpu.dma_semaphore, #tpu.memory_space<semaphore_mem>>
      %dma_start3A_97 = arith.constant 0 : i32
      %dma_start3A_98 = arith.constant 0 : i32
      %dma_start3A_99 = tpu.memref_slice %arg8[%dma_start3A_97, %dma_start3A_98] : memref<128x64xbf16, #tpu.memory_space<vmem>> -> memref<113x64xbf16, #tpu.memory_space<vmem>>
      %dma_start3A_100 = arith.constant 0 : i32
      %dma_start3A_101 = tpu.memref_slice %arg13[%add3A_94, %dma_start3A_100] : memref<10240x64xbf16, #tpu.memory_space<vmem_shared>> -> memref<113x64xbf16, #tpu.memory_space<vmem_shared>>
      %dma_start3A_102 = arith.constant 0 : i32
      %dma_start3A_103 = arith.constant 0 : i32
      %dma_start3A_104 = tpu.memref_slice %arg8[%dma_start3A_102, %dma_start3A_103] : memref<128x64xbf16, #tpu.memory_space<vmem>> -> memref<113x64xbf16, #tpu.memory_space<vmem>>
      %dma_start3A_105 = arith.constant 0 : i32
      %dma_start3A_106 = tpu.memref_slice %arg13[%add3A_94, %dma_start3A_105] : memref<10240x64xbf16, #tpu.memory_space<vmem_shared>> -> memref<113x64xbf16, #tpu.memory_space<vmem_shared>>
      tpu.enqueue_dma source(%dma_start3A_106 : memref<113x64xbf16, #tpu.memory_space<vmem_shared>>) target(%dma_start3A_104 : memref<113x64xbf16, #tpu.memory_space<vmem>>) target_semaphore(%run_scoped3A : memref<!tpu.dma_semaphore, #tpu.memory_space<semaphore_mem>>)
      %dma_wait3A_107 = arith.constant 0 : i32
      %dma_wait3A_108 = arith.constant 0 : i32
      %dma_wait3A_109 = tpu.memref_slice %arg8[%dma_wait3A_107, %dma_wait3A_108] : memref<128x64xbf16, #tpu.memory_space<vmem>> -> memref<113x64xbf16, #tpu.memory_space<vmem>>
      %dma_wait3A_110 = arith.constant 0 : i32
      %dma_wait3A_111 = tpu.memref_slice %arg13[%add3A_94, %dma_wait3A_110] : memref<10240x64xbf16, #tpu.memory_space<vmem_shared>> -> memref<113x64xbf16, #tpu.memory_space<vmem_shared>>
      %dma_wait3A_112 = arith.constant 0 : i32
      %dma_wait3A_113 = arith.constant 0 : i32
      %dma_wait3A_114 = tpu.memref_slice %arg8[%dma_wait3A_112, %dma_wait3A_113] : memref<128x64xbf16, #tpu.memory_space<vmem>> -> memref<113x64xbf16, #tpu.memory_space<vmem>>
      %dma_wait3A_115 = arith.constant 0 : i32
      %dma_wait3A_116 = tpu.memref_slice %arg13[%add3A_94, %dma_wait3A_115] : memref<10240x64xbf16, #tpu.memory_space<vmem_shared>> -> memref<113x64xbf16, #tpu.memory_space<vmem_shared>>
      tpu.wait_dma2 semaphore(%run_scoped3A : memref<!tpu.dma_semaphore, #tpu.memory_space<semaphore_mem>>) src(%dma_wait3A_116 : memref<113x64xbf16, #tpu.memory_space<vmem_shared>>) dst(%dma_wait3A_114 : memref<113x64xbf16, #tpu.memory_space<vmem>>)
      tpu.yield
    }) : () -> ()
    %add3A_95 = arith.constant 512 : i32
    %add3A_96 = arith.addi %mul3A_0, %add3A_95 : i32
    "tpu.region"() ({
      %run_scoped3A = tpu.sem_alloc : memref<!tpu.dma_semaphore, #tpu.memory_space<semaphore_mem>>
      %dma_start3A_97 = arith.constant 0 : i32
      %dma_start3A_98 = arith.constant 0 : i32
      %dma_start3A_99 = tpu.memref_slice %arg8[%dma_start3A_97, %dma_start3A_98] : memref<128x64xbf16, #tpu.memory_space<vmem>> -> memref<113x64xbf16, #tpu.memory_space<vmem>>
      %dma_start3A_100 = tpu.memref_slice %arg5[%add3A_96, %mul3A_2] : memref<10000x128xbf16, #tpu.memory_space<hbm>> -> memref<113x64xbf16, #tpu.memory_space<hbm>>
      %dma_start3A_101 = tpu.memref_slice %arg5[%add3A_96, %mul3A_2] : memref<10000x128xbf16, #tpu.memory_space<hbm>> -> memref<113x64xbf16, #tpu.memory_space<hbm>>
      %dma_start3A_102 = arith.constant 0 : i32
      %dma_start3A_103 = arith.constant 0 : i32
      %dma_start3A_104 = tpu.memref_slice %arg8[%dma_start3A_102, %dma_start3A_103] : memref<128x64xbf16, #tpu.memory_space<vmem>> -> memref<113x64xbf16, #tpu.memory_space<vmem>>
      tpu.enqueue_dma source(%dma_start3A_104 : memref<113x64xbf16, #tpu.memory_space<vmem>>) target(%dma_start3A_101 : memref<113x64xbf16, #tpu.memory_space<hbm>>) target_semaphore(%run_scoped3A : memref<!tpu.dma_semaphore, #tpu.memory_space<semaphore_mem>>)
      %dma_wait3A_105 = arith.constant 0 : i32
      %dma_wait3A_106 = arith.constant 0 : i32
      %dma_wait3A_107 = tpu.memref_slice %arg8[%dma_wait3A_105, %dma_wait3A_106] : memref<128x64xbf16, #tpu.memory_space<vmem>> -> memref<113x64xbf16, #tpu.memory_space<vmem>>
      %dma_wait3A_108 = tpu.memref_slice %arg5[%add3A_96, %mul3A_2] : memref<10000x128xbf16, #tpu.memory_space<hbm>> -> memref<113x64xbf16, #tpu.memory_space<hbm>>
      %dma_wait3A_109 = tpu.memref_slice %arg5[%add3A_96, %mul3A_2] : memref<10000x128xbf16, #tpu.memory_space<hbm>> -> memref<113x64xbf16, #tpu.memory_space<hbm>>
      %dma_wait3A_110 = arith.constant 0 : i32
      %dma_wait3A_111 = arith.constant 0 : i32
      %dma_wait3A_112 = tpu.memref_slice %arg8[%dma_wait3A_110, %dma_wait3A_111] : memref<128x64xbf16, #tpu.memory_space<vmem>> -> memref<113x64xbf16, #tpu.memory_space<vmem>>
      tpu.wait_dma2 semaphore(%run_scoped3A : memref<!tpu.dma_semaphore, #tpu.memory_space<semaphore_mem>>) src(%dma_wait3A_112 : memref<113x64xbf16, #tpu.memory_space<vmem>>) dst(%dma_wait3A_109 : memref<113x64xbf16, #tpu.memory_space<hbm>>)
      tpu.yield
    }) : () -> ()
    return
  }
}

module attributes {stable_mosaic.version = 14 : i64} {
  func.func @_mm1_body(%arg0: i32, %arg1: memref<1000x128xf32, #tpu.memory_space<vmem>>, %arg2: memref<128x128xf32, #tpu.memory_space<vmem>>, %arg3: memref<1000x16xf32, #tpu.memory_space<vmem>>, %arg4: memref<1000x128xbf16, #tpu.memory_space<vmem>>) attributes {dimension_semantics = [#tpu.dimension_semantics<arbitrary>], iteration_bounds = array<i64: 10>, scalar_prefetch = 0 : i64, scratch_operands = 0 : i64, tpu.core_type = #tpu.core_type<tc>, window_params = [{transform_indices = @transform_0, window_bounds = array<i64: 1000, 128>}, {pipeline_mode = #tpu.pipeline_mode<synchronous>, transform_indices = @transform_1, window_bounds = array<i64: 128, 128>}, {transform_indices = @transform_2, window_bounds = array<i64: 1000, 16>}, {transform_indices = @transform_3, window_bounds = array<i64: 1000, 128>}]} {
    %get3A = arith.constant 0 : index
    %get3A_0 = arith.constant 0 : index
    %get3A_1 = vector.load %arg1[%get3A, %get3A_0] : memref<1000x128xf32, #tpu.memory_space<vmem>>, vector<1000x128xf32>
    %get3A_2 = arith.constant 0 : index
    %get3A_3 = arith.constant 0 : index
    %get3A_4 = vector.load %arg2[%get3A_2, %get3A_3] : memref<128x128xf32, #tpu.memory_space<vmem>>, vector<128x128xf32>
    %dot_general3A = arith.constant dense<0.000000e+00> : vector<1000x128xf32>
    %dot_general3A_5 = tpu.matmul %get3A_1, %get3A_4, %dot_general3A {dimension_numbers = #tpu.dot_dimension_numbers<[1], [0], [0], [1], [0, 0, 1, 1], [], []>, transpose_lhs_hint = false} : vector<1000x128xf32>, vector<128x128xf32>, vector<1000x128xf32> -> vector<1000x128xf32>
    %get3A_6 = arith.constant 0 : index
    %get3A_7 = arith.constant 0 : index
    %get3A_8 = vector.load %arg3[%get3A_6, %get3A_7] : memref<1000x16xf32, #tpu.memory_space<vmem>>, vector<1000x1xf32>
    %add3A = arith.constant 1.000000e+00 : f32
    %add3A_9 = vector.broadcast %add3A : f32 to vector<1000x1xf32>
    %add3A_10 = arith.addf %get3A_8, %add3A_9 : vector<1000x1xf32>
    %rsqrt3A = math.rsqrt %add3A_10 : vector<1000x1xf32>
    %mul3A = vector.broadcast %rsqrt3A : vector<1000x1xf32> to vector<1000x128xf32>
    %mul3A_11 = arith.mulf %dot_general3A_5, %mul3A : vector<1000x128xf32>
    %convert_element_type3A = arith.truncf %mul3A_11 : vector<1000x128xf32> to vector<1000x128xbf16>
    %swap3A = arith.constant 0 : index
    %swap3A_12 = arith.constant 0 : index
    %swap3A_13 = vector.load %arg4[%swap3A, %swap3A_12] : memref<1000x128xbf16, #tpu.memory_space<vmem>>, vector<1000x128xbf16>
    tpu.vector_store %arg4[%swap3A, %swap3A_12], %convert_element_type3A {strides = array<i32>} : memref<1000x128xbf16, #tpu.memory_space<vmem>>, vector<1000x128xbf16>,
    return
  }
  func.func @transform_0(%arg0: i32) -> (i32, i32) {
    %c0_i32 = arith.constant 0 : i32
    %c0_i32_0 = arith.constant 0 : i32
    return %arg0, %c0_i32 : i32, i32
  }
  func.func @transform_1(%arg0: i32) -> (i32, i32) {
    %c0_i32 = arith.constant 0 : i32
    %c0_i32_0 = arith.constant 0 : i32
    %c0_i32_1 = arith.constant 0 : i32
    return %c0_i32, %c0_i32_0 : i32, i32
  }
  func.func @transform_2(%arg0: i32) -> (i32, i32) {
    %c0_i32 = arith.constant 0 : i32
    %c0_i32_0 = arith.constant 0 : i32
    return %arg0, %c0_i32 : i32, i32
  }
  func.func @transform_3(%arg0: i32) -> (i32, i32) {
    %c0_i32 = arith.constant 0 : i32
    %c0_i32_0 = arith.constant 0 : i32
    return %arg0, %c0_i32 : i32, i32
  }
}

module attributes {stable_mosaic.version = 14 : i64} {
  func.func @_fuse2_body(%arg0: i32, %arg1: memref<1000x128xbf16, #tpu.memory_space<vmem>>, %arg2: memref<1000x16xf32, #tpu.memory_space<vmem>>, %arg3: memref<1x128xf32, #tpu.memory_space<vmem>>, %arg4: memref<128x128xf32, #tpu.memory_space<vmem>>, %arg5: memref<1000x128xbf16, #tpu.memory_space<vmem>>) attributes {dimension_semantics = [#tpu.dimension_semantics<arbitrary>], iteration_bounds = array<i64: 10>, scalar_prefetch = 0 : i64, scratch_operands = 0 : i64, tpu.core_type = #tpu.core_type<tc>, window_params = [{transform_indices = @transform_0, window_bounds = array<i64: 1000, 128>}, {transform_indices = @transform_1, window_bounds = array<i64: 1000, 16>}, {pipeline_mode = #tpu.pipeline_mode<synchronous>, transform_indices = @transform_2, window_bounds = array<i64: 1, 128>}, {pipeline_mode = #tpu.pipeline_mode<synchronous>, transform_indices = @transform_3, window_bounds = array<i64: 128, 128>}, {transform_indices = @transform_4, window_bounds = array<i64: 1000, 128>}]} {
    %get3A = arith.constant 0 : index
    %get3A_0 = arith.constant 0 : index
    %get3A_1 = vector.load %arg2[%get3A, %get3A_0] : memref<1000x16xf32, #tpu.memory_space<vmem>>, vector<1000x1xf32>
    %add3A = arith.constant 1.000000e+00 : f32
    %add3A_2 = vector.broadcast %add3A : f32 to vector<1000x1xf32>
    %add3A_3 = arith.addf %get3A_1, %add3A_2 : vector<1000x1xf32>
    %rsqrt3A = math.rsqrt %add3A_3 : vector<1000x1xf32>
    %get3A_4 = arith.constant 0 : index
    %get3A_5 = arith.constant 0 : index
    %get3A_6 = vector.load %arg1[%get3A_4, %get3A_5] : memref<1000x128xbf16, #tpu.memory_space<vmem>>, vector<1000x128xbf16>
    %convert_element_type3A = arith.extf %get3A_6 : vector<1000x128xbf16> to vector<1000x128xf32>
    %mul3A = vector.broadcast %rsqrt3A : vector<1000x1xf32> to vector<1000x128xf32>
    %mul3A_7 = arith.mulf %mul3A, %convert_element_type3A : vector<1000x128xf32>
    %get3A_8 = arith.constant 0 : index
    %get3A_9 = arith.constant 0 : index
    %get3A_10 = vector.load %arg3[%get3A_8, %get3A_9] : memref<1x128xf32, #tpu.memory_space<vmem>>, vector<1x128xf32>
    %add3A_11 = vector.broadcast %get3A_10 : vector<1x128xf32> to vector<1000x128xf32>
    %add3A_12 = arith.addf %mul3A_7, %add3A_11 : vector<1000x128xf32>
    %max3A = arith.constant 0.000000e+00 : f32
    %max3A_13 = vector.broadcast %max3A : f32 to vector<1000x128xf32>
    %max3A_14 = arith.maximumf %add3A_12, %max3A_13 : vector<1000x128xf32>
    %get3A_15 = arith.constant 0 : index
    %get3A_16 = arith.constant 0 : index
    %get3A_17 = vector.load %arg4[%get3A_15, %get3A_16] : memref<128x128xf32, #tpu.memory_space<vmem>>, vector<128x128xf32>
    %dot_general3A = arith.constant dense<0.000000e+00> : vector<1000x128xf32>
    %dot_general3A_18 = tpu.matmul %max3A_14, %get3A_17, %dot_general3A {dimension_numbers = #tpu.dot_dimension_numbers<[1], [0], [0], [1], [0, 0, 1, 1], [], []>, transpose_lhs_hint = false} : vector<1000x128xf32>, vector<128x128xf32>, vector<1000x128xf32> -> vector<1000x128xf32>
    %mul3A_19 = vector.broadcast %rsqrt3A : vector<1000x1xf32> to vector<1000x128xf32>
    %mul3A_20 = arith.mulf %dot_general3A_18, %mul3A_19 : vector<1000x128xf32>
    %convert_element_type3A_21 = arith.truncf %mul3A_20 : vector<1000x128xf32> to vector<1000x128xbf16>
    %swap3A = arith.constant 0 : index
    %swap3A_22 = arith.constant 0 : index
    %swap3A_23 = vector.load %arg5[%swap3A, %swap3A_22] : memref<1000x128xbf16, #tpu.memory_space<vmem>>, vector<1000x128xbf16>
    tpu.vector_store %arg5[%swap3A, %swap3A_22], %convert_element_type3A_21 {strides = array<i32>} : memref<1000x128xbf16, #tpu.memory_space<vmem>>, vector<1000x128xbf16>,
    return
  }
  func.func @transform_0(%arg0: i32) -> (i32, i32) {
    %c0_i32 = arith.constant 0 : i32
    %c0_i32_0 = arith.constant 0 : i32
    return %arg0, %c0_i32 : i32, i32
  }
  func.func @transform_1(%arg0: i32) -> (i32, i32) {
    %c0_i32 = arith.constant 0 : i32
    %c0_i32_0 = arith.constant 0 : i32
    return %arg0, %c0_i32 : i32, i32
  }
  func.func @transform_2(%arg0: i32) -> (i32, i32) {
    %c0_i32 = arith.constant 0 : i32
    %c0_i32_0 = arith.constant 0 : i32
    %c0_i32_1 = arith.constant 0 : i32
    return %c0_i32, %c0_i32_0 : i32, i32
  }
  func.func @transform_3(%arg0: i32) -> (i32, i32) {
    %c0_i32 = arith.constant 0 : i32
    %c0_i32_0 = arith.constant 0 : i32
    %c0_i32_1 = arith.constant 0 : i32
    return %c0_i32, %c0_i32_0 : i32, i32
  }
  func.func @transform_4(%arg0: i32) -> (i32, i32) {
    %c0_i32 = arith.constant 0 : i32
    %c0_i32_0 = arith.constant 0 : i32
    return %arg0, %c0_i32 : i32, i32
  }
}

module attributes {stable_mosaic.version = 14 : i64} {
  func.func @_out_body(%arg0: i32, %arg1: memref<1000x128xbf16, #tpu.memory_space<vmem>>, %arg2: memref<1000x16xf32, #tpu.memory_space<vmem>>, %arg3: memref<1x128xf32, #tpu.memory_space<vmem>>, %arg4: memref<1000x128xf32, #tpu.memory_space<vmem>>) attributes {dimension_semantics = [#tpu.dimension_semantics<arbitrary>], iteration_bounds = array<i64: 10>, scalar_prefetch = 0 : i64, scratch_operands = 0 : i64, tpu.core_type = #tpu.core_type<tc>, window_params = [{transform_indices = @transform_0, window_bounds = array<i64: 1000, 128>}, {transform_indices = @transform_1, window_bounds = array<i64: 1000, 16>}, {pipeline_mode = #tpu.pipeline_mode<synchronous>, transform_indices = @transform_2, window_bounds = array<i64: 1, 128>}, {transform_indices = @transform_3, window_bounds = array<i64: 1000, 128>}]} {
    %get3A = arith.constant 0 : index
    %get3A_0 = arith.constant 0 : index
    %get3A_1 = vector.load %arg1[%get3A, %get3A_0] : memref<1000x128xbf16, #tpu.memory_space<vmem>>, vector<1000x128xbf16>
    %convert_element_type3A = arith.extf %get3A_1 : vector<1000x128xbf16> to vector<1000x128xf32>
    %get3A_2 = arith.constant 0 : index
    %get3A_3 = arith.constant 0 : index
    %get3A_4 = vector.load %arg2[%get3A_2, %get3A_3] : memref<1000x16xf32, #tpu.memory_space<vmem>>, vector<1000x1xf32>
    %add3A = arith.constant 1.000000e+00 : f32
    %add3A_5 = vector.broadcast %add3A : f32 to vector<1000x1xf32>
    %add3A_6 = arith.addf %get3A_4, %add3A_5 : vector<1000x1xf32>
    %rsqrt3A = math.rsqrt %add3A_6 : vector<1000x1xf32>
    %mul3A = vector.broadcast %rsqrt3A : vector<1000x1xf32> to vector<1000x128xf32>
    %mul3A_7 = arith.mulf %mul3A, %convert_element_type3A : vector<1000x128xf32>
    %get3A_8 = arith.constant 0 : index
    %get3A_9 = arith.constant 0 : index
    %get3A_10 = vector.load %arg3[%get3A_8, %get3A_9] : memref<1x128xf32, #tpu.memory_space<vmem>>, vector<1x128xf32>
    %add3A_11 = vector.broadcast %get3A_10 : vector<1x128xf32> to vector<1000x128xf32>
    %add3A_12 = arith.addf %mul3A_7, %add3A_11 : vector<1000x128xf32>
    %swap3A = arith.constant 0 : index
    %swap3A_13 = arith.constant 0 : index
    %swap3A_14 = vector.load %arg4[%swap3A, %swap3A_13] : memref<1000x128xf32, #tpu.memory_space<vmem>>, vector<1000x128xf32>
    tpu.vector_store %arg4[%swap3A, %swap3A_13], %add3A_12 {strides = array<i32>} : memref<1000x128xf32, #tpu.memory_space<vmem>>, vector<1000x128xf32>,
    return
  }
  func.func @transform_0(%arg0: i32) -> (i32, i32) {
    %c0_i32 = arith.constant 0 : i32
    %c0_i32_0 = arith.constant 0 : i32
    return %arg0, %c0_i32 : i32, i32
  }
  func.func @transform_1(%arg0: i32) -> (i32, i32) {
    %c0_i32 = arith.constant 0 : i32
    %c0_i32_0 = arith.constant 0 : i32
    return %arg0, %c0_i32 : i32, i32
  }
  func.func @transform_2(%arg0: i32) -> (i32, i32) {
    %c0_i32 = arith.constant 0 : i32
    %c0_i32_0 = arith.constant 0 : i32
    %c0_i32_1 = arith.constant 0 : i32
    return %c0_i32, %c0_i32_0 : i32, i32
  }
  func.func @transform_3(%arg0: i32) -> (i32, i32) {
    %c0_i32 = arith.constant 0 : i32
    %c0_i32_0 = arith.constant 0 : i32
    return %arg0, %c0_i32 : i32, i32
  }
}

</mosaic_0001>

<sc_bundles>
// kernel: kernel.11.cloned.1.call-start
scs
__scs_entry_jumppad:
0x0: {  	(pc) =	sbr.rel $0x88, $3  }
0x1: {  	(tag) =	ssettag $0x0;
	lr =	simm.s32 $0x1  }
0x2: {  	[smem:$0x3F9B] =	sst lr;
	_ =	strace $0xD0000000  }
0x3: {  	_ = 	snop  }
0x4: {  	_ = 	snop  }
0x5: {  	_ = 	snop  }
0x6: {  	_ = 	snop  }
0x7: {  	_ = 	snop  }
__scs_overlays_trampoline_lowered:
0x8: {  	[smem:$0x3FAA] =	sst s0  }
0x9: {  	[smem:$0x3FAB] =	sst s1  }
0xa: {  	[smem:$0x3FAC] =	sst s2  }
0xb: {  	[smem:$0x3FAD] =	sst s3  }
0xc: {  	[smem:$0x3FAE] =	sst s4  }
0xd: {  	[smem:$0x3FAF] =	sst s5  }
0xe: {  	[smem:$0x3FB0] =	sst s6  }
0xf: {  	[smem:$0x3FB1] =	sst s7  }
0x10: {  	[smem:$0x3FB2] =	sst s8  }
0x11: {  	[smem:$0x3FB3] =	sst s9;
	s0 =	simm.s32 @!p0 $0x0  }
0x12: {  	s1 =	sld [smem:$0x3F99];
	s0 =	simm.s32 @p0 $0x1  }
0x13: {  	[smem:$0x3FB4] =	sst s0;
	s0 =	simm.s32 @!p1 $0x0  }
0x14: {  	s2 =	sld [smem:$0x3F98];
	s0 =	simm.s32 @p1 $0x1  }
0x15: {  	[smem:$0x3FB5] =	sst s0;
	s0 =	simm.s32 @!p2 $0x0  }
0x16: {  	s3 =	sld [smem:$0x3FDB];
	s0 =	simm.s32 @p2 $0x1  }
0x17: {  	s4 =	simm.s32 $0x1BF5;
	[smem:$0x3FB7] =	sst s0  }
0x18: {  	s0 =	sld [smem:$0x3F9A];
	_ =	swait.ge [sflag:s4], $0x0  }
0x19: {  	s7 =	sld [smem:$0x3F9B]  }
0x1a: {  	s8 =	sadd.s32 $0xFFFFE003, lr  }
0x1b: {  	s9 =	sadd.s32 $0xFFFFFEF7, lr;
	s5 =	simm.s32 $0xFFFFFFFF;
	p2 =	slt.u32 s8, $0xFFFFF086  }
0x1c: {  	p1 =	slt.u32 s9, $0xF7A;
	s5 =	simm.s32 @!p2 $0x0  }
0x1d: {  	s5 =	simm.s32 @p1 $0x1;
	p0 =	seq.s32 s7, s2  }
0x1e: {  	s7 =	smul.u32 @!p0 $0xF7A, s2;
	p2 =	seq.s32 @!p0 s5, $0x0  }
0x1f: {  	s9 =	smul.u32 $0xF7A, s1;
	s8 =	simm.s32 @!p0 $0x1BF5;
	p2 =	por !p2, p0  }
0x20: {  	[sflag:s8] =	ssyncset.s32 @!p0 $0xFFFFF086;
	s6 =	sadd.s32 @!p0 s3, s7;
	s7 =	simm.s32 @!p0 $0x108  }
0x21: {  	s3 =	sadd.s32 s3, s9;
	s6 =	sadd.s32 @!p0 $0x88, s6;
	s7 =	simm.s32 @p2 $0x1082  }
0x22: {  	[simem:s7], [sflag:s8] =	dma.local @!p0 [hbm:s6], $0xF7A  }
0x23: {  	s9 =	sor.u32 $0xD0000000, s2;
	s6 =	simm.s32 $0x108;
	_ =	swait.ge @!p0 [sflag:s8], $0x0  }
0x24: {  	s3 =	sadd.s32 $0x88, s3;
	s6 =	simm.s32 @!p1 $0x1082;
	[sflag:s4] =	ssyncset.s32 $0xFFFFF086  }
0x25: {  	[simem:s6], [sflag:s4] =	dma.local [hbm:s3], $0xF7A  }
0x26: {  	[smem:$0x3F9B] =	sst s1;
	(tag) =	ssettag s2;
	_ =	strace s9  }
0x27: {  	s1 =	sld [smem:$0x3FAB]  }
0x28: {  	s2 =	sld [smem:$0x3FAC]  }
0x29: {  	s4 =	sld [smem:$0x3FAE]  }
0x2a: {  	p0 =	seq.s32 s5, $0x0;
	s5 =	sld [smem:$0x3FAF]  }
0x2b: {  	s6 =	sld [smem:$0x3FB0]  }
0x2c: {  	s7 =	sld [smem:$0x3FB1]  }
0x2d: {  	s3 =	simm.s32 $0x108;
	s8 =	sld [smem:$0x3FB2]  }
0x2e: {  	s3 =	simm.s32 @!p0 $0x1082;
	s9 =	sld [smem:$0x3FB3]  }
0x2f: {  	lr =	sadd.s32 s0, s3;
	s0 =	sld [smem:$0x3FAA]  }
0x30: {  	s3 =	sld [smem:$0x3FAD]  }
0x31: {  	[smem:$0x3FB6] =	sst s10  }
0x32: {  	s10 =	sld [smem:$0x3FB4];
	_ =	sdelay $0x3  }
0x33: {  	p0 =	seq.s32 s10, $0x1;
	s10 =	sld [smem:$0x3FB6];
	_ =	sdelay $0x3  }
0x34: {  	[smem:$0x3FB6] =	sst s10  }
0x35: {  	s10 =	sld [smem:$0x3FB5];
	_ =	sdelay $0x3  }
0x36: {  	p1 =	seq.s32 s10, $0x1;
	s10 =	sld [smem:$0x3FB6];
	_ =	sdelay $0x3  }
0x37: {  	[smem:$0x3FB6] =	sst s10  }
0x38: {  	s10 =	sld [smem:$0x3FB7]  }
0x39: {  	_ = 	snop;
	(pc) =	sbr.ind lr, $3  }
0x3a: {  	_ = 	snop  }
0x3b: {  	_ = 	snop  }
0x3c: {  	p2 =	seq.s32 s10, $0x1;
	s10 =	sld [smem:$0x3FB6]  }
0x3d: {  	_ =	shalt  }
0x3e: {  	_ =	shalt  }
0x3f: {  	_ =	shalt  }
0x40: {  	_ =	shalt  }
0x41: {  	_ =	shalt  }
0x42: {  	_ =	shalt  }
0x43: {  	_ =	shalt  }
0x44: {  	_ =	shalt  }
0x45: {  	_ =	shalt  }
0x46: {  	_ =	shalt  }
0x47: {  	_ =	shalt  }
0x48: {  	_ =	shalt  }
0x49: {  	_ =	shalt  }
0x4a: {  	_ =	shalt  }
0x4b: {  	_ =	shalt  }
0x4c: {  	_ =	shalt  }
0x4d: {  	_ =	shalt  }
0x4e: {  	_ =	shalt  }
0x4f: {  	_ =	shalt  }
0x50: {  	_ =	shalt  }
0x51: {  	_ =	shalt  }
0x52: {  	_ =	shalt  }
0x53: {  	_ =	shalt  }
0x54: {  	_ =	shalt  }
0x55: {  	_ =	shalt  }
0x56: {  	_ =	shalt  }
0x57: {  	_ =	shalt  }
0x58: {  	_ =	shalt  }
0x59: {  	_ =	shalt  }
0x5a: {  	_ =	shalt  }
0x5b: {  	_ =	shalt  }
0x5c: {  	_ =	shalt  }
0x5d: {  	_ =	shalt  }
0x5e: {  	_ =	shalt  }
0x5f: {  	_ =	shalt  }
0x60: {  	_ =	shalt  }
0x61: {  	_ =	shalt  }
0x62: {  	_ =	shalt  }
0x63: {  	_ =	shalt  }
0x64: {  	_ =	shalt  }
0x65: {  	_ =	shalt  }
0x66: {  	_ =	shalt  }
0x67: {  	_ =	shalt  }
0x68: {  	_ =	shalt  }
0x69: {  	_ =	shalt  }
0x6a: {  	_ =	shalt  }
0x6b: {  	_ =	shalt  }
0x6c: {  	_ =	shalt  }
0x6d: {  	_ =	shalt  }
0x6e: {  	_ =	shalt  }
0x6f: {  	_ =	shalt  }
0x70: {  	_ =	shalt  }
0x71: {  	_ =	shalt  }
0x72: {  	_ =	shalt  }
0x73: {  	_ =	shalt  }
0x74: {  	_ =	shalt  }
0x75: {  	_ =	shalt  }
0x76: {  	_ =	shalt  }
0x77: {  	_ =	shalt  }
0x78: {  	_ =	shalt  }
0x79: {  	_ =	shalt  }
0x7a: {  	_ =	shalt  }
0x7b: {  	_ =	shalt  }
0x7c: {  	_ =	shalt  }
0x7d: {  	_ =	shalt  }
0x7e: {  	_ =	shalt  }
0x7f: {  	_ =	shalt  }
0x80: {  	_ =	shalt  }
0x81: {  	_ =	shalt  }
0x82: {  	_ =	shalt  }
0x83: {  	_ =	shalt  }
0x84: {  	_ =	shalt  }
0x85: {  	_ =	shalt  }
0x86: {  	_ =	shalt  }
0x87: {  	_ =	shalt  }
.Lfunc_end0:
.L_simem_size_0:
called_computation.1_lowered:
.L_overlay_start_0:
0x88: {  	s2 =	sld [smem:$0x3FD9]  }
0x89: {  	s3 =	sld [smem:$0x3FFE];
	_ =	sdelay $0x1  }
0x8a: {  	s1 =	srdreg.scid  }
0x8b: {  	s0 =	sand.u32 $0x1, s1  }
0x8c: {  	s17 =	sshll.u32 s0, $0xA;
	s2 =	sadd.s32 s3, s2  }
0x8d: {  	s2 =	sadd.s32 s2, s17  }
0x8e: {  	[smem:$0x3FC2] =	sst s2  }
0x8f: {  	_ = 	snop  }
0x90: {  	s2 =	sld [smem:$0x3FD0];
	(tm) =	ssettm $0x1  }
0x91: {  	s18 =	sld [smem:$0x3FFB];
	_ =	sdelay $0x3  }
0x92: {  	_ =	strace s18  }
0x93: {  	s3 =	sld [smem:$0x3FFC];
	_ =	sdelay $0x3  }
0x94: {  	_ =	strace s3  }
0x95: {  	s3 =	sld [smem:$0x3FFD];
	_ =	sdelay $0x3  }
0x96: {  	_ =	strace s3  }
0x97: {  	_ =	strace $0x8FFFFFFF  }
0x98: {  	s19 =	sld [smem:$0x3FDB];
	_ =	sdelay $0x1  }
0x99: {  	s4 =	simm.s32 $_scs_section_size  }
0x9a: {  	s5 =	simm.s32 $_size__tile_overlayer_lowered;
	s6 =	simm.s32 $_tile_overlayer_lowered  }
0x9b: {  	s22 =	simm.s32 $0x1BFF;
	s21 =	sshll.u32 s6, $0x1;
	s3 =	sadd.s32 s4, s19  }
0x9c: {  	s7 =	simm.s32 $0x0;
	s20 =	sshll.u32 s5, $0x1;
	s5 =	sadd.s32 s21, s3  }
0x9d: {  	[timem:s7], [sflag:s22] =	dma.local [hbm:s5], s20  }
0x9e: {  	_ =	swait.ge [sflag:s22], s20  }
0x9f: {  	s4 =	ssub.s32 $0x0, s20;
	[sflag:s22] =	ssyncset.done $0x0  }
0xa0: {  	[sflag:s22] =	ssyncadd.s32 s4;
	_ =	sdelay $0x1  }
0xa1: {  	s23 =	simm.s32 $0x1B8B  }
0xa2: {  	_ =	swait.ge [sflag:s23], $0x1  }
0xa3: {  	[sflag:s23] =	ssyncset.done $0x0  }
0xa4: {  	s25 =	simm.s32 $0x1B8E;
	s24 =	sld [smem:$0x3FFE];
	[sflag:s23] =	ssyncadd.s32 $0xFFFFFFFF  }
0xa5: {  	s26 =	simm.s32 $execute0_lowered;
	[smem:$0x3FD2] =	sst s25  }
0xa6: {  	s5 =	sshll.u32 s26, $0x1;
	_ =	strace $0x80000049;
	[dreg:$0x1] =	wrdreg $0xFFFFFFFF  }
0xa7: {  	s28 =	simm.s32 $_size_execute0_lowered;
	s3 =	sadd.s32 s3, s5;
	[dreg:$0x0] =	wrdreg $0x0  }
0xa8: {  	s5 =	sshll.u32 s28, $0x1;
	[dreg:$0x2] =	wrdreg s3  }
0xa9: {  	[dreg:$0x3] =	wrdreg s5  }
0xaa: {  	[dreg:$0x4] =	wrdreg $0xC0  }
0xab: {  	_ =	task [dreg:s7], $0x5FFFF  }
0xac: {  	[dreg:$0x1] =	wrdreg $0xFFFFFFFF  }
0xad: {  	[dreg:$0x0] =	wrdreg $0x60  }
0xae: {  	[dreg:$0x2] =	wrdreg s2  }
0xaf: {  	[dreg:$0x3] =	wrdreg s24  }
0xb0: {  	[dreg:$0x4] =	wrdreg $0xE0000  }
0xb1: {  	[dreg:$0x5] =	wrdreg $0x12E200  }
0xb2: {  	[dreg:$0x6] =	wrdreg $0x9  }
0xb3: {  	_ =	task.clear_ibuf [dreg:s7], $0x7FFFF;
	_ =	strace $0x90000049  }
0xb4: {  	s29 =	simm.s32 $0x9;
	_ =	strace $0x8000004B  }
0xb5: {  	_ =	swait.ge [sflag:s29], $0x1  }
0xb6: {  	[sflag:s29] =	ssyncadd.s32 $0xFFFFFFFF  }
0xb7: {  	_ =	strace $0x9000004B  }
0xb8: {  	_ =	sfence  }
0xb9: {  	s30 =	sld [smem:$0x0];
	_ =	sdelay $0x2  }
0xba: {  	s31 =	sshll.u32 s1, $0xD;
	s1 =	sshrl.u32 s1, $0x2  }
0xbb: {  	s3 =	sand.u32 $0x4000, s31;
	s1 =	sadd.s32 s1, s30  }
0xbc: {  	s0 =	sor.u32 s3, s0;
	s1 =	sshll.u32 s1, $0x11  }
0xbd: {  	s0 =	sor.u32 s1, s0  }
0xbe: {  	s0 =	sadd.s32 $0x8F2B, s0  }
0xbf: {  	[sflag:s0] =	ssyncadd.remote.s32 $0x1  }
0xc0: {  	_ =	sfence.sel $0xFFFF  }
0xc1: {  	[dreg:$0x0] =	wrdreg $0xFFFFFFFF;
	(pc) =	sbr.abs _section_cstart, $3  }
0xc2: {  	[dreg:$0x1] =	wrdreg $0xFFFFFFFF  }
0xc3: {  	_ =	task.clear_ibuf [dreg:s7], $0x2FFFF;
	_ =	strace $0x9FFFFFFF  }
0xc4: {  	(tm) =	ssettm $0x7FFFFFFF  }
0xc5: {  	_ =	shalt  }
tec
execute0_lowered:
.L_overlay_start_1:
0x0: {  	(tag) =	ssettag $0x1  }
0x1: {  	s0 =	rddreg [dreg:$0x0]  }
0x2: {  	s1 =	rddreg [dreg:$0x1]  }
0x3: {  	s2 =	rddreg [dreg:$0x2]  }
0x4: {  	s3 =	rddreg [dreg:$0x3];
	s13 =	stileid.u32;
	s4 =	simm.s32 $0x0  }
0x5: {  	s6 =	srdreg.scid;
	s28 =	simm.s32 $0x3;
	s29 =	simm.s32 $0x80  }
0x6: {  	s30 =	simm.s32 $0xA000;
	s31 =	simm.s32 $0xB000;
	s5 =	smul.u32 $0xA00, s13  }
0x7: {  	[smem:$0x7FF] =	sst s4;
	s6 =	sand.u32 $0x1, s6;
	s8 =	smul.u32 $0x13880, s13  }
0x8: {  	s10 =	smul.u32 $0x9C40, s13;
	s15 =	sshll.u32 s13, $0x6;
	s13 =	simm.s32 $0x0  }
0x9: {  	_ =	strace $0x8000004A;
	s7 =	ssub.s32 $0x2, s6;
	s6 =	sshll.u32 s6, $0x6  }
0xa: {  	[dreg:$0x7] =	wrdreg s15;
	s5 =	sadd.s32 s5, s1;
	s1 =	sadd.s32 $0x1A600, s1  }
0xb: {  	s9 =	sshrl.u32 s7, $0x1;
	s12 =	sor.u32 s6, s8;
	s14 =	sshrl.u32 s10, $0x1  }
0xc: {  	s16 =	sadd.s32 $0x4000, s8;
	s19 =	sadd.s32 $0x8000, s8;
	s22 =	sadd.s32 $0xC000, s8  }
0xd: {  	s8 =	sadd.s32 $0x10000, s8;
	s9 =	ssub.s32 s7, s9;
	s11 =	sadd.s32 $0x10600, s5  }
0xe: {  	s5 =	sadd.s32 $0x1400, s5;
	s10 =	sadd.s32 s14, s3;
	s18 =	sshrl.u32 s16, $0x2  }
0xf: {  	s20 =	sshrl.u32 s19, $0x2;
	s23 =	sshrl.u32 s22, $0x2;
	s24 =	sor.u32 s6, s22  }
0x10: {  	s25 =	sor.u32 s6, s8;
	s26 =	sshrl.u32 s8, $0x2;
	[dreg:$0x5] =	wrdreg s11  }
0x11: {  	s8 =	simm.s32 $0x40;
	[dreg:$0x6] =	wrdreg s5;
	s11 =	sshrl.u32 s12, $0x4  }
0x12: {  	s12 =	sadd.s32 s14, s2;
	s5 =	sadd.s32 s18, s3;
	s18 =	sadd.s32 s26, s3  }
0x13: {  	s26 =	simm.s32 $0x2;
	s7 =	sadd.s32 s0, s11;
	s0 =	sor.u32 $0x1C03, s15  }
0x14: {  	s17 =	sadd.s32 s1, s11;
	[dreg:$0xa] =	wrdreg s5;
	s5 =	sor.u32 s6, s19  }
0x15: {  	s22 =	sshrl.u32 s12, $0x3;
	s11 =	simm.s32 $0x9;
	[dreg:$0x8] =	wrdreg s0  }
0x16: {  	s12 =	simm.s32 $0x20;
	[dreg:$0x9] =	wrdreg s17;
	s0 =	sor.u32 s6, s16  }
0x17: {  	s21 =	sshrl.u32 s5, $0x4;
	s5 =	sshrl.u32 s25, $0x4;
	s0 =	sshrl.u32 s0, $0x4  }
0x18: {  	s25 =	simm.s32 $0x8;
	s6 =	simm.s32 $0x6;
	s0 =	sadd.s32 s1, s0  }
0x19: {  	s19 =	sadd.s32 s1, s5;
	s5 =	simm.s32 $0x5;
	[dreg:$0xb] =	wrdreg s0  }
0x1a: {  	s0 =	sadd.s32 s20, s3;
	s20 =	smax.u32 s9, $0x1;
	s9 =	simm.s32 $0x7  }
0x1b: {  	[dreg:$0xc] =	wrdreg s0;
	s0 =	sadd.s32 s1, s21;
	s21 =	simm.s32 $0x5000  }
0x1c: {  	[dreg:$0xd] =	wrdreg s0;
	s0 =	sadd.s32 s23, s3;
	s23 =	simm.s32 $0x1  }
0x1d: {  	[dreg:$0xe] =	wrdreg s0;
	s0 =	sshrl.u32 s24, $0x4;
	s24 =	simm.s32 $0x4  }
0x1e: {  	s17 =	sadd.s32 s1, s0;
	s1 =	simm.s32 $0xC000;
	s0 =	simm.s32 $0xD000  }
.LBB2_1:
0x1f: {  	s14 =	rddreg [dreg:$0x5]  }
0x20: {  	s15 =	rddreg [dreg:$0x6]  }
0x21: {  	[tilespmem:s4], [sflag:$0x1] =	stream.linear.gather [hbm4b:s14+s4], $0x5000, $0x38;
	[tilespmem:$0x17E20] =	vst v63  }
0x22: {  	s16 =	rddreg [dreg:$0x8]  }
0x23: {  	[tilespmem:s21], [sflag:$0x2] =	stream.linear.gather [hbm4b:s15+s4], $0x5000, $0x38;
	[tilespmem:$0x17E20] =	vst v63  }
0x24: {  	[spmem:s22@s24], [sflag:s16] =	dma.strided [hbm:s7@s25], $0x9C4, s23, $0x4   }
0x25: {  	s14 =	rddreg [dreg:$0x7]  }
0x26: {  	s15 =	sshrl.u32 s10, $0x3;
	s14 =	sor.u32 $0x1C04, s14  }
0x27: {  	[spmem:s15@s24], [sflag:s14] =	dma.strided [hbm:s7@s25], $0x9C4, s23, $0x4   }
0x28: {  	_ =	swait.ge [sflag:s23], $0x5000  }
0x29: {  	[sflag:s23] =	ssyncset.done $0x0  }
0x2a: {  	[sflag:s23] =	ssyncadd.s32 $0xFFFFB000  }
0x2b: {  	_ =	swait.ge [sflag:s26], $0x5000  }
0x2c: {  	[sflag:s26] =	ssyncset.done $0x0  }
0x2d: {  	[sflag:s26] =	ssyncadd.s32 $0xFFFFB000  }
0x2e: {  	_ =	swait.ge [sflag:s28], $0x9C4  }
0x2f: {  	[sflag:s28] =	ssyncset.done $0x0  }
0x30: {  	[sflag:s28] =	ssyncadd.s32 $0xFFFFF63C  }
0x31: {  	_ =	swait.ge [sflag:s24], $0x9C4  }
0x32: {  	[sflag:s24] =	ssyncset.done $0x0  }
0x33: {  	[sflag:s24] =	ssyncadd.s32 $0xFFFFF63C  }
0x34: {  	[bflag:$0x0] =	sbarrier.arrive $0xFFFF  }
0x35: {  	[tilespmem:s30], [sflag:$0x1] =	stream.indirect.gather [spmem:s2], $0x20, s4, s29, $0xb8;
	[tilespmem:$0x17E20] =	vst v63  }
0x36: {  	_ = 	snop  }
0x37: {  	[tilespmem:s31], [sflag:$0x2] =	stream.indirect.gather [spmem:s2], $0x20, s29, s29, $0xb8;
	[tilespmem:$0x17E20] =	vst v63  }
0x38: {  	s15 =	simm.s32 $0x100  }
0x39: {  	[tilespmem:s1], [sflag:$0x3] =	stream.indirect.gather [spmem:s2], $0x20, s15, s29, $0xb8;
	[tilespmem:$0x17E20] =	vst v63  }
0x3a: {  	_ =	swait.ge [sflag:s23], $0x1000  }
0x3b: {  	[sflag:s23] =	ssyncset.done $0x0  }
0x3c: {  	[sflag:s23] =	ssyncadd.s32 $0xFFFFF000  }
0x3d: {  	[spmem:s3] =	stream.indirect.scatter.add.bf16 [tilespmem:s30], [sflag:$0x5], $0x20, s21, s29, $0xb8;
	[tilespmem:$0x17E20] =	vst v63  }
0x3e: {  	s16 =	simm.s32 $0x180  }
0x3f: {  	[tilespmem:s0], [sflag:$0x4] =	stream.indirect.gather [spmem:s2], $0x20, s16, s29, $0xb8;
	[tilespmem:$0x17E20] =	vst v63  }
0x40: {  	_ =	swait.ge [sflag:s26], $0x1000  }
0x41: {  	[sflag:s26] =	ssyncset.done $0x0  }
0x42: {  	s15 =	simm.s32 $0x5080;
	[sflag:s26] =	ssyncadd.s32 $0xFFFFF000  }
0x43: {  	[spmem:s3] =	stream.indirect.scatter.add.bf16 [tilespmem:s31], [sflag:$0x6], $0x20, s15, s29, $0xb8;
	[tilespmem:$0x17E20] =	vst v63  }
0x44: {  	_ =	swait.ge [sflag:s5], $0x1000  }
0x45: {  	[sflag:s5] =	ssyncset.done $0x0  }
0x46: {  	s16 =	simm.s32 $0x200;
	[sflag:s5] =	ssyncadd.s32 $0xFFFFF000  }
0x47: {  	[tilespmem:s30], [sflag:$0x1] =	stream.indirect.gather [spmem:s2], $0x20, s16, s29, $0xb8;
	[tilespmem:$0x17E20] =	vst v63  }
0x48: {  	_ =	swait.ge [sflag:s28], $0x1000  }
0x49: {  	[sflag:s28] =	ssyncset.done $0x0  }
0x4a: {  	s15 =	simm.s32 $0x5100;
	[sflag:s28] =	ssyncadd.s32 $0xFFFFF000  }
0x4b: {  	[spmem:s3] =	stream.indirect.scatter.add.bf16 [tilespmem:s1], [sflag:$0x7], $0x20, s15, s29, $0xb8;
	[tilespmem:$0x17E20] =	vst v63  }
0x4c: {  	_ =	swait.ge [sflag:s6], $0x1000  }
0x4d: {  	[sflag:s6] =	ssyncset.done $0x0  }
0x4e: {  	s16 =	simm.s32 $0x280;
	[sflag:s6] =	ssyncadd.s32 $0xFFFFF000  }
0x4f: {  	[tilespmem:s31], [sflag:$0x2] =	stream.indirect.gather [spmem:s2], $0x20, s16, s29, $0xb8;
	[tilespmem:$0x17E20] =	vst v63  }
0x50: {  	_ =	swait.ge [sflag:s24], $0x1000  }
0x51: {  	[sflag:s24] =	ssyncset.done $0x0  }
0x52: {  	s15 =	simm.s32 $0x5180;
	[sflag:s24] =	ssyncadd.s32 $0xFFFFF000  }
0x53: {  	[spmem:s3] =	stream.indirect.scatter.add.bf16 [tilespmem:s0], [sflag:$0x8], $0x20, s15, s29, $0xb8;
	[tilespmem:$0x17E20] =	vst v63  }
0x54: {  	_ =	swait.ge [sflag:s9], $0x1000  }
0x55: {  	[sflag:s9] =	ssyncset.done $0x0  }
0x56: {  	s16 =	simm.s32 $0x300;
	[sflag:s9] =	ssyncadd.s32 $0xFFFFF000  }
0x57: {  	[tilespmem:s1], [sflag:$0x3] =	stream.indirect.gather [spmem:s2], $0x20, s16, s29, $0xb8;
	[tilespmem:$0x17E20] =	vst v63  }
0x58: {  	_ =	swait.ge [sflag:s23], $0x1000  }
0x59: {  	[sflag:s23] =	ssyncset.done $0x0  }
0x5a: {  	s15 =	simm.s32 $0x5200;
	[sflag:s23] =	ssyncadd.s32 $0xFFFFF000  }
0x5b: {  	[spmem:s3] =	stream.indirect.scatter.add.bf16 [tilespmem:s30], [sflag:$0x5], $0x20, s15, s29, $0xb8;
	[tilespmem:$0x17E20] =	vst v63  }
0x5c: {  	_ =	swait.ge [sflag:s25], $0x1000  }
0x5d: {  	[sflag:s25] =	ssyncset.done $0x0  }
0x5e: {  	s16 =	simm.s32 $0x380;
	[sflag:s25] =	ssyncadd.s32 $0xFFFFF000  }
0x5f: {  	[tilespmem:s0], [sflag:$0x4] =	stream.indirect.gather [spmem:s2], $0x20, s16, s29, $0xb8;
	[tilespmem:$0x17E20] =	vst v63  }
0x60: {  	_ =	swait.ge [sflag:s26], $0x1000  }
0x61: {  	[sflag:s26] =	ssyncset.done $0x0  }
0x62: {  	s15 =	simm.s32 $0x5280;
	[sflag:s26] =	ssyncadd.s32 $0xFFFFF000  }
0x63: {  	[spmem:s3] =	stream.indirect.scatter.add.bf16 [tilespmem:s31], [sflag:$0x6], $0x20, s15, s29, $0xb8;
	[tilespmem:$0x17E20] =	vst v63  }
0x64: {  	_ =	swait.ge [sflag:s5], $0x1000  }
0x65: {  	[sflag:s5] =	ssyncset.done $0x0  }
0x66: {  	s16 =	simm.s32 $0x400;
	[sflag:s5] =	ssyncadd.s32 $0xFFFFF000  }
0x67: {  	[tilespmem:s30], [sflag:$0x1] =	stream.indirect.gather [spmem:s2], $0x20, s16, s29, $0xb8;
	[tilespmem:$0x17E20] =	vst v63  }
0x68: {  	_ =	swait.ge [sflag:s28], $0x1000  }
0x69: {  	[sflag:s28] =	ssyncset.done $0x0  }
0x6a: {  	s15 =	simm.s32 $0x5300;
	[sflag:s28] =	ssyncadd.s32 $0xFFFFF000  }
0x6b: {  	[spmem:s3] =	stream.indirect.scatter.add.bf16 [tilespmem:s1], [sflag:$0x7], $0x20, s15, s29, $0xb8;
	[tilespmem:$0x17E20] =	vst v63  }
0x6c: {  	_ =	swait.ge [sflag:s6], $0x1000  }
0x6d: {  	[sflag:s6] =	ssyncset.done $0x0  }
0x6e: {  	s16 =	simm.s32 $0x480;
	[sflag:s6] =	ssyncadd.s32 $0xFFFFF000  }
0x6f: {  	[tilespmem:s31], [sflag:$0x2] =	stream.indirect.gather [spmem:s2], $0x20, s16, s29, $0xb8;
	[tilespmem:$0x17E20] =	vst v63  }
0x70: {  	_ =	swait.ge [sflag:s24], $0x1000  }
0x71: {  	[sflag:s24] =	ssyncset.done $0x0  }
0x72: {  	s14 =	simm.s32 $0x800;
	s15 =	simm.s32 $0x5380;
	[sflag:s24] =	ssyncadd.s32 $0xFFFFF000  }
.LBB2_2:
0x73: {  	[spmem:s3] =	stream.indirect.scatter.add.bf16 [tilespmem:s0], [sflag:$0x8], $0x20, s15, s29, $0xb8;
	[tilespmem:$0x17E20] =	vst v63  }
0x74: {  	s15 =	smov.u32 s14  }
0x75: {  	p0 =	sne.s32 s14, $0x12800;
	s14 =	sadd.s32 $0x800, s14;
	_ =	swait.ge [sflag:s9], $0x1000  }
0x76: {  	s15 =	sshra.s32 s15, $0x2;
	[sflag:s9] =	ssyncset.done $0x0  }
0x77: {  	s16 =	sadd.s32 $0x300, s15;
	[sflag:s9] =	ssyncadd.s32 $0xFFFFF000  }
0x78: {  	[tilespmem:s1], [sflag:$0x3] =	stream.indirect.gather [spmem:s2], $0x20, s16, s29, $0xb8;
	[tilespmem:$0x17E20] =	vst v63  }
0x79: {  	_ =	swait.ge [sflag:s23], $0x1000  }
0x7a: {  	[sflag:s23] =	ssyncset.done $0x0  }
0x7b: {  	s16 =	sadd.s32 $0x5200, s15;
	[sflag:s23] =	ssyncadd.s32 $0xFFFFF000  }
0x7c: {  	[spmem:s3] =	stream.indirect.scatter.add.bf16 [tilespmem:s30], [sflag:$0x5], $0x20, s16, s29, $0xb8;
	[tilespmem:$0x17E20] =	vst v63  }
0x7d: {  	_ =	swait.ge [sflag:s25], $0x1000  }
0x7e: {  	[sflag:s25] =	ssyncset.done $0x0  }
0x7f: {  	s16 =	sadd.s32 $0x380, s15;
	[sflag:s25] =	ssyncadd.s32 $0xFFFFF000  }
0x80: {  	[tilespmem:s0], [sflag:$0x4] =	stream.indirect.gather [spmem:s2], $0x20, s16, s29, $0xb8;
	[tilespmem:$0x17E20] =	vst v63  }
0x81: {  	_ =	swait.ge [sflag:s26], $0x1000  }
0x82: {  	[sflag:s26] =	ssyncset.done $0x0  }
0x83: {  	s16 =	sadd.s32 $0x5280, s15;
	[sflag:s26] =	ssyncadd.s32 $0xFFFFF000  }
0x84: {  	[spmem:s3] =	stream.indirect.scatter.add.bf16 [tilespmem:s31], [sflag:$0x6], $0x20, s16, s29, $0xb8;
	[tilespmem:$0x17E20] =	vst v63  }
0x85: {  	_ =	swait.ge [sflag:s5], $0x1000  }
0x86: {  	[sflag:s5] =	ssyncset.done $0x0  }
0x87: {  	s16 =	sadd.s32 $0x400, s15;
	[sflag:s5] =	ssyncadd.s32 $0xFFFFF000  }
0x88: {  	[tilespmem:s30], [sflag:$0x1] =	stream.indirect.gather [spmem:s2], $0x20, s16, s29, $0xb8;
	[tilespmem:$0x17E20] =	vst v63  }
0x89: {  	_ =	swait.ge [sflag:s28], $0x1000  }
0x8a: {  	[sflag:s28] =	ssyncset.done $0x0  }
0x8b: {  	s16 =	sadd.s32 $0x5300, s15;
	[sflag:s28] =	ssyncadd.s32 $0xFFFFF000  }
0x8c: {  	[spmem:s3] =	stream.indirect.scatter.add.bf16 [tilespmem:s1], [sflag:$0x7], $0x20, s16, s29, $0xb8;
	[tilespmem:$0x17E20] =	vst v63  }
0x8d: {  	_ =	swait.ge [sflag:s6], $0x1000  }
0x8e: {  	[sflag:s6] =	ssyncset.done $0x0  }
.Ltmp0:
0x8f: {  	s16 =	sadd.s32 $0x480, s15;
	[sflag:s6] =	ssyncadd.s32 $0xFFFFF000;
	(pc) =	sbr.rel @p0 .LBB2_2-.Ltmp0, $4  }
0x90: {  	[tilespmem:s31], [sflag:$0x2] =	stream.indirect.gather [spmem:s2], $0x20, s16, s29, $0xb8;
	[tilespmem:$0x17E20] =	vst v63  }
0x91: {  	_ =	swait.ge [sflag:s24], $0x1000  }
0x92: {  	[sflag:s24] =	ssyncset.done $0x0  }
0x93: {  	s15 =	sadd.s32 $0x5380, s15;
	[sflag:s24] =	ssyncadd.s32 $0xFFFFF000  }
0x94: {  	[spmem:s3] =	stream.indirect.scatter.add.bf16 [tilespmem:s0], [sflag:$0x8], $0x20, s15, s29, $0xb8;
	[tilespmem:$0x17E20] =	vst v63  }
0x95: {  	_ =	swait.ge [sflag:s9], $0x1000  }
0x96: {  	[sflag:s9] =	ssyncset.done $0x0  }
0x97: {  	s14 =	simm.s32 $0x4F00;
	[sflag:s9] =	ssyncadd.s32 $0xFFFFF000  }
0x98: {  	[tilespmem:s1], [sflag:$0x3] =	stream.indirect.gather [spmem:s2], $0x20, s14, s29, $0xb8;
	[tilespmem:$0x17E20] =	vst v63  }
0x99: {  	_ =	swait.ge [sflag:s23], $0x1000  }
0x9a: {  	[sflag:s23] =	ssyncset.done $0x0  }
0x9b: {  	s16 =	simm.s32 $0x9E00;
	[sflag:s23] =	ssyncadd.s32 $0xFFFFF000  }
0x9c: {  	[spmem:s3] =	stream.indirect.scatter.add.bf16 [tilespmem:s30], [sflag:$0x5], $0x20, s16, s29, $0xb8;
	[tilespmem:$0x17E20] =	vst v63  }
0x9d: {  	_ =	swait.ge [sflag:s25], $0x1000  }
0x9e: {  	[sflag:s25] =	ssyncset.done $0x0  }
0x9f: {  	s15 =	simm.s32 $0x4F80;
	[sflag:s25] =	ssyncadd.s32 $0xFFFFF000  }
0xa0: {  	[tilespmem:s0], [sflag:$0x4] =	stream.indirect.gather [spmem:s2], $0x20, s15, s29, $0xb8;
	[tilespmem:$0x17E20] =	vst v63  }
0xa1: {  	_ =	swait.ge [sflag:s26], $0x1000  }
0xa2: {  	[sflag:s26] =	ssyncset.done $0x0  }
0xa3: {  	s16 =	simm.s32 $0x9E80;
	[sflag:s26] =	ssyncadd.s32 $0xFFFFF000  }
0xa4: {  	[spmem:s3] =	stream.indirect.scatter.add.bf16 [tilespmem:s31], [sflag:$0x6], $0x20, s16, s29, $0xb8;
	[tilespmem:$0x17E20] =	vst v63  }
0xa5: {  	_ =	swait.ge [sflag:s5], $0x1000  }
0xa6: {  	[sflag:s5] =	ssyncset.done $0x0  }
0xa7: {  	[sflag:s5] =	ssyncadd.s32 $0xFFFFF000  }
0xa8: {  	_ =	swait.ge [sflag:s28], $0x1000  }
0xa9: {  	[sflag:s28] =	ssyncset.done $0x0  }
0xaa: {  	s15 =	simm.s32 $0x9F00;
	[sflag:s28] =	ssyncadd.s32 $0xFFFFF000  }
0xab: {  	[spmem:s3] =	stream.indirect.scatter.add.bf16 [tilespmem:s1], [sflag:$0x7], $0x20, s15, s29, $0xb8;
	[tilespmem:$0x17E20] =	vst v63  }
0xac: {  	_ =	swait.ge [sflag:s6], $0x1000  }
0xad: {  	[sflag:s6] =	ssyncset.done $0x0  }
0xae: {  	[sflag:s6] =	ssyncadd.s32 $0xFFFFF000  }
0xaf: {  	_ =	swait.ge [sflag:s24], $0x1000  }
0xb0: {  	[sflag:s24] =	ssyncset.done $0x0  }
0xb1: {  	s16 =	simm.s32 $0x9F80;
	[sflag:s24] =	ssyncadd.s32 $0xFFFFF000  }
0xb2: {  	[spmem:s3] =	stream.indirect.scatter.add.bf16 [tilespmem:s0], [sflag:$0x8], $0x20, s16, s29, $0xb8;
	[tilespmem:$0x17E20] =	vst v63  }
0xb3: {  	_ =	swait.ge [sflag:s9], $0x1000  }
0xb4: {  	[sflag:s9] =	ssyncset.done $0x0  }
0xb5: {  	[sflag:s9] =	ssyncadd.s32 $0xFFFFF000  }
0xb6: {  	_ =	swait.ge [sflag:s25], $0x1000  }
0xb7: {  	[sflag:s25] =	ssyncset.done $0x0  }
0xb8: {  	[sflag:s25] =	ssyncadd.s32 $0xFFFFF000  }
0xb9: {  	[bflag:$0x0] =	sbarrier.arrive $0xFFFF  }
0xba: {  	[tilespmem:s30], [sflag:$0x9] =	stream.linear.gather [spmem:s10], $0x1000, $0x38;
	[tilespmem:$0x17E20] =	vst v63  }
0xbb: {  	_ =	swait.ge [sflag:s11], $0x1000  }
0xbc: {  	[sflag:s11] =	ssyncset.done $0x0  }
0xbd: {  	s15 =	rddreg [dreg:$0x9];
	[sflag:s11] =	ssyncadd.s32 $0xFFFFF000  }
0xbe: {  	[hbm4b:s15+s12] =	stream.strided.scatter [tilespmem:s30], [sflag:$0x9], $0x1000, s8, s12, $0x38;
	[tilespmem:$0x17E20] =	vst v63  }
0xbf: {  	_ =	swait.ge [sflag:s11], $0x1000  }
0xc0: {  	[sflag:s11] =	ssyncset.done $0x0  }
0xc1: {  	s16 =	rddreg [dreg:$0xa];
	[sflag:s11] =	ssyncadd.s32 $0xFFFFF000  }
0xc2: {  	[tilespmem:s31], [sflag:$0x9] =	stream.linear.gather [spmem:s16], $0x1000, $0x38;
	[tilespmem:$0x17E20] =	vst v63  }
0xc3: {  	_ =	swait.ge [sflag:s11], $0x1000  }
0xc4: {  	[sflag:s11] =	ssyncset.done $0x0  }
0xc5: {  	s15 =	rddreg [dreg:$0xb];
	[sflag:s11] =	ssyncadd.s32 $0xFFFFF000  }
0xc6: {  	[hbm4b:s15+s12] =	stream.strided.scatter [tilespmem:s31], [sflag:$0x9], $0x1000, s8, s12, $0x38;
	[tilespmem:$0x17E20] =	vst v63  }
0xc7: {  	_ =	swait.ge [sflag:s11], $0x1000  }
0xc8: {  	[sflag:s11] =	ssyncset.done $0x0  }
0xc9: {  	s16 =	rddreg [dreg:$0xc];
	[sflag:s11] =	ssyncadd.s32 $0xFFFFF000  }
0xca: {  	[tilespmem:s30], [sflag:$0x9] =	stream.linear.gather [spmem:s16], $0x1000, $0x38;
	[tilespmem:$0x17E20] =	vst v63  }
0xcb: {  	_ =	swait.ge [sflag:s11], $0x1000  }
0xcc: {  	[sflag:s11] =	ssyncset.done $0x0  }
0xcd: {  	s15 =	rddreg [dreg:$0xd];
	[sflag:s11] =	ssyncadd.s32 $0xFFFFF000  }
0xce: {  	[hbm4b:s15+s12] =	stream.strided.scatter [tilespmem:s30], [sflag:$0x9], $0x1000, s8, s12, $0x38;
	[tilespmem:$0x17E20] =	vst v63  }
0xcf: {  	_ =	swait.ge [sflag:s11], $0x1000  }
0xd0: {  	[sflag:s11] =	ssyncset.done $0x0  }
0xd1: {  	s16 =	rddreg [dreg:$0xe];
	[sflag:s11] =	ssyncadd.s32 $0xFFFFF000  }
0xd2: {  	[tilespmem:s31], [sflag:$0x9] =	stream.linear.gather [spmem:s16], $0x1000, $0x38;
	[tilespmem:$0x17E20] =	vst v63  }
0xd3: {  	_ =	swait.ge [sflag:s11], $0x1000  }
0xd4: {  	[sflag:s11] =	ssyncset.done $0x0  }
0xd5: {  	[sflag:s11] =	ssyncadd.s32 $0xFFFFF000  }
0xd6: {  	[hbm4b:s17+s12] =	stream.strided.scatter [tilespmem:s31], [sflag:$0x9], $0x1000, s8, s12, $0x38;
	[tilespmem:$0x17E20] =	vst v63  }
0xd7: {  	_ =	swait.ge [sflag:s11], $0x1000  }
0xd8: {  	[sflag:s11] =	ssyncset.done $0x0  }
0xd9: {  	[sflag:s11] =	ssyncadd.s32 $0xFFFFF000  }
0xda: {  	[tilespmem:s30], [sflag:$0x9] =	stream.linear.gather [spmem:s18], $0xE20, $0x38;
	[tilespmem:$0x17E20] =	vst v63  }
0xdb: {  	s13 =	sadd.s32 $0x1, s13;
	_ =	swait.ge [sflag:s11], $0xE20  }
0xdc: {  	p0 =	sne.s32 s13, s20;
	[sflag:s11] =	ssyncset.done $0x0  }
.Ltmp1:
0xdd: {  	[sflag:s11] =	ssyncadd.s32 $0xFFFFF1E0;
	(pc) =	sbr.rel @p0 .LBB2_1-.Ltmp1, $4  }
0xde: {  	[hbm4b:s19+s12] =	stream.strided.scatter [tilespmem:s30], [sflag:$0x9], $0xE20, s8, s12, $0x38;
	[tilespmem:$0x17E20] =	vst v63  }
0xdf: {  	_ =	swait.ge [sflag:s11], $0xE20  }
0xe0: {  	[sflag:s11] =	ssyncset.done $0x0  }
0xe1: {  	[sflag:s11] =	ssyncadd.s32 $0xFFFFF1E0  }
0xe2: {  	_ =	sfence.sel $0x180000  }
0xe3: {  	[bflag:$0x0] =	sbarrier.arrive $0xFFFF  }
0xe4: {  	_ =	strace $0x9000004A  }
0xe5: {  	s0 =	stileid.u32;
	[bflag:$0x2] =	sbarrier.arrive $0xFFFF  }
0xe6: {  	p0 =	sne.s32 s0, $0x0;
	s0 =	rddreg [dreg:$0x4]  }
0xe7: {  	s0 =	sadd.s32 @!p0 $0x100000, s0  }
0xe8: {  	[sflag:s0] =	ssyncadd.tile.s32 @!p0 $0x1;
	_ =	shalt  }
.Lfunc_end2:
_tile_overlayer_lowered:
.L_overlay_start_2:
0xe9: {  	(tag) =	ssettag $0x2  }
0xea: {  	s0 =	rddreg [dreg:$0x0];
	s2 =	stileid.u32  }
0xeb: {  	s1 =	rddreg [dreg:$0x1];
	p0 =	sne.s32 s2, $0x0  }
0xec: {  	s3 =	rddreg [dreg:$0x2];
	[bflag:$0x3] =	sbarrier.arrive $0xFFFF;
	s2 =	simm.s32 @!p0 $0x1C09  }
0xed: {  	[timem:s3], [sflag:s2] =	dma.local @!p0 [hbm:s0], s1  }
0xee: {  	s0 =	simm.s32 @!p0 $0x9  }
0xef: {  	_ =	swait.ge @!p0 [sflag:s0], s1  }
0xf0: {  	s1 =	ssub.s32 @!p0 $0x0, s1;
	[sflag:s0] =	ssyncset.done @!p0 $0x0  }
0xf1: {  	[sflag:s0] =	ssyncadd.s32 @!p0 s1  }
0xf2: {  	[bflag:$0x3] =	sbarrier.arrive $0xFFFF  }
0xf3: {  	_ =	shalt  }

// kernel: kernel.14.cloned.1.call-start
scs
__scs_entry_jumppad:
0x0: {  	(pc) =	sbr.rel $0x88, $3  }
0x1: {  	(tag) =	ssettag $0x0;
	lr =	simm.s32 $0x1  }
0x2: {  	[smem:$0x3F9B] =	sst lr;
	_ =	strace $0xD0000000  }
0x3: {  	_ = 	snop  }
0x4: {  	_ = 	snop  }
0x5: {  	_ = 	snop  }
0x6: {  	_ = 	snop  }
0x7: {  	_ = 	snop  }
__scs_overlays_trampoline_lowered:
0x8: {  	[smem:$0x3FAA] =	sst s0  }
0x9: {  	[smem:$0x3FAB] =	sst s1  }
0xa: {  	[smem:$0x3FAC] =	sst s2  }
0xb: {  	[smem:$0x3FAD] =	sst s3  }
0xc: {  	[smem:$0x3FAE] =	sst s4  }
0xd: {  	[smem:$0x3FAF] =	sst s5  }
0xe: {  	[smem:$0x3FB0] =	sst s6  }
0xf: {  	[smem:$0x3FB1] =	sst s7  }
0x10: {  	[smem:$0x3FB2] =	sst s8  }
0x11: {  	[smem:$0x3FB3] =	sst s9;
	s0 =	simm.s32 @!p0 $0x0  }
0x12: {  	s1 =	sld [smem:$0x3F99];
	s0 =	simm.s32 @p0 $0x1  }
0x13: {  	[smem:$0x3FB4] =	sst s0;
	s0 =	simm.s32 @!p1 $0x0  }
0x14: {  	s2 =	sld [smem:$0x3F98];
	s0 =	simm.s32 @p1 $0x1  }
0x15: {  	[smem:$0x3FB5] =	sst s0;
	s0 =	simm.s32 @!p2 $0x0  }
0x16: {  	s3 =	sld [smem:$0x3FDB];
	s0 =	simm.s32 @p2 $0x1  }
0x17: {  	s4 =	simm.s32 $0x1BF5;
	[smem:$0x3FB7] =	sst s0  }
0x18: {  	s0 =	sld [smem:$0x3F9A];
	_ =	swait.ge [sflag:s4], $0x0  }
0x19: {  	s7 =	sld [smem:$0x3F9B]  }
0x1a: {  	s8 =	sadd.s32 $0xFFFFE003, lr  }
0x1b: {  	s9 =	sadd.s32 $0xFFFFFEF7, lr;
	s5 =	simm.s32 $0xFFFFFFFF;
	p2 =	slt.u32 s8, $0xFFFFF086  }
0x1c: {  	p1 =	slt.u32 s9, $0xF7A;
	s5 =	simm.s32 @!p2 $0x0  }
0x1d: {  	s5 =	simm.s32 @p1 $0x1;
	p0 =	seq.s32 s7, s2  }
0x1e: {  	s7 =	smul.u32 @!p0 $0xF7A, s2;
	p2 =	seq.s32 @!p0 s5, $0x0  }
0x1f: {  	s9 =	smul.u32 $0xF7A, s1;
	s8 =	simm.s32 @!p0 $0x1BF5;
	p2 =	por !p2, p0  }
0x20: {  	[sflag:s8] =	ssyncset.s32 @!p0 $0xFFFFF086;
	s6 =	sadd.s32 @!p0 s3, s7;
	s7 =	simm.s32 @!p0 $0x108  }
0x21: {  	s3 =	sadd.s32 s3, s9;
	s6 =	sadd.s32 @!p0 $0x88, s6;
	s7 =	simm.s32 @p2 $0x1082  }
0x22: {  	[simem:s7], [sflag:s8] =	dma.local @!p0 [hbm:s6], $0xF7A  }
0x23: {  	s9 =	sor.u32 $0xD0000000, s2;
	s6 =	simm.s32 $0x108;
	_ =	swait.ge @!p0 [sflag:s8], $0x0  }
0x24: {  	s3 =	sadd.s32 $0x88, s3;
	s6 =	simm.s32 @!p1 $0x1082;
	[sflag:s4] =	ssyncset.s32 $0xFFFFF086  }
0x25: {  	[simem:s6], [sflag:s4] =	dma.local [hbm:s3], $0xF7A  }
0x26: {  	[smem:$0x3F9B] =	sst s1;
	(tag) =	ssettag s2;
	_ =	strace s9  }
0x27: {  	s1 =	sld [smem:$0x3FAB]  }
0x28: {  	s2 =	sld [smem:$0x3FAC]  }
0x29: {  	s4 =	sld [smem:$0x3FAE]  }
0x2a: {  	p0 =	seq.s32 s5, $0x0;
	s5 =	sld [smem:$0x3FAF]  }
0x2b: {  	s6 =	sld [smem:$0x3FB0]  }
0x2c: {  	s7 =	sld [smem:$0x3FB1]  }
0x2d: {  	s3 =	simm.s32 $0x108;
	s8 =	sld [smem:$0x3FB2]  }
0x2e: {  	s3 =	simm.s32 @!p0 $0x1082;
	s9 =	sld [smem:$0x3FB3]  }
0x2f: {  	lr =	sadd.s32 s0, s3;
	s0 =	sld [smem:$0x3FAA]  }
0x30: {  	s3 =	sld [smem:$0x3FAD]  }
0x31: {  	[smem:$0x3FB6] =	sst s10  }
0x32: {  	s10 =	sld [smem:$0x3FB4];
	_ =	sdelay $0x3  }
0x33: {  	p0 =	seq.s32 s10, $0x1;
	s10 =	sld [smem:$0x3FB6];
	_ =	sdelay $0x3  }
0x34: {  	[smem:$0x3FB6] =	sst s10  }
0x35: {  	s10 =	sld [smem:$0x3FB5];
	_ =	sdelay $0x3  }
0x36: {  	p1 =	seq.s32 s10, $0x1;
	s10 =	sld [smem:$0x3FB6];
	_ =	sdelay $0x3  }
0x37: {  	[smem:$0x3FB6] =	sst s10  }
0x38: {  	s10 =	sld [smem:$0x3FB7]  }
0x39: {  	_ = 	snop;
	(pc) =	sbr.ind lr, $3  }
0x3a: {  	_ = 	snop  }
0x3b: {  	_ = 	snop  }
0x3c: {  	p2 =	seq.s32 s10, $0x1;
	s10 =	sld [smem:$0x3FB6]  }
0x3d: {  	_ =	shalt  }
0x3e: {  	_ =	shalt  }
0x3f: {  	_ =	shalt  }
0x40: {  	_ =	shalt  }
0x41: {  	_ =	shalt  }
0x42: {  	_ =	shalt  }
0x43: {  	_ =	shalt  }
0x44: {  	_ =	shalt  }
0x45: {  	_ =	shalt  }
0x46: {  	_ =	shalt  }
0x47: {  	_ =	shalt  }
0x48: {  	_ =	shalt  }
0x49: {  	_ =	shalt  }
0x4a: {  	_ =	shalt  }
0x4b: {  	_ =	shalt  }
0x4c: {  	_ =	shalt  }
0x4d: {  	_ =	shalt  }
0x4e: {  	_ =	shalt  }
0x4f: {  	_ =	shalt  }
0x50: {  	_ =	shalt  }
0x51: {  	_ =	shalt  }
0x52: {  	_ =	shalt  }
0x53: {  	_ =	shalt  }
0x54: {  	_ =	shalt  }
0x55: {  	_ =	shalt  }
0x56: {  	_ =	shalt  }
0x57: {  	_ =	shalt  }
0x58: {  	_ =	shalt  }
0x59: {  	_ =	shalt  }
0x5a: {  	_ =	shalt  }
0x5b: {  	_ =	shalt  }
0x5c: {  	_ =	shalt  }
0x5d: {  	_ =	shalt  }
0x5e: {  	_ =	shalt  }
0x5f: {  	_ =	shalt  }
0x60: {  	_ =	shalt  }
0x61: {  	_ =	shalt  }
0x62: {  	_ =	shalt  }
0x63: {  	_ =	shalt  }
0x64: {  	_ =	shalt  }
0x65: {  	_ =	shalt  }
0x66: {  	_ =	shalt  }
0x67: {  	_ =	shalt  }
0x68: {  	_ =	shalt  }
0x69: {  	_ =	shalt  }
0x6a: {  	_ =	shalt  }
0x6b: {  	_ =	shalt  }
0x6c: {  	_ =	shalt  }
0x6d: {  	_ =	shalt  }
0x6e: {  	_ =	shalt  }
0x6f: {  	_ =	shalt  }
0x70: {  	_ =	shalt  }
0x71: {  	_ =	shalt  }
0x72: {  	_ =	shalt  }
0x73: {  	_ =	shalt  }
0x74: {  	_ =	shalt  }
0x75: {  	_ =	shalt  }
0x76: {  	_ =	shalt  }
0x77: {  	_ =	shalt  }
0x78: {  	_ =	shalt  }
0x79: {  	_ =	shalt  }
0x7a: {  	_ =	shalt  }
0x7b: {  	_ =	shalt  }
0x7c: {  	_ =	shalt  }
0x7d: {  	_ =	shalt  }
0x7e: {  	_ =	shalt  }
0x7f: {  	_ =	shalt  }
0x80: {  	_ =	shalt  }
0x81: {  	_ =	shalt  }
0x82: {  	_ =	shalt  }
0x83: {  	_ =	shalt  }
0x84: {  	_ =	shalt  }
0x85: {  	_ =	shalt  }
0x86: {  	_ =	shalt  }
0x87: {  	_ =	shalt  }
.Lfunc_end0:
.L_simem_size_0:
called_computation.2_lowered:
.L_overlay_start_0:
0x88: {  	s2 =	sld [smem:$0x3FD9]  }
0x89: {  	s3 =	sld [smem:$0x3FFE];
	_ =	sdelay $0x1  }
0x8a: {  	s1 =	srdreg.scid  }
0x8b: {  	s0 =	sand.u32 $0x1, s1  }
0x8c: {  	s17 =	sshll.u32 s0, $0xA;
	s2 =	sadd.s32 s3, s2  }
0x8d: {  	s2 =	sadd.s32 s2, s17  }
0x8e: {  	[smem:$0x3FC2] =	sst s2  }
0x8f: {  	_ = 	snop  }
0x90: {  	s2 =	sld [smem:$0x3FD0];
	(tm) =	ssettm $0x1  }
0x91: {  	s18 =	sld [smem:$0x3FFB];
	_ =	sdelay $0x3  }
0x92: {  	_ =	strace s18  }
0x93: {  	s3 =	sld [smem:$0x3FFC];
	_ =	sdelay $0x3  }
0x94: {  	_ =	strace s3  }
0x95: {  	s3 =	sld [smem:$0x3FFD];
	_ =	sdelay $0x3  }
0x96: {  	_ =	strace s3  }
0x97: {  	_ =	strace $0x8FFFFFFF  }
0x98: {  	s19 =	sld [smem:$0x3FDB];
	_ =	sdelay $0x1  }
0x99: {  	s4 =	simm.s32 $_scs_section_size  }
0x9a: {  	s5 =	simm.s32 $_size__tile_overlayer_lowered;
	s6 =	simm.s32 $_tile_overlayer_lowered  }
0x9b: {  	s22 =	simm.s32 $0x1BFF;
	s21 =	sshll.u32 s6, $0x1;
	s3 =	sadd.s32 s4, s19  }
0x9c: {  	s7 =	simm.s32 $0x0;
	s20 =	sshll.u32 s5, $0x1;
	s5 =	sadd.s32 s21, s3  }
0x9d: {  	[timem:s7], [sflag:s22] =	dma.local [hbm:s5], s20  }
0x9e: {  	_ =	swait.ge [sflag:s22], s20  }
0x9f: {  	s4 =	ssub.s32 $0x0, s20;
	[sflag:s22] =	ssyncset.done $0x0  }
0xa0: {  	[sflag:s22] =	ssyncadd.s32 s4;
	_ =	sdelay $0x1  }
0xa1: {  	s23 =	simm.s32 $0x1B8B  }
0xa2: {  	_ =	swait.ge [sflag:s23], $0x1  }
0xa3: {  	[sflag:s23] =	ssyncset.done $0x0  }
0xa4: {  	s25 =	simm.s32 $0x1B8E;
	s24 =	sld [smem:$0x3FFE];
	[sflag:s23] =	ssyncadd.s32 $0xFFFFFFFF  }
0xa5: {  	s26 =	simm.s32 $execute0_lowered;
	[smem:$0x3FD2] =	sst s25  }
0xa6: {  	s5 =	sshll.u32 s26, $0x1;
	_ =	strace $0x8000004C;
	[dreg:$0x1] =	wrdreg $0xFFFFFFFF  }
0xa7: {  	s28 =	simm.s32 $_size_execute0_lowered;
	s3 =	sadd.s32 s3, s5;
	[dreg:$0x0] =	wrdreg $0x0  }
0xa8: {  	s5 =	sshll.u32 s28, $0x1;
	[dreg:$0x2] =	wrdreg s3  }
0xa9: {  	[dreg:$0x3] =	wrdreg s5  }
0xaa: {  	[dreg:$0x4] =	wrdreg $0xC0  }
0xab: {  	_ =	task [dreg:s7], $0x5FFFF  }
0xac: {  	[dreg:$0x1] =	wrdreg $0xFFFFFFFF  }
0xad: {  	[dreg:$0x0] =	wrdreg $0x60  }
0xae: {  	[dreg:$0x2] =	wrdreg s2  }
0xaf: {  	[dreg:$0x3] =	wrdreg s24  }
0xb0: {  	[dreg:$0x4] =	wrdreg $0xE0000  }
0xb1: {  	[dreg:$0x5] =	wrdreg $0x12E200  }
0xb2: {  	[dreg:$0x6] =	wrdreg $0x9  }
0xb3: {  	_ =	task.clear_ibuf [dreg:s7], $0x7FFFF;
	_ =	strace $0x9000004C  }
0xb4: {  	s29 =	simm.s32 $0x9;
	_ =	strace $0x8000004E  }
0xb5: {  	_ =	swait.ge [sflag:s29], $0x1  }
0xb6: {  	[sflag:s29] =	ssyncadd.s32 $0xFFFFFFFF  }
0xb7: {  	_ =	strace $0x9000004E  }
0xb8: {  	_ =	sfence  }
0xb9: {  	s30 =	sld [smem:$0x0];
	_ =	sdelay $0x2  }
0xba: {  	s31 =	sshll.u32 s1, $0xD;
	s1 =	sshrl.u32 s1, $0x2  }
0xbb: {  	s3 =	sand.u32 $0x4000, s31;
	s1 =	sadd.s32 s1, s30  }
0xbc: {  	s0 =	sor.u32 s3, s0;
	s1 =	sshll.u32 s1, $0x11  }
0xbd: {  	s0 =	sor.u32 s1, s0  }
0xbe: {  	s0 =	sadd.s32 $0x8F2B, s0  }
0xbf: {  	[sflag:s0] =	ssyncadd.remote.s32 $0x1  }
0xc0: {  	_ =	sfence.sel $0xFFFF  }
0xc1: {  	[dreg:$0x0] =	wrdreg $0xFFFFFFFF;
	(pc) =	sbr.abs _section_cstart, $3  }
0xc2: {  	[dreg:$0x1] =	wrdreg $0xFFFFFFFF  }
0xc3: {  	_ =	task.clear_ibuf [dreg:s7], $0x2FFFF;
	_ =	strace $0x9FFFFFFF  }
0xc4: {  	(tm) =	ssettm $0x7FFFFFFF  }
0xc5: {  	_ =	shalt  }
tec
execute0_lowered:
.L_overlay_start_1:
0x0: {  	(tag) =	ssettag $0x1  }
0x1: {  	s0 =	rddreg [dreg:$0x0]  }
0x2: {  	s1 =	rddreg [dreg:$0x1]  }
0x3: {  	s2 =	rddreg [dreg:$0x2]  }
0x4: {  	s3 =	rddreg [dreg:$0x3];
	s13 =	stileid.u32;
	s4 =	simm.s32 $0x0  }
0x5: {  	s6 =	srdreg.scid;
	s28 =	simm.s32 $0x3;
	s29 =	simm.s32 $0x80  }
0x6: {  	s30 =	simm.s32 $0xA000;
	s31 =	simm.s32 $0xB000;
	s5 =	smul.u32 $0xA00, s13  }
0x7: {  	[smem:$0x7FF] =	sst s4;
	s6 =	sand.u32 $0x1, s6;
	s8 =	smul.u32 $0x13880, s13  }
0x8: {  	s10 =	smul.u32 $0x9C40, s13;
	s15 =	sshll.u32 s13, $0x6;
	s13 =	simm.s32 $0x0  }
0x9: {  	_ =	strace $0x8000004D;
	s7 =	ssub.s32 $0x2, s6;
	s6 =	sshll.u32 s6, $0x6  }
0xa: {  	[dreg:$0x7] =	wrdreg s15;
	s5 =	sadd.s32 s5, s1;
	s1 =	sadd.s32 $0x1A600, s1  }
0xb: {  	s9 =	sshrl.u32 s7, $0x1;
	s12 =	sor.u32 s6, s8;
	s14 =	sshrl.u32 s10, $0x1  }
0xc: {  	s16 =	sadd.s32 $0x4000, s8;
	s19 =	sadd.s32 $0x8000, s8;
	s22 =	sadd.s32 $0xC000, s8  }
0xd: {  	s8 =	sadd.s32 $0x10000, s8;
	s9 =	ssub.s32 s7, s9;
	s11 =	sadd.s32 $0x10600, s5  }
0xe: {  	s5 =	sadd.s32 $0x1400, s5;
	s10 =	sadd.s32 s14, s3;
	s18 =	sshrl.u32 s16, $0x2  }
0xf: {  	s20 =	sshrl.u32 s19, $0x2;
	s23 =	sshrl.u32 s22, $0x2;
	s24 =	sor.u32 s6, s22  }
0x10: {  	s25 =	sor.u32 s6, s8;
	s26 =	sshrl.u32 s8, $0x2;
	[dreg:$0x5] =	wrdreg s11  }
0x11: {  	s8 =	simm.s32 $0x40;
	[dreg:$0x6] =	wrdreg s5;
	s11 =	sshrl.u32 s12, $0x4  }
0x12: {  	s12 =	sadd.s32 s14, s2;
	s5 =	sadd.s32 s18, s3;
	s18 =	sadd.s32 s26, s3  }
0x13: {  	s26 =	simm.s32 $0x2;
	s7 =	sadd.s32 s0, s11;
	s0 =	sor.u32 $0x1C03, s15  }
0x14: {  	s17 =	sadd.s32 s1, s11;
	[dreg:$0xa] =	wrdreg s5;
	s5 =	sor.u32 s6, s19  }
0x15: {  	s22 =	sshrl.u32 s12, $0x3;
	s11 =	simm.s32 $0x9;
	[dreg:$0x8] =	wrdreg s0  }
0x16: {  	s12 =	simm.s32 $0x20;
	[dreg:$0x9] =	wrdreg s17;
	s0 =	sor.u32 s6, s16  }
0x17: {  	s21 =	sshrl.u32 s5, $0x4;
	s5 =	sshrl.u32 s25, $0x4;
	s0 =	sshrl.u32 s0, $0x4  }
0x18: {  	s25 =	simm.s32 $0x8;
	s6 =	simm.s32 $0x6;
	s0 =	sadd.s32 s1, s0  }
0x19: {  	s19 =	sadd.s32 s1, s5;
	s5 =	simm.s32 $0x5;
	[dreg:$0xb] =	wrdreg s0  }
0x1a: {  	s0 =	sadd.s32 s20, s3;
	s20 =	smax.u32 s9, $0x1;
	s9 =	simm.s32 $0x7  }
0x1b: {  	[dreg:$0xc] =	wrdreg s0;
	s0 =	sadd.s32 s1, s21;
	s21 =	simm.s32 $0x5000  }
0x1c: {  	[dreg:$0xd] =	wrdreg s0;
	s0 =	sadd.s32 s23, s3;
	s23 =	simm.s32 $0x1  }
0x1d: {  	[dreg:$0xe] =	wrdreg s0;
	s0 =	sshrl.u32 s24, $0x4;
	s24 =	simm.s32 $0x4  }
0x1e: {  	s17 =	sadd.s32 s1, s0;
	s1 =	simm.s32 $0xC000;
	s0 =	simm.s32 $0xD000  }
.LBB2_1:
0x1f: {  	s14 =	rddreg [dreg:$0x5]  }
0x20: {  	s15 =	rddreg [dreg:$0x6]  }
0x21: {  	[tilespmem:s4], [sflag:$0x1] =	stream.linear.gather [hbm4b:s14+s4], $0x5000, $0x38;
	[tilespmem:$0x17E20] =	vst v63  }
0x22: {  	s16 =	rddreg [dreg:$0x8]  }
0x23: {  	[tilespmem:s21], [sflag:$0x2] =	stream.linear.gather [hbm4b:s15+s4], $0x5000, $0x38;
	[tilespmem:$0x17E20] =	vst v63  }
0x24: {  	[spmem:s22@s24], [sflag:s16] =	dma.strided [hbm:s7@s25], $0x9C4, s23, $0x4   }
0x25: {  	s14 =	rddreg [dreg:$0x7]  }
0x26: {  	s15 =	sshrl.u32 s10, $0x3;
	s14 =	sor.u32 $0x1C04, s14  }
0x27: {  	[spmem:s15@s24], [sflag:s14] =	dma.strided [hbm:s7@s25], $0x9C4, s23, $0x4   }
0x28: {  	_ =	swait.ge [sflag:s23], $0x5000  }
0x29: {  	[sflag:s23] =	ssyncset.done $0x0  }
0x2a: {  	[sflag:s23] =	ssyncadd.s32 $0xFFFFB000  }
0x2b: {  	_ =	swait.ge [sflag:s26], $0x5000  }
0x2c: {  	[sflag:s26] =	ssyncset.done $0x0  }
0x2d: {  	[sflag:s26] =	ssyncadd.s32 $0xFFFFB000  }
0x2e: {  	_ =	swait.ge [sflag:s28], $0x9C4  }
0x2f: {  	[sflag:s28] =	ssyncset.done $0x0  }
0x30: {  	[sflag:s28] =	ssyncadd.s32 $0xFFFFF63C  }
0x31: {  	_ =	swait.ge [sflag:s24], $0x9C4  }
0x32: {  	[sflag:s24] =	ssyncset.done $0x0  }
0x33: {  	[sflag:s24] =	ssyncadd.s32 $0xFFFFF63C  }
0x34: {  	[bflag:$0x0] =	sbarrier.arrive $0xFFFF  }
0x35: {  	[tilespmem:s30], [sflag:$0x1] =	stream.indirect.gather [spmem:s2], $0x20, s4, s29, $0xb8;
	[tilespmem:$0x17E20] =	vst v63  }
0x36: {  	_ = 	snop  }
0x37: {  	[tilespmem:s31], [sflag:$0x2] =	stream.indirect.gather [spmem:s2], $0x20, s29, s29, $0xb8;
	[tilespmem:$0x17E20] =	vst v63  }
0x38: {  	s15 =	simm.s32 $0x100  }
0x39: {  	[tilespmem:s1], [sflag:$0x3] =	stream.indirect.gather [spmem:s2], $0x20, s15, s29, $0xb8;
	[tilespmem:$0x17E20] =	vst v63  }
0x3a: {  	_ =	swait.ge [sflag:s23], $0x1000  }
0x3b: {  	[sflag:s23] =	ssyncset.done $0x0  }
0x3c: {  	[sflag:s23] =	ssyncadd.s32 $0xFFFFF000  }
0x3d: {  	[spmem:s3] =	stream.indirect.scatter.add.bf16 [tilespmem:s30], [sflag:$0x5], $0x20, s21, s29, $0xb8;
	[tilespmem:$0x17E20] =	vst v63  }
0x3e: {  	s16 =	simm.s32 $0x180  }
0x3f: {  	[tilespmem:s0], [sflag:$0x4] =	stream.indirect.gather [spmem:s2], $0x20, s16, s29, $0xb8;
	[tilespmem:$0x17E20] =	vst v63  }
0x40: {  	_ =	swait.ge [sflag:s26], $0x1000  }
0x41: {  	[sflag:s26] =	ssyncset.done $0x0  }
0x42: {  	s15 =	simm.s32 $0x5080;
	[sflag:s26] =	ssyncadd.s32 $0xFFFFF000  }
0x43: {  	[spmem:s3] =	stream.indirect.scatter.add.bf16 [tilespmem:s31], [sflag:$0x6], $0x20, s15, s29, $0xb8;
	[tilespmem:$0x17E20] =	vst v63  }
0x44: {  	_ =	swait.ge [sflag:s5], $0x1000  }
0x45: {  	[sflag:s5] =	ssyncset.done $0x0  }
0x46: {  	s16 =	simm.s32 $0x200;
	[sflag:s5] =	ssyncadd.s32 $0xFFFFF000  }
0x47: {  	[tilespmem:s30], [sflag:$0x1] =	stream.indirect.gather [spmem:s2], $0x20, s16, s29, $0xb8;
	[tilespmem:$0x17E20] =	vst v63  }
0x48: {  	_ =	swait.ge [sflag:s28], $0x1000  }
0x49: {  	[sflag:s28] =	ssyncset.done $0x0  }
0x4a: {  	s15 =	simm.s32 $0x5100;
	[sflag:s28] =	ssyncadd.s32 $0xFFFFF000  }
0x4b: {  	[spmem:s3] =	stream.indirect.scatter.add.bf16 [tilespmem:s1], [sflag:$0x7], $0x20, s15, s29, $0xb8;
	[tilespmem:$0x17E20] =	vst v63  }
0x4c: {  	_ =	swait.ge [sflag:s6], $0x1000  }
0x4d: {  	[sflag:s6] =	ssyncset.done $0x0  }
0x4e: {  	s16 =	simm.s32 $0x280;
	[sflag:s6] =	ssyncadd.s32 $0xFFFFF000  }
0x4f: {  	[tilespmem:s31], [sflag:$0x2] =	stream.indirect.gather [spmem:s2], $0x20, s16, s29, $0xb8;
	[tilespmem:$0x17E20] =	vst v63  }
0x50: {  	_ =	swait.ge [sflag:s24], $0x1000  }
0x51: {  	[sflag:s24] =	ssyncset.done $0x0  }
0x52: {  	s15 =	simm.s32 $0x5180;
	[sflag:s24] =	ssyncadd.s32 $0xFFFFF000  }
0x53: {  	[spmem:s3] =	stream.indirect.scatter.add.bf16 [tilespmem:s0], [sflag:$0x8], $0x20, s15, s29, $0xb8;
	[tilespmem:$0x17E20] =	vst v63  }
0x54: {  	_ =	swait.ge [sflag:s9], $0x1000  }
0x55: {  	[sflag:s9] =	ssyncset.done $0x0  }
0x56: {  	s16 =	simm.s32 $0x300;
	[sflag:s9] =	ssyncadd.s32 $0xFFFFF000  }
0x57: {  	[tilespmem:s1], [sflag:$0x3] =	stream.indirect.gather [spmem:s2], $0x20, s16, s29, $0xb8;
	[tilespmem:$0x17E20] =	vst v63  }
0x58: {  	_ =	swait.ge [sflag:s23], $0x1000  }
0x59: {  	[sflag:s23] =	ssyncset.done $0x0  }
0x5a: {  	s15 =	simm.s32 $0x5200;
	[sflag:s23] =	ssyncadd.s32 $0xFFFFF000  }
0x5b: {  	[spmem:s3] =	stream.indirect.scatter.add.bf16 [tilespmem:s30], [sflag:$0x5], $0x20, s15, s29, $0xb8;
	[tilespmem:$0x17E20] =	vst v63  }
0x5c: {  	_ =	swait.ge [sflag:s25], $0x1000  }
0x5d: {  	[sflag:s25] =	ssyncset.done $0x0  }
0x5e: {  	s16 =	simm.s32 $0x380;
	[sflag:s25] =	ssyncadd.s32 $0xFFFFF000  }
0x5f: {  	[tilespmem:s0], [sflag:$0x4] =	stream.indirect.gather [spmem:s2], $0x20, s16, s29, $0xb8;
	[tilespmem:$0x17E20] =	vst v63  }
0x60: {  	_ =	swait.ge [sflag:s26], $0x1000  }
0x61: {  	[sflag:s26] =	ssyncset.done $0x0  }
0x62: {  	s15 =	simm.s32 $0x5280;
	[sflag:s26] =	ssyncadd.s32 $0xFFFFF000  }
0x63: {  	[spmem:s3] =	stream.indirect.scatter.add.bf16 [tilespmem:s31], [sflag:$0x6], $0x20, s15, s29, $0xb8;
	[tilespmem:$0x17E20] =	vst v63  }
0x64: {  	_ =	swait.ge [sflag:s5], $0x1000  }
0x65: {  	[sflag:s5] =	ssyncset.done $0x0  }
0x66: {  	s16 =	simm.s32 $0x400;
	[sflag:s5] =	ssyncadd.s32 $0xFFFFF000  }
0x67: {  	[tilespmem:s30], [sflag:$0x1] =	stream.indirect.gather [spmem:s2], $0x20, s16, s29, $0xb8;
	[tilespmem:$0x17E20] =	vst v63  }
0x68: {  	_ =	swait.ge [sflag:s28], $0x1000  }
0x69: {  	[sflag:s28] =	ssyncset.done $0x0  }
0x6a: {  	s15 =	simm.s32 $0x5300;
	[sflag:s28] =	ssyncadd.s32 $0xFFFFF000  }
0x6b: {  	[spmem:s3] =	stream.indirect.scatter.add.bf16 [tilespmem:s1], [sflag:$0x7], $0x20, s15, s29, $0xb8;
	[tilespmem:$0x17E20] =	vst v63  }
0x6c: {  	_ =	swait.ge [sflag:s6], $0x1000  }
0x6d: {  	[sflag:s6] =	ssyncset.done $0x0  }
0x6e: {  	s16 =	simm.s32 $0x480;
	[sflag:s6] =	ssyncadd.s32 $0xFFFFF000  }
0x6f: {  	[tilespmem:s31], [sflag:$0x2] =	stream.indirect.gather [spmem:s2], $0x20, s16, s29, $0xb8;
	[tilespmem:$0x17E20] =	vst v63  }
0x70: {  	_ =	swait.ge [sflag:s24], $0x1000  }
0x71: {  	[sflag:s24] =	ssyncset.done $0x0  }
0x72: {  	s14 =	simm.s32 $0x800;
	s15 =	simm.s32 $0x5380;
	[sflag:s24] =	ssyncadd.s32 $0xFFFFF000  }
.LBB2_2:
0x73: {  	[spmem:s3] =	stream.indirect.scatter.add.bf16 [tilespmem:s0], [sflag:$0x8], $0x20, s15, s29, $0xb8;
	[tilespmem:$0x17E20] =	vst v63  }
0x74: {  	s15 =	smov.u32 s14  }
0x75: {  	p0 =	sne.s32 s14, $0x12800;
	s14 =	sadd.s32 $0x800, s14;
	_ =	swait.ge [sflag:s9], $0x1000  }
0x76: {  	s15 =	sshra.s32 s15, $0x2;
	[sflag:s9] =	ssyncset.done $0x0  }
0x77: {  	s16 =	sadd.s32 $0x300, s15;
	[sflag:s9] =	ssyncadd.s32 $0xFFFFF000  }
0x78: {  	[tilespmem:s1], [sflag:$0x3] =	stream.indirect.gather [spmem:s2], $0x20, s16, s29, $0xb8;
	[tilespmem:$0x17E20] =	vst v63  }
0x79: {  	_ =	swait.ge [sflag:s23], $0x1000  }
0x7a: {  	[sflag:s23] =	ssyncset.done $0x0  }
0x7b: {  	s16 =	sadd.s32 $0x5200, s15;
	[sflag:s23] =	ssyncadd.s32 $0xFFFFF000  }
0x7c: {  	[spmem:s3] =	stream.indirect.scatter.add.bf16 [tilespmem:s30], [sflag:$0x5], $0x20, s16, s29, $0xb8;
	[tilespmem:$0x17E20] =	vst v63  }
0x7d: {  	_ =	swait.ge [sflag:s25], $0x1000  }
0x7e: {  	[sflag:s25] =	ssyncset.done $0x0  }
0x7f: {  	s16 =	sadd.s32 $0x380, s15;
	[sflag:s25] =	ssyncadd.s32 $0xFFFFF000  }
0x80: {  	[tilespmem:s0], [sflag:$0x4] =	stream.indirect.gather [spmem:s2], $0x20, s16, s29, $0xb8;
	[tilespmem:$0x17E20] =	vst v63  }
0x81: {  	_ =	swait.ge [sflag:s26], $0x1000  }
0x82: {  	[sflag:s26] =	ssyncset.done $0x0  }
0x83: {  	s16 =	sadd.s32 $0x5280, s15;
	[sflag:s26] =	ssyncadd.s32 $0xFFFFF000  }
0x84: {  	[spmem:s3] =	stream.indirect.scatter.add.bf16 [tilespmem:s31], [sflag:$0x6], $0x20, s16, s29, $0xb8;
	[tilespmem:$0x17E20] =	vst v63  }
0x85: {  	_ =	swait.ge [sflag:s5], $0x1000  }
0x86: {  	[sflag:s5] =	ssyncset.done $0x0  }
0x87: {  	s16 =	sadd.s32 $0x400, s15;
	[sflag:s5] =	ssyncadd.s32 $0xFFFFF000  }
0x88: {  	[tilespmem:s30], [sflag:$0x1] =	stream.indirect.gather [spmem:s2], $0x20, s16, s29, $0xb8;
	[tilespmem:$0x17E20] =	vst v63  }
0x89: {  	_ =	swait.ge [sflag:s28], $0x1000  }
0x8a: {  	[sflag:s28] =	ssyncset.done $0x0  }
0x8b: {  	s16 =	sadd.s32 $0x5300, s15;
	[sflag:s28] =	ssyncadd.s32 $0xFFFFF000  }
0x8c: {  	[spmem:s3] =	stream.indirect.scatter.add.bf16 [tilespmem:s1], [sflag:$0x7], $0x20, s16, s29, $0xb8;
	[tilespmem:$0x17E20] =	vst v63  }
0x8d: {  	_ =	swait.ge [sflag:s6], $0x1000  }
0x8e: {  	[sflag:s6] =	ssyncset.done $0x0  }
.Ltmp0:
0x8f: {  	s16 =	sadd.s32 $0x480, s15;
	[sflag:s6] =	ssyncadd.s32 $0xFFFFF000;
	(pc) =	sbr.rel @p0 .LBB2_2-.Ltmp0, $4  }
0x90: {  	[tilespmem:s31], [sflag:$0x2] =	stream.indirect.gather [spmem:s2], $0x20, s16, s29, $0xb8;
	[tilespmem:$0x17E20] =	vst v63  }
0x91: {  	_ =	swait.ge [sflag:s24], $0x1000  }
0x92: {  	[sflag:s24] =	ssyncset.done $0x0  }
0x93: {  	s15 =	sadd.s32 $0x5380, s15;
	[sflag:s24] =	ssyncadd.s32 $0xFFFFF000  }
0x94: {  	[spmem:s3] =	stream.indirect.scatter.add.bf16 [tilespmem:s0], [sflag:$0x8], $0x20, s15, s29, $0xb8;
	[tilespmem:$0x17E20] =	vst v63  }
0x95: {  	_ =	swait.ge [sflag:s9], $0x1000  }
0x96: {  	[sflag:s9] =	ssyncset.done $0x0  }
0x97: {  	s14 =	simm.s32 $0x4F00;
	[sflag:s9] =	ssyncadd.s32 $0xFFFFF000  }
0x98: {  	[tilespmem:s1], [sflag:$0x3] =	stream.indirect.gather [spmem:s2], $0x20, s14, s29, $0xb8;
	[tilespmem:$0x17E20] =	vst v63  }
0x99: {  	_ =	swait.ge [sflag:s23], $0x1000  }
0x9a: {  	[sflag:s23] =	ssyncset.done $0x0  }
0x9b: {  	s16 =	simm.s32 $0x9E00;
	[sflag:s23] =	ssyncadd.s32 $0xFFFFF000  }
0x9c: {  	[spmem:s3] =	stream.indirect.scatter.add.bf16 [tilespmem:s30], [sflag:$0x5], $0x20, s16, s29, $0xb8;
	[tilespmem:$0x17E20] =	vst v63  }
0x9d: {  	_ =	swait.ge [sflag:s25], $0x1000  }
0x9e: {  	[sflag:s25] =	ssyncset.done $0x0  }
0x9f: {  	s15 =	simm.s32 $0x4F80;
	[sflag:s25] =	ssyncadd.s32 $0xFFFFF000  }
0xa0: {  	[tilespmem:s0], [sflag:$0x4] =	stream.indirect.gather [spmem:s2], $0x20, s15, s29, $0xb8;
	[tilespmem:$0x17E20] =	vst v63  }
0xa1: {  	_ =	swait.ge [sflag:s26], $0x1000  }
0xa2: {  	[sflag:s26] =	ssyncset.done $0x0  }
0xa3: {  	s16 =	simm.s32 $0x9E80;
	[sflag:s26] =	ssyncadd.s32 $0xFFFFF000  }
0xa4: {  	[spmem:s3] =	stream.indirect.scatter.add.bf16 [tilespmem:s31], [sflag:$0x6], $0x20, s16, s29, $0xb8;
	[tilespmem:$0x17E20] =	vst v63  }
0xa5: {  	_ =	swait.ge [sflag:s5], $0x1000  }
0xa6: {  	[sflag:s5] =	ssyncset.done $0x0  }
0xa7: {  	[sflag:s5] =	ssyncadd.s32 $0xFFFFF000  }
0xa8: {  	_ =	swait.ge [sflag:s28], $0x1000  }
0xa9: {  	[sflag:s28] =	ssyncset.done $0x0  }
0xaa: {  	s15 =	simm.s32 $0x9F00;
	[sflag:s28] =	ssyncadd.s32 $0xFFFFF000  }
0xab: {  	[spmem:s3] =	stream.indirect.scatter.add.bf16 [tilespmem:s1], [sflag:$0x7], $0x20, s15, s29, $0xb8;
	[tilespmem:$0x17E20] =	vst v63  }
0xac: {  	_ =	swait.ge [sflag:s6], $0x1000  }
0xad: {  	[sflag:s6] =	ssyncset.done $0x0  }
0xae: {  	[sflag:s6] =	ssyncadd.s32 $0xFFFFF000  }
0xaf: {  	_ =	swait.ge [sflag:s24], $0x1000  }
0xb0: {  	[sflag:s24] =	ssyncset.done $0x0  }
0xb1: {  	s16 =	simm.s32 $0x9F80;
	[sflag:s24] =	ssyncadd.s32 $0xFFFFF000  }
0xb2: {  	[spmem:s3] =	stream.indirect.scatter.add.bf16 [tilespmem:s0], [sflag:$0x8], $0x20, s16, s29, $0xb8;
	[tilespmem:$0x17E20] =	vst v63  }
0xb3: {  	_ =	swait.ge [sflag:s9], $0x1000  }
0xb4: {  	[sflag:s9] =	ssyncset.done $0x0  }
0xb5: {  	[sflag:s9] =	ssyncadd.s32 $0xFFFFF000  }
0xb6: {  	_ =	swait.ge [sflag:s25], $0x1000  }
0xb7: {  	[sflag:s25] =	ssyncset.done $0x0  }
0xb8: {  	[sflag:s25] =	ssyncadd.s32 $0xFFFFF000  }
0xb9: {  	[bflag:$0x0] =	sbarrier.arrive $0xFFFF  }
0xba: {  	[tilespmem:s30], [sflag:$0x9] =	stream.linear.gather [spmem:s10], $0x1000, $0x38;
	[tilespmem:$0x17E20] =	vst v63  }
0xbb: {  	_ =	swait.ge [sflag:s11], $0x1000  }
0xbc: {  	[sflag:s11] =	ssyncset.done $0x0  }
0xbd: {  	s15 =	rddreg [dreg:$0x9];
	[sflag:s11] =	ssyncadd.s32 $0xFFFFF000  }
0xbe: {  	[hbm4b:s15+s12] =	stream.strided.scatter [tilespmem:s30], [sflag:$0x9], $0x1000, s8, s12, $0x38;
	[tilespmem:$0x17E20] =	vst v63  }
0xbf: {  	_ =	swait.ge [sflag:s11], $0x1000  }
0xc0: {  	[sflag:s11] =	ssyncset.done $0x0  }
0xc1: {  	s16 =	rddreg [dreg:$0xa];
	[sflag:s11] =	ssyncadd.s32 $0xFFFFF000  }
0xc2: {  	[tilespmem:s31], [sflag:$0x9] =	stream.linear.gather [spmem:s16], $0x1000, $0x38;
	[tilespmem:$0x17E20] =	vst v63  }
0xc3: {  	_ =	swait.ge [sflag:s11], $0x1000  }
0xc4: {  	[sflag:s11] =	ssyncset.done $0x0  }
0xc5: {  	s15 =	rddreg [dreg:$0xb];
	[sflag:s11] =	ssyncadd.s32 $0xFFFFF000  }
0xc6: {  	[hbm4b:s15+s12] =	stream.strided.scatter [tilespmem:s31], [sflag:$0x9], $0x1000, s8, s12, $0x38;
	[tilespmem:$0x17E20] =	vst v63  }
0xc7: {  	_ =	swait.ge [sflag:s11], $0x1000  }
0xc8: {  	[sflag:s11] =	ssyncset.done $0x0  }
0xc9: {  	s16 =	rddreg [dreg:$0xc];
	[sflag:s11] =	ssyncadd.s32 $0xFFFFF000  }
0xca: {  	[tilespmem:s30], [sflag:$0x9] =	stream.linear.gather [spmem:s16], $0x1000, $0x38;
	[tilespmem:$0x17E20] =	vst v63  }
0xcb: {  	_ =	swait.ge [sflag:s11], $0x1000  }
0xcc: {  	[sflag:s11] =	ssyncset.done $0x0  }
0xcd: {  	s15 =	rddreg [dreg:$0xd];
	[sflag:s11] =	ssyncadd.s32 $0xFFFFF000  }
0xce: {  	[hbm4b:s15+s12] =	stream.strided.scatter [tilespmem:s30], [sflag:$0x9], $0x1000, s8, s12, $0x38;
	[tilespmem:$0x17E20] =	vst v63  }
0xcf: {  	_ =	swait.ge [sflag:s11], $0x1000  }
0xd0: {  	[sflag:s11] =	ssyncset.done $0x0  }
0xd1: {  	s16 =	rddreg [dreg:$0xe];
	[sflag:s11] =	ssyncadd.s32 $0xFFFFF000  }
0xd2: {  	[tilespmem:s31], [sflag:$0x9] =	stream.linear.gather [spmem:s16], $0x1000, $0x38;
	[tilespmem:$0x17E20] =	vst v63  }
0xd3: {  	_ =	swait.ge [sflag:s11], $0x1000  }
0xd4: {  	[sflag:s11] =	ssyncset.done $0x0  }
0xd5: {  	[sflag:s11] =	ssyncadd.s32 $0xFFFFF000  }
0xd6: {  	[hbm4b:s17+s12] =	stream.strided.scatter [tilespmem:s31], [sflag:$0x9], $0x1000, s8, s12, $0x38;
	[tilespmem:$0x17E20] =	vst v63  }
0xd7: {  	_ =	swait.ge [sflag:s11], $0x1000  }
0xd8: {  	[sflag:s11] =	ssyncset.done $0x0  }
0xd9: {  	[sflag:s11] =	ssyncadd.s32 $0xFFFFF000  }
0xda: {  	[tilespmem:s30], [sflag:$0x9] =	stream.linear.gather [spmem:s18], $0xE20, $0x38;
	[tilespmem:$0x17E20] =	vst v63  }
0xdb: {  	s13 =	sadd.s32 $0x1, s13;
	_ =	swait.ge [sflag:s11], $0xE20  }
0xdc: {  	p0 =	sne.s32 s13, s20;
	[sflag:s11] =	ssyncset.done $0x0  }
.Ltmp1:
0xdd: {  	[sflag:s11] =	ssyncadd.s32 $0xFFFFF1E0;
	(pc) =	sbr.rel @p0 .LBB2_1-.Ltmp1, $4  }
0xde: {  	[hbm4b:s19+s12] =	stream.strided.scatter [tilespmem:s30], [sflag:$0x9], $0xE20, s8, s12, $0x38;
	[tilespmem:$0x17E20] =	vst v63  }
0xdf: {  	_ =	swait.ge [sflag:s11], $0xE20  }
0xe0: {  	[sflag:s11] =	ssyncset.done $0x0  }
0xe1: {  	[sflag:s11] =	ssyncadd.s32 $0xFFFFF1E0  }
0xe2: {  	_ =	sfence.sel $0x180000  }
0xe3: {  	[bflag:$0x0] =	sbarrier.arrive $0xFFFF  }
0xe4: {  	_ =	strace $0x9000004D  }
0xe5: {  	s0 =	stileid.u32;
	[bflag:$0x2] =	sbarrier.arrive $0xFFFF  }
0xe6: {  	p0 =	sne.s32 s0, $0x0;
	s0 =	rddreg [dreg:$0x4]  }
0xe7: {  	s0 =	sadd.s32 @!p0 $0x100000, s0  }
0xe8: {  	[sflag:s0] =	ssyncadd.tile.s32 @!p0 $0x1;
	_ =	shalt  }
.Lfunc_end2:
_tile_overlayer_lowered:
.L_overlay_start_2:
0xe9: {  	(tag) =	ssettag $0x2  }
0xea: {  	s0 =	rddreg [dreg:$0x0];
	s2 =	stileid.u32  }
0xeb: {  	s1 =	rddreg [dreg:$0x1];
	p0 =	sne.s32 s2, $0x0  }
0xec: {  	s3 =	rddreg [dreg:$0x2];
	[bflag:$0x3] =	sbarrier.arrive $0xFFFF;
	s2 =	simm.s32 @!p0 $0x1C09  }
0xed: {  	[timem:s3], [sflag:s2] =	dma.local @!p0 [hbm:s0], s1  }
0xee: {  	s0 =	simm.s32 @!p0 $0x9  }
0xef: {  	_ =	swait.ge @!p0 [sflag:s0], s1  }
0xf0: {  	s1 =	ssub.s32 @!p0 $0x0, s1;
	[sflag:s0] =	ssyncset.done @!p0 $0x0  }
0xf1: {  	[sflag:s0] =	ssyncadd.s32 @!p0 s1  }
0xf2: {  	[bflag:$0x3] =	sbarrier.arrive $0xFFFF  }
0xf3: {  	_ =	shalt  }

// kernel: kernel.8.cloned.1.call-start
scs
__scs_entry_jumppad:
0x0: {  	(pc) =	sbr.rel $0x88, $3  }
0x1: {  	(tag) =	ssettag $0x0;
	lr =	simm.s32 $0x1  }
0x2: {  	[smem:$0x3F9B] =	sst lr;
	_ =	strace $0xD0000000  }
0x3: {  	_ = 	snop  }
0x4: {  	_ = 	snop  }
0x5: {  	_ = 	snop  }
0x6: {  	_ = 	snop  }
0x7: {  	_ = 	snop  }
__scs_overlays_trampoline_lowered:
0x8: {  	[smem:$0x3FAA] =	sst s0  }
0x9: {  	[smem:$0x3FAB] =	sst s1  }
0xa: {  	[smem:$0x3FAC] =	sst s2  }
0xb: {  	[smem:$0x3FAD] =	sst s3  }
0xc: {  	[smem:$0x3FAE] =	sst s4  }
0xd: {  	[smem:$0x3FAF] =	sst s5  }
0xe: {  	[smem:$0x3FB0] =	sst s6  }
0xf: {  	[smem:$0x3FB1] =	sst s7  }
0x10: {  	[smem:$0x3FB2] =	sst s8  }
0x11: {  	[smem:$0x3FB3] =	sst s9;
	s0 =	simm.s32 @!p0 $0x0  }
0x12: {  	s1 =	sld [smem:$0x3F99];
	s0 =	simm.s32 @p0 $0x1  }
0x13: {  	[smem:$0x3FB4] =	sst s0;
	s0 =	simm.s32 @!p1 $0x0  }
0x14: {  	s2 =	sld [smem:$0x3F98];
	s0 =	simm.s32 @p1 $0x1  }
0x15: {  	[smem:$0x3FB5] =	sst s0;
	s0 =	simm.s32 @!p2 $0x0  }
0x16: {  	s3 =	sld [smem:$0x3FDB];
	s0 =	simm.s32 @p2 $0x1  }
0x17: {  	s4 =	simm.s32 $0x1BF5;
	[smem:$0x3FB7] =	sst s0  }
0x18: {  	s0 =	sld [smem:$0x3F9A];
	_ =	swait.ge [sflag:s4], $0x0  }
0x19: {  	s7 =	sld [smem:$0x3F9B]  }
0x1a: {  	s8 =	sadd.s32 $0xFFFFE003, lr  }
0x1b: {  	s9 =	sadd.s32 $0xFFFFFEF7, lr;
	s5 =	simm.s32 $0xFFFFFFFF;
	p2 =	slt.u32 s8, $0xFFFFF086  }
0x1c: {  	p1 =	slt.u32 s9, $0xF7A;
	s5 =	simm.s32 @!p2 $0x0  }
0x1d: {  	s5 =	simm.s32 @p1 $0x1;
	p0 =	seq.s32 s7, s2  }
0x1e: {  	s7 =	smul.u32 @!p0 $0xF7A, s2;
	p2 =	seq.s32 @!p0 s5, $0x0  }
0x1f: {  	s9 =	smul.u32 $0xF7A, s1;
	s8 =	simm.s32 @!p0 $0x1BF5;
	p2 =	por !p2, p0  }
0x20: {  	[sflag:s8] =	ssyncset.s32 @!p0 $0xFFFFF086;
	s6 =	sadd.s32 @!p0 s3, s7;
	s7 =	simm.s32 @!p0 $0x108  }
0x21: {  	s3 =	sadd.s32 s3, s9;
	s6 =	sadd.s32 @!p0 $0x88, s6;
	s7 =	simm.s32 @p2 $0x1082  }
0x22: {  	[simem:s7], [sflag:s8] =	dma.local @!p0 [hbm:s6], $0xF7A  }
0x23: {  	s9 =	sor.u32 $0xD0000000, s2;
	s6 =	simm.s32 $0x108;
	_ =	swait.ge @!p0 [sflag:s8], $0x0  }
0x24: {  	s3 =	sadd.s32 $0x88, s3;
	s6 =	simm.s32 @!p1 $0x1082;
	[sflag:s4] =	ssyncset.s32 $0xFFFFF086  }
0x25: {  	[simem:s6], [sflag:s4] =	dma.local [hbm:s3], $0xF7A  }
0x26: {  	[smem:$0x3F9B] =	sst s1;
	(tag) =	ssettag s2;
	_ =	strace s9  }
0x27: {  	s1 =	sld [smem:$0x3FAB]  }
0x28: {  	s2 =	sld [smem:$0x3FAC]  }
0x29: {  	s4 =	sld [smem:$0x3FAE]  }
0x2a: {  	p0 =	seq.s32 s5, $0x0;
	s5 =	sld [smem:$0x3FAF]  }
0x2b: {  	s6 =	sld [smem:$0x3FB0]  }
0x2c: {  	s7 =	sld [smem:$0x3FB1]  }
0x2d: {  	s3 =	simm.s32 $0x108;
	s8 =	sld [smem:$0x3FB2]  }
0x2e: {  	s3 =	simm.s32 @!p0 $0x1082;
	s9 =	sld [smem:$0x3FB3]  }
0x2f: {  	lr =	sadd.s32 s0, s3;
	s0 =	sld [smem:$0x3FAA]  }
0x30: {  	s3 =	sld [smem:$0x3FAD]  }
0x31: {  	[smem:$0x3FB6] =	sst s10  }
0x32: {  	s10 =	sld [smem:$0x3FB4];
	_ =	sdelay $0x3  }
0x33: {  	p0 =	seq.s32 s10, $0x1;
	s10 =	sld [smem:$0x3FB6];
	_ =	sdelay $0x3  }
0x34: {  	[smem:$0x3FB6] =	sst s10  }
0x35: {  	s10 =	sld [smem:$0x3FB5];
	_ =	sdelay $0x3  }
0x36: {  	p1 =	seq.s32 s10, $0x1;
	s10 =	sld [smem:$0x3FB6];
	_ =	sdelay $0x3  }
0x37: {  	[smem:$0x3FB6] =	sst s10  }
0x38: {  	s10 =	sld [smem:$0x3FB7]  }
0x39: {  	_ = 	snop;
	(pc) =	sbr.ind lr, $3  }
0x3a: {  	_ = 	snop  }
0x3b: {  	_ = 	snop  }
0x3c: {  	p2 =	seq.s32 s10, $0x1;
	s10 =	sld [smem:$0x3FB6]  }
0x3d: {  	_ =	shalt  }
0x3e: {  	_ =	shalt  }
0x3f: {  	_ =	shalt  }
0x40: {  	_ =	shalt  }
0x41: {  	_ =	shalt  }
0x42: {  	_ =	shalt  }
0x43: {  	_ =	shalt  }
0x44: {  	_ =	shalt  }
0x45: {  	_ =	shalt  }
0x46: {  	_ =	shalt  }
0x47: {  	_ =	shalt  }
0x48: {  	_ =	shalt  }
0x49: {  	_ =	shalt  }
0x4a: {  	_ =	shalt  }
0x4b: {  	_ =	shalt  }
0x4c: {  	_ =	shalt  }
0x4d: {  	_ =	shalt  }
0x4e: {  	_ =	shalt  }
0x4f: {  	_ =	shalt  }
0x50: {  	_ =	shalt  }
0x51: {  	_ =	shalt  }
0x52: {  	_ =	shalt  }
0x53: {  	_ =	shalt  }
0x54: {  	_ =	shalt  }
0x55: {  	_ =	shalt  }
0x56: {  	_ =	shalt  }
0x57: {  	_ =	shalt  }
0x58: {  	_ =	shalt  }
0x59: {  	_ =	shalt  }
0x5a: {  	_ =	shalt  }
0x5b: {  	_ =	shalt  }
0x5c: {  	_ =	shalt  }
0x5d: {  	_ =	shalt  }
0x5e: {  	_ =	shalt  }
0x5f: {  	_ =	shalt  }
0x60: {  	_ =	shalt  }
0x61: {  	_ =	shalt  }
0x62: {  	_ =	shalt  }
0x63: {  	_ =	shalt  }
0x64: {  	_ =	shalt  }
0x65: {  	_ =	shalt  }
0x66: {  	_ =	shalt  }
0x67: {  	_ =	shalt  }
0x68: {  	_ =	shalt  }
0x69: {  	_ =	shalt  }
0x6a: {  	_ =	shalt  }
0x6b: {  	_ =	shalt  }
0x6c: {  	_ =	shalt  }
0x6d: {  	_ =	shalt  }
0x6e: {  	_ =	shalt  }
0x6f: {  	_ =	shalt  }
0x70: {  	_ =	shalt  }
0x71: {  	_ =	shalt  }
0x72: {  	_ =	shalt  }
0x73: {  	_ =	shalt  }
0x74: {  	_ =	shalt  }
0x75: {  	_ =	shalt  }
0x76: {  	_ =	shalt  }
0x77: {  	_ =	shalt  }
0x78: {  	_ =	shalt  }
0x79: {  	_ =	shalt  }
0x7a: {  	_ =	shalt  }
0x7b: {  	_ =	shalt  }
0x7c: {  	_ =	shalt  }
0x7d: {  	_ =	shalt  }
0x7e: {  	_ =	shalt  }
0x7f: {  	_ =	shalt  }
0x80: {  	_ =	shalt  }
0x81: {  	_ =	shalt  }
0x82: {  	_ =	shalt  }
0x83: {  	_ =	shalt  }
0x84: {  	_ =	shalt  }
0x85: {  	_ =	shalt  }
0x86: {  	_ =	shalt  }
0x87: {  	_ =	shalt  }
.Lfunc_end0:
.L_simem_size_0:
called_computation_lowered:
.L_overlay_start_0:
0x88: {  	s2 =	sld [smem:$0x3FD9]  }
0x89: {  	s3 =	sld [smem:$0x3FFE];
	_ =	sdelay $0x1  }
0x8a: {  	s1 =	srdreg.scid  }
0x8b: {  	s0 =	sand.u32 $0x1, s1  }
0x8c: {  	s17 =	sshll.u32 s0, $0xA;
	s2 =	sadd.s32 s3, s2  }
0x8d: {  	s2 =	sadd.s32 s2, s17  }
0x8e: {  	[smem:$0x3FC2] =	sst s2  }
0x8f: {  	_ = 	snop  }
0x90: {  	s2 =	sld [smem:$0x3FD0];
	(tm) =	ssettm $0x1  }
0x91: {  	s18 =	sld [smem:$0x3FFB];
	_ =	sdelay $0x3  }
0x92: {  	_ =	strace s18  }
0x93: {  	s3 =	sld [smem:$0x3FFC];
	_ =	sdelay $0x3  }
0x94: {  	_ =	strace s3  }
0x95: {  	s3 =	sld [smem:$0x3FFD];
	_ =	sdelay $0x3  }
0x96: {  	_ =	strace s3  }
0x97: {  	_ =	strace $0x8FFFFFFF  }
0x98: {  	s19 =	sld [smem:$0x3FDB];
	_ =	sdelay $0x1  }
0x99: {  	s4 =	simm.s32 $_scs_section_size  }
0x9a: {  	s5 =	simm.s32 $_size__tile_overlayer_lowered;
	s6 =	simm.s32 $_tile_overlayer_lowered  }
0x9b: {  	s22 =	simm.s32 $0x1BFF;
	s21 =	sshll.u32 s6, $0x1;
	s3 =	sadd.s32 s4, s19  }
0x9c: {  	s7 =	simm.s32 $0x0;
	s20 =	sshll.u32 s5, $0x1;
	s5 =	sadd.s32 s21, s3  }
0x9d: {  	[timem:s7], [sflag:s22] =	dma.local [hbm:s5], s20  }
0x9e: {  	_ =	swait.ge [sflag:s22], s20  }
0x9f: {  	s4 =	ssub.s32 $0x0, s20;
	[sflag:s22] =	ssyncset.done $0x0  }
0xa0: {  	[sflag:s22] =	ssyncadd.s32 s4;
	_ =	sdelay $0x1  }
0xa1: {  	s23 =	simm.s32 $0x1B8B  }
0xa2: {  	_ =	swait.ge [sflag:s23], $0x1  }
0xa3: {  	[sflag:s23] =	ssyncset.done $0x0  }
0xa4: {  	s25 =	simm.s32 $0x1B8E;
	s24 =	sld [smem:$0x3FFE];
	[sflag:s23] =	ssyncadd.s32 $0xFFFFFFFF  }
0xa5: {  	s26 =	simm.s32 $execute0_lowered;
	[smem:$0x3FD2] =	sst s25  }
0xa6: {  	s5 =	sshll.u32 s26, $0x1;
	_ =	strace $0x80000046;
	[dreg:$0x1] =	wrdreg $0xFFFFFFFF  }
0xa7: {  	s28 =	simm.s32 $_size_execute0_lowered;
	s3 =	sadd.s32 s3, s5;
	[dreg:$0x0] =	wrdreg $0x0  }
0xa8: {  	s5 =	sshll.u32 s28, $0x1;
	[dreg:$0x2] =	wrdreg s3  }
0xa9: {  	[dreg:$0x3] =	wrdreg s5  }
0xaa: {  	[dreg:$0x4] =	wrdreg $0xC0  }
0xab: {  	_ =	task [dreg:s7], $0x5FFFF  }
0xac: {  	[dreg:$0x1] =	wrdreg $0xFFFFFFFF  }
0xad: {  	[dreg:$0x0] =	wrdreg $0x60  }
0xae: {  	[dreg:$0x2] =	wrdreg s24  }
0xaf: {  	[dreg:$0x3] =	wrdreg s2  }
0xb0: {  	[dreg:$0x4] =	wrdreg $0x58000  }
0xb1: {  	[dreg:$0x5] =	wrdreg $0x9  }
0xb2: {  	_ =	task.clear_ibuf [dreg:s7], $0x6FFFF;
	_ =	strace $0x90000046  }
0xb3: {  	s29 =	simm.s32 $0x9;
	_ =	strace $0x80000048  }
0xb4: {  	_ =	swait.ge [sflag:s29], $0x1  }
0xb5: {  	[sflag:s29] =	ssyncadd.s32 $0xFFFFFFFF  }
0xb6: {  	_ =	strace $0x90000048  }
0xb7: {  	_ =	sfence  }
0xb8: {  	s30 =	sld [smem:$0x0];
	_ =	sdelay $0x2  }
0xb9: {  	s31 =	sshll.u32 s1, $0xD;
	s1 =	sshrl.u32 s1, $0x2  }
0xba: {  	s3 =	sand.u32 $0x4000, s31;
	s1 =	sadd.s32 s1, s30  }
0xbb: {  	s0 =	sor.u32 s3, s0;
	s1 =	sshll.u32 s1, $0x11  }
0xbc: {  	s0 =	sor.u32 s1, s0  }
0xbd: {  	s0 =	sadd.s32 $0x8F2B, s0  }
0xbe: {  	[sflag:s0] =	ssyncadd.remote.s32 $0x1  }
0xbf: {  	_ =	sfence.sel $0xFFFF  }
0xc0: {  	[dreg:$0x0] =	wrdreg $0xFFFFFFFF;
	(pc) =	sbr.abs _section_cstart, $3  }
0xc1: {  	[dreg:$0x1] =	wrdreg $0xFFFFFFFF  }
0xc2: {  	_ =	task.clear_ibuf [dreg:s7], $0x2FFFF;
	_ =	strace $0x9FFFFFFF  }
0xc3: {  	(tm) =	ssettm $0x7FFFFFFF  }
tec
execute0_lowered:
.L_overlay_start_1:
0x0: {  	(tag) =	ssettag $0x1  }
0x1: {  	s5 =	rddreg [dreg:$0x0]  }
0x2: {  	s6 =	rddreg [dreg:$0x1]  }
0x3: {  	s2 =	rddreg [dreg:$0x2]  }
0x4: {  	s0 =	rddreg [dreg:$0x3]  }
0x5: {  	s1 =	stileid.u32;
	s3 =	simm.s32 $0x0;
	s7 =	srdreg.scid  }
0x6: {  	s13 =	simm.s32 $0x80;
	s16 =	simm.s32 $0x0;
	s4 =	smul.u32 $0xA00, s1  }
0x7: {  	[smem:$0x7FF] =	sst s3;
	s8 =	smul.u32 $0x2710, s1;
	s14 =	sand.u32 $0x1, s7  }
0x8: {  	s31 =	sshll.u32 s1, $0x6;
	_ =	strace $0x80000047;
	s7 =	ssub.s32 $0x2, s14  }
0x9: {  	p0 =	sne.s32 s14, $0x0;
	s14 =	simm.s32 $0x1;
	s9 =	sadd.s32 s4, s5  }
0xa: {  	s10 =	sshrl.u32 s8, $0x3;
	s11 =	sshrl.u32 s7, $0x1;
	s4 =	sadd.s32 $0xB400, s5  }
0xb: {  	s15 =	sadd.s32 s8, s2;
	s12 =	sadd.s32 s10, s5;
	s11 =	ssub.s32 s7, s11  }
0xc: {  	s5 =	sadd.s32 $0x1400, s9;
	s6 =	sadd.s32 s6, s10;
	s9 =	simm.s32 $0x2  }
0xd: {  	s10 =	simm.s32 $0x5000;
	s7 =	sadd.s32 $0xB600, s12;
	s8 =	smax.u32 s11, $0x1  }
0xe: {  	s11 =	sor.u32 $0x1C02, s31;
	s12 =	sshrl.u32 s15, $0x3;
	s15 =	sshrl.u32 @!p0 s15, $0x3  }
.LBB2_1:
0xf: {  	[tilespmem:s3], [sflag:$0x2] =	stream.linear.gather [hbm4b:s5+s3], $0x5000, $0x38;
	[tilespmem:$0x8000] =	vst v63  }
0x10: {  	_ =	swait.ge [sflag:s9], $0x5000  }
0x11: {  	[sflag:s9] =	ssyncset.done $0x0  }
0x12: {  	[sflag:s9] =	ssyncadd.s32 $0xFFFFB000  }
0x13: {  	[tilespmem:s10], [sflag:$0x2] =	stream.linear.gather [hbm4b:s4+s3], $0x800, $0x38;
	[tilespmem:$0x8000] =	vst v63  }
0x14: {  	_ =	swait.ge [sflag:s9], $0x800  }
0x15: {  	[sflag:s9] =	ssyncset.done $0x0  }
0x16: {  	[sflag:s9] =	ssyncadd.s32 $0xFFFFF800  }
0x17: {  	[spmem:s12], [sflag:s11] =	dma.local [hbm:s6], $0x4E2  }
0x18: {  	_ =	swait.ge [sflag:s9], $0x4E2  }
0x19: {  	[sflag:s9] =	ssyncset.done $0x0  }
0x1a: {  	[sflag:s9] =	ssyncadd.s32 $0xFFFFFB1E  }
0x1b: {  	s17 =	simm.s32 $0x0;
	[bflag:$0x0] =	sbarrier.arrive $0xFFFF  }
0x1c: {  	[spmem:s2] =	stream.indirect.scatter.add.f32 [tilespmem:s10], [sflag:$0x1], $0x10, s17, s13, $0xb8;
	[tilespmem:$0x8000] =	vst v63  }
0x1d: {  	s24 =	simm.s32 $0x80  }
0x1e: {  	[spmem:s2] =	stream.indirect.scatter.add.f32 [tilespmem:s10], [sflag:$0x1], $0x10, s24, s13, $0xb8;
	[tilespmem:$0x8000] =	vst v63  }
0x1f: {  	s25 =	simm.s32 $0x100  }
0x20: {  	[spmem:s2] =	stream.indirect.scatter.add.f32 [tilespmem:s10], [sflag:$0x1], $0x10, s25, s13, $0xb8;
	[tilespmem:$0x8000] =	vst v63  }
0x21: {  	s26 =	simm.s32 $0x180  }
0x22: {  	[spmem:s2] =	stream.indirect.scatter.add.f32 [tilespmem:s10], [sflag:$0x1], $0x10, s26, s13, $0xb8;
	[tilespmem:$0x8000] =	vst v63  }
0x23: {  	s28 =	simm.s32 $0x200  }
0x24: {  	[spmem:s2] =	stream.indirect.scatter.add.f32 [tilespmem:s10], [sflag:$0x1], $0x10, s28, s13, $0xb8;
	[tilespmem:$0x8000] =	vst v63  }
0x25: {  	s29 =	simm.s32 $0x280  }
0x26: {  	[spmem:s2] =	stream.indirect.scatter.add.f32 [tilespmem:s10], [sflag:$0x1], $0x10, s29, s13, $0xb8;
	[tilespmem:$0x8000] =	vst v63  }
0x27: {  	s30 =	simm.s32 $0x300  }
0x28: {  	[spmem:s2] =	stream.indirect.scatter.add.f32 [tilespmem:s10], [sflag:$0x1], $0x10, s30, s13, $0xb8;
	[tilespmem:$0x8000] =	vst v63  }
0x29: {  	s31 =	simm.s32 $0x380  }
0x2a: {  	[spmem:s2] =	stream.indirect.scatter.add.f32 [tilespmem:s10], [sflag:$0x1], $0x10, s31, s13, $0xb8;
	[tilespmem:$0x8000] =	vst v63  }
0x2b: {  	_ =	swait.ge [sflag:s14], $0x800  }
0x2c: {  	[sflag:s14] =	ssyncset.done $0x0  }
0x2d: {  	[sflag:s14] =	ssyncadd.s32 $0xFFFFF800  }
0x2e: {  	_ =	swait.ge [sflag:s14], $0x800  }
0x2f: {  	[sflag:s14] =	ssyncset.done $0x0  }
0x30: {  	[sflag:s14] =	ssyncadd.s32 $0xFFFFF800  }
0x31: {  	_ =	swait.ge [sflag:s14], $0x800  }
0x32: {  	[sflag:s14] =	ssyncset.done $0x0  }
0x33: {  	[sflag:s14] =	ssyncadd.s32 $0xFFFFF800  }
0x34: {  	_ =	swait.ge [sflag:s14], $0x800  }
0x35: {  	[sflag:s14] =	ssyncset.done $0x0  }
0x36: {  	[sflag:s14] =	ssyncadd.s32 $0xFFFFF800  }
0x37: {  	_ =	swait.ge [sflag:s14], $0x800  }
0x38: {  	[sflag:s14] =	ssyncset.done $0x0  }
0x39: {  	[sflag:s14] =	ssyncadd.s32 $0xFFFFF800  }
0x3a: {  	_ =	swait.ge [sflag:s14], $0x800  }
0x3b: {  	[sflag:s14] =	ssyncset.done $0x0  }
0x3c: {  	[sflag:s14] =	ssyncadd.s32 $0xFFFFF800  }
0x3d: {  	_ =	swait.ge [sflag:s14], $0x800  }
0x3e: {  	[sflag:s14] =	ssyncset.done $0x0  }
0x3f: {  	[sflag:s14] =	ssyncadd.s32 $0xFFFFF800  }
0x40: {  	_ =	swait.ge [sflag:s14], $0x800  }
0x41: {  	s19 =	simm.s32 $0x2000;
	s17 =	simm.s32 $0x1000;
	[sflag:s14] =	ssyncset.done $0x0  }
.LBB2_2:
0x42: {  	s20 =	sshra.s32 s17, $0x2  }
0x43: {  	[sflag:s14] =	ssyncadd.s32 $0xFFFFF800;
	s17 =	smov.u32 s19;
	s18 =	sadd.s32 $0x1000, s19  }
0x44: {  	[spmem:s2] =	stream.indirect.scatter.add.f32 [tilespmem:s10], [sflag:$0x1], $0x10, s20, s13, $0xb8;
	[tilespmem:$0x8000] =	vst v63  }
0x45: {  	p1 =	sne.s32 s19, $0x13000;
	s19 =	sadd.s32 $0x80, s20  }
0x46: {  	[spmem:s2] =	stream.indirect.scatter.add.f32 [tilespmem:s10], [sflag:$0x1], $0x10, s19, s13, $0xb8;
	[tilespmem:$0x8000] =	vst v63  }
0x47: {  	s19 =	sadd.s32 $0x100, s20  }
0x48: {  	[spmem:s2] =	stream.indirect.scatter.add.f32 [tilespmem:s10], [sflag:$0x1], $0x10, s19, s13, $0xb8;
	[tilespmem:$0x8000] =	vst v63  }
0x49: {  	s19 =	sadd.s32 $0x180, s20  }
0x4a: {  	[spmem:s2] =	stream.indirect.scatter.add.f32 [tilespmem:s10], [sflag:$0x1], $0x10, s19, s13, $0xb8;
	[tilespmem:$0x8000] =	vst v63  }
0x4b: {  	s19 =	sadd.s32 $0x200, s20  }
0x4c: {  	[spmem:s2] =	stream.indirect.scatter.add.f32 [tilespmem:s10], [sflag:$0x1], $0x10, s19, s13, $0xb8;
	[tilespmem:$0x8000] =	vst v63  }
0x4d: {  	s19 =	sadd.s32 $0x280, s20  }
0x4e: {  	[spmem:s2] =	stream.indirect.scatter.add.f32 [tilespmem:s10], [sflag:$0x1], $0x10, s19, s13, $0xb8;
	[tilespmem:$0x8000] =	vst v63  }
0x4f: {  	s19 =	sadd.s32 $0x300, s20  }
0x50: {  	[spmem:s2] =	stream.indirect.scatter.add.f32 [tilespmem:s10], [sflag:$0x1], $0x10, s19, s13, $0xb8;
	[tilespmem:$0x8000] =	vst v63  }
0x51: {  	s19 =	sadd.s32 $0x380, s20  }
0x52: {  	[spmem:s2] =	stream.indirect.scatter.add.f32 [tilespmem:s10], [sflag:$0x1], $0x10, s19, s13, $0xb8;
	[tilespmem:$0x8000] =	vst v63  }
0x53: {  	_ =	swait.ge [sflag:s14], $0x800  }
0x54: {  	[sflag:s14] =	ssyncset.done $0x0  }
0x55: {  	[sflag:s14] =	ssyncadd.s32 $0xFFFFF800  }
0x56: {  	_ =	swait.ge [sflag:s14], $0x800  }
0x57: {  	[sflag:s14] =	ssyncset.done $0x0  }
0x58: {  	[sflag:s14] =	ssyncadd.s32 $0xFFFFF800  }
0x59: {  	_ =	swait.ge [sflag:s14], $0x800  }
0x5a: {  	[sflag:s14] =	ssyncset.done $0x0  }
0x5b: {  	[sflag:s14] =	ssyncadd.s32 $0xFFFFF800  }
0x5c: {  	_ =	swait.ge [sflag:s14], $0x800  }
0x5d: {  	[sflag:s14] =	ssyncset.done $0x0  }
0x5e: {  	[sflag:s14] =	ssyncadd.s32 $0xFFFFF800  }
0x5f: {  	_ =	swait.ge [sflag:s14], $0x800  }
0x60: {  	[sflag:s14] =	ssyncset.done $0x0  }
0x61: {  	[sflag:s14] =	ssyncadd.s32 $0xFFFFF800  }
0x62: {  	_ =	swait.ge [sflag:s14], $0x800  }
0x63: {  	[sflag:s14] =	ssyncset.done $0x0  }
0x64: {  	[sflag:s14] =	ssyncadd.s32 $0xFFFFF800  }
.Ltmp0:
0x65: {  	_ =	swait.ge [sflag:s14], $0x800;
	(pc) =	sbr.rel @p1 .LBB2_2-.Ltmp0, $4  }
0x66: {  	[sflag:s14] =	ssyncset.done $0x0  }
0x67: {  	[sflag:s14] =	ssyncadd.s32 $0xFFFFF800  }
0x68: {  	_ =	swait.ge [sflag:s14], $0x800  }
0x69: {  	s19 =	smov.u32 s18;
	[sflag:s14] =	ssyncset.done $0x0  }
0x6a: {  	s17 =	sshra.s32 s17, $0x2;
	[sflag:s14] =	ssyncadd.s32 $0xFFFFF800  }
0x6b: {  	[spmem:s2] =	stream.indirect.scatter.add.f32 [tilespmem:s10], [sflag:$0x1], $0x10, s17, s13, $0xb8;
	[tilespmem:$0x8000] =	vst v63  }
0x6c: {  	s18 =	sadd.s32 $0x80, s17  }
0x6d: {  	[spmem:s2] =	stream.indirect.scatter.add.f32 [tilespmem:s10], [sflag:$0x1], $0x10, s18, s13, $0xb8;
	[tilespmem:$0x8000] =	vst v63  }
0x6e: {  	s26 =	sadd.s32 $0x100, s17  }
0x6f: {  	[spmem:s2] =	stream.indirect.scatter.add.f32 [tilespmem:s10], [sflag:$0x1], $0x10, s26, s13, $0xb8;
	[tilespmem:$0x8000] =	vst v63  }
0x70: {  	s28 =	sadd.s32 $0x180, s17  }
0x71: {  	[spmem:s2] =	stream.indirect.scatter.add.f32 [tilespmem:s10], [sflag:$0x1], $0x10, s28, s13, $0xb8;
	[tilespmem:$0x8000] =	vst v63  }
0x72: {  	s29 =	sadd.s32 $0x200, s17  }
0x73: {  	[spmem:s2] =	stream.indirect.scatter.add.f32 [tilespmem:s10], [sflag:$0x1], $0x10, s29, s13, $0xb8;
	[tilespmem:$0x8000] =	vst v63  }
0x74: {  	s30 =	sadd.s32 $0x280, s17  }
0x75: {  	[spmem:s2] =	stream.indirect.scatter.add.f32 [tilespmem:s10], [sflag:$0x1], $0x10, s30, s13, $0xb8;
	[tilespmem:$0x8000] =	vst v63  }
0x76: {  	s31 =	sadd.s32 $0x300, s17  }
0x77: {  	[spmem:s2] =	stream.indirect.scatter.add.f32 [tilespmem:s10], [sflag:$0x1], $0x10, s31, s13, $0xb8;
	[tilespmem:$0x8000] =	vst v63  }
0x78: {  	s17 =	sadd.s32 $0x380, s17  }
0x79: {  	[spmem:s2] =	stream.indirect.scatter.add.f32 [tilespmem:s10], [sflag:$0x1], $0x10, s17, s13, $0xb8;
	[tilespmem:$0x8000] =	vst v63  }
0x7a: {  	_ =	swait.ge [sflag:s14], $0x800  }
0x7b: {  	[sflag:s14] =	ssyncset.done $0x0  }
0x7c: {  	[sflag:s14] =	ssyncadd.s32 $0xFFFFF800  }
0x7d: {  	_ =	swait.ge [sflag:s14], $0x800  }
0x7e: {  	[sflag:s14] =	ssyncset.done $0x0  }
0x7f: {  	[sflag:s14] =	ssyncadd.s32 $0xFFFFF800  }
0x80: {  	_ =	swait.ge [sflag:s14], $0x800  }
0x81: {  	[sflag:s14] =	ssyncset.done $0x0  }
0x82: {  	[sflag:s14] =	ssyncadd.s32 $0xFFFFF800  }
0x83: {  	_ =	swait.ge [sflag:s14], $0x800  }
0x84: {  	[sflag:s14] =	ssyncset.done $0x0  }
0x85: {  	[sflag:s14] =	ssyncadd.s32 $0xFFFFF800  }
0x86: {  	_ =	swait.ge [sflag:s14], $0x800  }
0x87: {  	[sflag:s14] =	ssyncset.done $0x0  }
0x88: {  	[sflag:s14] =	ssyncadd.s32 $0xFFFFF800  }
0x89: {  	_ =	swait.ge [sflag:s14], $0x800  }
0x8a: {  	[sflag:s14] =	ssyncset.done $0x0  }
0x8b: {  	[sflag:s14] =	ssyncadd.s32 $0xFFFFF800  }
0x8c: {  	_ =	swait.ge [sflag:s14], $0x800  }
0x8d: {  	[sflag:s14] =	ssyncset.done $0x0  }
0x8e: {  	[sflag:s14] =	ssyncadd.s32 $0xFFFFF800  }
0x8f: {  	_ =	swait.ge [sflag:s14], $0x800  }
0x90: {  	s16 =	sadd.s32 $0x1, s16;
	[sflag:s14] =	ssyncset.done $0x0  }
0x91: {  	p1 =	sne.s32 s16, s8;
	[sflag:s14] =	ssyncadd.s32 $0xFFFFF800  }
.Ltmp1:
0x92: {  	s17 =	simm.s32 @!p0 $0x2;
	[bflag:$0x0] =	sbarrier.arrive $0xFFFF;
	(pc) =	sbr.rel @p1 .LBB2_1-.Ltmp1, $4  }
0x93: {  	[hbm:s7], [sflag:s11] =	dma.local @!p0 [spmem:s15], $0x4E2  }
0x94: {  	_ =	swait.ge @!p0 [sflag:s17], $0x4E2  }
0x95: {  	[sflag:s17] =	ssyncset.done @!p0 $0x0  }
0x96: {  	[sflag:s17] =	ssyncadd.s32 @!p0 $0xFFFFFB1E  }
0x97: {  	_ =	sfence.sel $0x180000  }
0x98: {  	[bflag:$0x0] =	sbarrier.arrive $0xFFFF  }
0x99: {  	p0 =	sne.s32 s1, $0x0;
	_ =	strace $0x90000047  }
0x9a: {  	s0 =	sadd.s32 @!p0 $0x100000, s0;
	[bflag:$0x2] =	sbarrier.arrive $0xFFFF  }
0x9b: {  	[sflag:s0] =	ssyncadd.tile.s32 @!p0 $0x1;
	_ =	shalt  }
.Lfunc_end2:
_tile_overlayer_lowered:
.L_overlay_start_2:
0x9c: {  	(tag) =	ssettag $0x2  }
0x9d: {  	s0 =	rddreg [dreg:$0x0];
	s2 =	stileid.u32  }
0x9e: {  	s1 =	rddreg [dreg:$0x1];
	p0 =	sne.s32 s2, $0x0  }
0x9f: {  	s3 =	rddreg [dreg:$0x2];
	[bflag:$0x3] =	sbarrier.arrive $0xFFFF;
	s2 =	simm.s32 @!p0 $0x1C02  }
0xa0: {  	[timem:s3], [sflag:s2] =	dma.local @!p0 [hbm:s0], s1  }
0xa1: {  	s0 =	simm.s32 @!p0 $0x2  }
0xa2: {  	_ =	swait.ge @!p0 [sflag:s0], s1  }
0xa3: {  	s1 =	ssub.s32 @!p0 $0x0, s1;
	[sflag:s0] =	ssyncset.done @!p0 $0x0  }
0xa4: {  	[sflag:s0] =	ssyncadd.s32 @!p0 s1  }
0xa5: {  	[bflag:$0x3] =	sbarrier.arrive $0xFFFF  }
0xa6: {  	_ =	shalt  }

</sc_bundles>
